<compile_context>
chip_gen: v7x
topology: tpu7x:2x2x1
jax: 0.10.2.dev20260603
libtpu: 0.0.44.dev20260713+nightly
codegen_flags: <defaults>
</compile_context>

<pallas_src>
import functools

import jax
import jax.numpy as jnp
from jax import lax
from jax.experimental import pallas as pl
from jax.experimental.pallas import tpu as pltpu
from jax.experimental.pallas import tpu_sc as plsc

N = 10000
E = 320000
D = 128
H = 256
T = 4096

NC = 2
NS = 16
CH = 128
EPAD = 327680
IDPAD = 12288
KC = 160
NH = N // NC
NAH = 5376

_mesh = plsc.VectorSubcoreMesh(
    core_axis_name="c", subcore_axis_name="s", num_cores=NC, num_subcores=NS)



@functools.partial(
    pl.kernel,
    out_type=(
        jax.ShapeDtypeStruct((IDPAD, D), jnp.float32),
        jax.ShapeDtypeStruct((NC, NAH, D), jnp.float32),
    ),
    mesh=_mesh,
    scratch_types=(
        pltpu.VMEM((3, CH), jnp.int32),
        pltpu.VMEM((3 * CH, D), jnp.float32),
        pltpu.VMEM((CH, D), jnp.float32),
        pltpu.VMEM((KC, CH), jnp.int32),
        pltpu.VMEM_SHARED((NAH, D), jnp.float32),
        pltpu.SemaphoreType.DMA,
    ),
)
def _sc_gather_deg(emb_h, ids_h, dst_h, ones_h, zacc_h,
                   h0_out, deg_out, idx_v, rows_v, ones_v, didx_v, dacc, sem):
    c = lax.axis_index("c")
    s = lax.axis_index("s")
    wid = c * NS + s
    own = pl.ds(s * (NAH // NS), NAH // NS)
    pltpu.sync_copy(ids_h.at[wid], idx_v)
    for k in range(3):
        pltpu.async_copy(emb_h.at[idx_v.at[k]], rows_v.at[pl.ds(k * CH, CH)],
                         sem).wait()
    pltpu.sync_copy(rows_v, h0_out.at[pl.ds(wid * 3 * CH, 3 * CH)])
    pltpu.sync_copy(zacc_h, dacc.at[own])
    pltpu.sync_copy(ones_h, ones_v)
    pltpu.sync_copy(dst_h.at[c, s], didx_v)
    plsc.subcore_barrier()

    @pl.loop(0, KC)
    def _(k):
        pltpu.sync_copy(ones_v, dacc.at[didx_v.at[k]], add=True)

    plsc.subcore_barrier()
    pltpu.sync_copy(dacc.at[own], deg_out.at[c, own])


def _make_sc_agg(spc):

    @functools.partial(
        pl.kernel,
        out_type=jax.ShapeDtypeStruct((NC, spc, NAH, D), jnp.float32),
        mesh=_mesh,
        scratch_types=(
            pltpu.VMEM((KC, CH), jnp.int32),
            pltpu.VMEM((KC, CH), jnp.int32),
            pltpu.VMEM((2, CH, D), jnp.float32),
            pltpu.VMEM_SHARED((NAH, D), jnp.float32),
            pltpu.SemaphoreType.DMA,
            pltpu.SemaphoreType.DMA,
        ),
    )
    def agg(table_h, src_h, dst_h, zeros_h, out_h, sidx, didx, rows, acc,
            sem0, sem1):
        c = lax.axis_index("c")
        s = lax.axis_index("s")
        own = pl.ds(s * (NAH // NS), NAH // NS)
        pltpu.sync_copy(dst_h.at[c, s], didx)
        pltpu.sync_copy(zeros_h, acc.at[own])
        sems = (sem0, sem1)
        for j in range(spc):
            pltpu.sync_copy(src_h.at[j, s], sidx)
            plsc.subcore_barrier()
            for b in range(2):
                pltpu.async_copy(table_h.at[sidx.at[b]], rows.at[b], sems[b])

            @pl.loop(0, KC, step=2)
            def _(g):
                for b in range(2):
                    k = g + b
                    pltpu.make_async_copy(table_h.at[sidx.at[0]], rows.at[b],
                                          sems[b]).wait()
                    pltpu.sync_copy(rows.at[b], acc.at[didx.at[k]], add=True)

                    @pl.when(k + 2 < KC)
                    def _():
                        pltpu.async_copy(table_h.at[sidx.at[k + 2]],
                                         rows.at[b], sems[b])

            plsc.subcore_barrier()
            pltpu.sync_copy(acc.at[own], out_h.at[c, j, own])
            if j + 1 < spc:
                pltpu.sync_copy(zeros_h, acc.at[own])

    return agg


_sc_agg0 = _make_sc_agg(1)
_sc_agg1 = _make_sc_agg(2)


@functools.partial(
    pl.kernel,
    out_type=jax.ShapeDtypeStruct((2 * T, H), jnp.float32),
    mesh=_mesh,
    scratch_types=(
        pltpu.VMEM((2, CH), jnp.int32),
        pltpu.VMEM((2 * CH, H), jnp.float32),
        pltpu.SemaphoreType.DMA,
    ),
)
def _sc_target_gather(h2_h, tidx_h, out_h, idx_v, rows_v, sem):
    c = lax.axis_index("c")
    s = lax.axis_index("s")
    wid = c * NS + s
    pltpu.sync_copy(tidx_h.at[wid], idx_v)
    for k in range(2):
        pltpu.async_copy(h2_h.at[idx_v.at[k]], rows_v.at[pl.ds(k * CH, CH)],
                         sem).wait()
    pltpu.sync_copy(rows_v, out_h.at[pl.ds(wid * 2 * CH, 2 * CH)])



_G = 10
_CT = N // _G
_GT = 4
_CTT = T // _GT


_DEG_SPEC = pl.BlockSpec((1, _CT, D), lambda i: (i // 5, i % 5, 0))


def _dinv_of(degp):
    return lax.rsqrt(degp[0, :, 0:1] + 1.0)


def _bf(x):
    return x.astype(jnp.bfloat16).astype(jnp.float32)


def _tc_prep(h0, degp, wr, br):
    def body(h0_r, degp_r, wr_r, br_r, xs0_r, res_r):
        dinv = _dinv_of(degp_r[...])
        h0b = _bf(h0_r[...])
        xs0_r[...] = h0b * dinv
        res_r[...] = jnp.dot(h0b, wr_r[...],
                             preferred_element_type=jnp.float32, precision=lax.Precision.HIGHEST) + br_r[...]

    return pl.pallas_call(
        body,
        grid=(_G,),
        in_specs=[
            pl.BlockSpec((_CT, D), lambda i: (i, 0)),
            _DEG_SPEC,
            pl.BlockSpec((D, H), lambda i: (0, 0)),
            pl.BlockSpec((1, H), lambda i: (0, 0)),
        ],
        out_specs=[
            pl.BlockSpec((_CT, D), lambda i: (i, 0)),
            pl.BlockSpec((_CT, H), lambda i: (i, 0)),
        ],
        out_shape=[
            jax.ShapeDtypeStruct((N, D), jnp.float32),
            jax.ShapeDtypeStruct((N, H), jnp.float32),
        ],
    )(h0, degp, wr, br)


def _tc_mm_stats(layer):

    def body(aggp_r, xs_r, degp_r, w_r, b_r, y_r, st_r):
        i = pl.program_id(0)
        dinv = _dinv_of(degp_r[...])
        if layer == 0:
            a = (aggp_r[0, 0] + xs_r[...]) * dinv
        else:
            a = jnp.concatenate([(aggp_r[0, 0] + xs_r[0]) * dinv,
                                 (aggp_r[0, 1] + xs_r[1]) * dinv], axis=1)
        y = jnp.dot(a, w_r[...], preferred_element_type=jnp.float32,
                    precision=lax.Precision.HIGHEST) + b_r[...]
        y_r[...] = y
        ps = jnp.concatenate([jnp.sum(y, axis=0, keepdims=True),
                              jnp.sum(y * y, axis=0, keepdims=True)], axis=0)

        @pl.when(i == 0)
        def _():
            st_r[...] = ps

        @pl.when(i > 0)
        def _():
            st_r[...] = st_r[...] + ps

    din = D if layer == 0 else H
    spc = 1 if layer == 0 else 2
    xs_spec = (pl.BlockSpec((_CT, D), lambda i: (i, 0)) if layer == 0 else
               pl.BlockSpec((NC, _CT, D), lambda i: (0, i, 0)))

    def run(aggp, xs, degp, w, b):
        return pl.pallas_call(
            body,
            grid=(_G,),
            in_specs=[
                pl.BlockSpec((1, spc, _CT, D),
                             lambda i: (i // 5, 0, i % 5, 0)),
                xs_spec,
                _DEG_SPEC,
                pl.BlockSpec((din, H), lambda i: (0, 0)),
                pl.BlockSpec((1, H), lambda i: (0, 0)),
            ],
            out_specs=[
                pl.BlockSpec((_CT, H), lambda i: (i, 0)),
                pl.BlockSpec((2, H), lambda i: (0, 0)),
            ],
            out_shape=[
                jax.ShapeDtypeStruct((N, H), jnp.float32),
                jax.ShapeDtypeStruct((2, H), jnp.float32),
            ],
        )(aggp, xs, degp, w, b)

    return run


_tc_mm0 = _tc_mm_stats(0)
_tc_mm1 = _tc_mm_stats(1)


def _tc_bn_res(emit_xs):

    def body(*refs):
        if emit_xs:
            y_r, st_r, g_r, bb_r, res_r, degp_r, h_r, xs_r = refs
        else:
            y_r, st_r, g_r, bb_r, res_r, degp_r, h_r = refs
        m = st_r[0:1, :] * (1.0 / N)
        v = st_r[1:2, :] * (1.0 / N) - m * m
        yn = (y_r[...] - m) * lax.rsqrt(v + 1e-5) * g_r[...] + bb_r[...]
        h = jnp.maximum(yn, 0.0) + res_r[...]
        h_r[...] = h
        if emit_xs:
            dinv = _dinv_of(degp_r[...])
            xs = _bf(h) * dinv
            xs_r[0] = xs[:, :D]
            xs_r[1] = xs[:, D:]

    out_specs = [pl.BlockSpec((_CT, H), lambda i: (i, 0))]
    out_shape = [jax.ShapeDtypeStruct((N, H), jnp.float32)]
    if emit_xs:
        out_specs.append(pl.BlockSpec((NC, _CT, D), lambda i: (0, i, 0)))
        out_shape.append(jax.ShapeDtypeStruct((NC, N, D), jnp.float32))

    def run(y, st, g, bb, res, degp):
        return pl.pallas_call(
            body,
            grid=(_G,),
            in_specs=[
                pl.BlockSpec((_CT, H), lambda i: (i, 0)),
                pl.BlockSpec((2, H), lambda i: (0, 0)),
                pl.BlockSpec((1, H), lambda i: (0, 0)),
                pl.BlockSpec((1, H), lambda i: (0, 0)),
                pl.BlockSpec((_CT, H), lambda i: (i, 0)),
                _DEG_SPEC,
            ],
            out_specs=out_specs,
            out_shape=out_shape,
        )(y, st, g, bb, res, degp)

    return run


_tc_bn0 = _tc_bn_res(True)
_tc_bn1 = _tc_bn_res(False)


def _tc_cls1(embs, txf, wtx, btx, w1a, w1b, b1):
    def body(e_r, t_r, wtx_r, btx_r, w1a_r, w1b_r, b1_r, y_r, st_r):
        i = pl.program_id(0)
        tx = jnp.maximum(
            jnp.dot(_bf(t_r[...]), wtx_r[...], preferred_element_type=jnp.float32, precision=lax.Precision.HIGHEST)
            + btx_r[...], 0.0)
        y = (jnp.dot(_bf(e_r[...]), w1a_r[...], preferred_element_type=jnp.float32, precision=lax.Precision.HIGHEST)
             + jnp.dot(_bf(tx), w1b_r[...], preferred_element_type=jnp.float32, precision=lax.Precision.HIGHEST)
             + b1_r[...])
        y_r[...] = y
        ps = jnp.concatenate([jnp.sum(y, axis=0, keepdims=True),
                              jnp.sum(y * y, axis=0, keepdims=True)], axis=0)

        @pl.when(i == 0)
        def _():
            st_r[...] = ps

        @pl.when(i > 0)
        def _():
            st_r[...] = st_r[...] + ps

    return pl.pallas_call(
        body,
        grid=(_GT,),
        in_specs=[
            pl.BlockSpec((_CTT, 2 * H), lambda i: (i, 0)),
            pl.BlockSpec((_CTT, 32), lambda i: (i, 0)),
            pl.BlockSpec((32, 64), lambda i: (0, 0)),
            pl.BlockSpec((1, 64), lambda i: (0, 0)),
            pl.BlockSpec((2 * H, H), lambda i: (0, 0)),
            pl.BlockSpec((64, H), lambda i: (0, 0)),
            pl.BlockSpec((1, H), lambda i: (0, 0)),
        ],
        out_specs=[
            pl.BlockSpec((_CTT, H), lambda i: (i, 0)),
            pl.BlockSpec((2, H), lambda i: (0, 0)),
        ],
        out_shape=[
            jax.ShapeDtypeStruct((T, H), jnp.float32),
            jax.ShapeDtypeStruct((2, H), jnp.float32),
        ],
    )(embs, txf, wtx, btx, w1a, w1b, b1)


def _tc_cls2(y, st, g, bb, w2, b2):
    def body(y_r, st_r, g_r, bb_r, w2_r, b2_r, y2_r, st2_r):
        i = pl.program_id(0)
        m = st_r[0:1, :] * (1.0 / T)
        v = st_r[1:2, :] * (1.0 / T) - m * m
        z = jnp.maximum((y_r[...] - m) * lax.rsqrt(v + 1e-5) * g_r[...]
                        + bb_r[...], 0.0)
        y2 = jnp.dot(_bf(z), w2_r[...], preferred_element_type=jnp.float32, precision=lax.Precision.HIGHEST) + b2_r[...]
        y2_r[...] = y2
        ps = jnp.concatenate([jnp.sum(y2, axis=0, keepdims=True),
                              jnp.sum(y2 * y2, axis=0, keepdims=True)], axis=0)

        @pl.when(i == 0)
        def _():
            st2_r[...] = ps

        @pl.when(i > 0)
        def _():
            st2_r[...] = st2_r[...] + ps

    return pl.pallas_call(
        body,
        grid=(_GT,),
        in_specs=[
            pl.BlockSpec((_CTT, H), lambda i: (i, 0)),
            pl.BlockSpec((2, H), lambda i: (0, 0)),
            pl.BlockSpec((1, H), lambda i: (0, 0)),
            pl.BlockSpec((1, H), lambda i: (0, 0)),
            pl.BlockSpec((H, H // 2), lambda i: (0, 0)),
            pl.BlockSpec((1, H // 2), lambda i: (0, 0)),
        ],
        out_specs=[
            pl.BlockSpec((_CTT, H // 2), lambda i: (i, 0)),
            pl.BlockSpec((2, H // 2), lambda i: (0, 0)),
        ],
        out_shape=[
            jax.ShapeDtypeStruct((T, H // 2), jnp.float32),
            jax.ShapeDtypeStruct((2, H // 2), jnp.float32),
        ],
    )(y, st, g, bb, w2, b2)


def _tc_cls3(y2, st2, g2, bb2, w3, b3):
    def body(y_r, st_r, g_r, bb_r, w3_r, b3_r, z_r):
        m = st_r[0:1, :] * (1.0 / T)
        v = st_r[1:2, :] * (1.0 / T) - m * m
        z = jnp.maximum((y_r[...] - m) * lax.rsqrt(v + 1e-5) * g_r[...]
                        + bb_r[...], 0.0)
        z_r[...] = jnp.dot(_bf(z), w3_r[...],
                           preferred_element_type=jnp.float32, precision=lax.Precision.HIGHEST) + b3_r[...]

    return pl.pallas_call(
        body,
        grid=(_GT,),
        in_specs=[
            pl.BlockSpec((_CTT, H // 2), lambda i: (i, 0)),
            pl.BlockSpec((2, H // 2), lambda i: (0, 0)),
            pl.BlockSpec((1, H // 2), lambda i: (0, 0)),
            pl.BlockSpec((1, H // 2), lambda i: (0, 0)),
            pl.BlockSpec((H // 2, 1), lambda i: (0, 0)),
            pl.BlockSpec((1, 1), lambda i: (0, 0)),
        ],
        out_specs=pl.BlockSpec((_CTT, 1), lambda i: (i, 0)),
        out_shape=jax.ShapeDtypeStruct((T, 1), jnp.float32),
    )(y2, st2, g2, bb2, w3, b3)




def kernel(params, x_node_global_ids, edge_index, target_node_idx,
           target_tx_features):
    f32 = jnp.float32
    row = edge_index[0].astype(jnp.int32)
    col = edge_index[1].astype(jnp.int32)
    ids = x_node_global_ids.astype(jnp.int32)

    ids_p = jnp.concatenate(
        [ids, jnp.zeros((IDPAD - N,), jnp.int32)]).reshape(NC * NS, 3, CH)
    rowp = jnp.concatenate([row, jnp.zeros((EPAD - E,), jnp.int32)])
    colp = jnp.concatenate([col, jnp.full((EPAD - E,), N, jnp.int32)])
    row16 = rowp.reshape(NS, KC, CH)
    src0 = row16.reshape(1, NS, KC, CH)
    src1 = jnp.stack([row16, row16 + N])
    dst = jnp.stack([
        jnp.where((colp >= c * NH) & (colp < c * NH + NH), colp - c * NH, NH)
        for c in range(NC)]).reshape(NC, NS, KC, CH)
    tidx = target_node_idx.astype(jnp.int32).reshape(NC * NS, 2, CH)

    ones = jnp.ones((CH, D), f32)
    zacc = jnp.zeros((NAH // NS, D), f32)

    p = params
    b_of = lambda lin: lin["b"].reshape(1, -1)
    wb = lambda w: w.astype(jnp.bfloat16).astype(f32)

    h0p, degp = _sc_gather_deg(p["emb"], ids_p, dst, ones, zacc)
    h0 = h0p[:N]

    xs0, res = _tc_prep(h0, degp, wb(p["res0"]["W"]), b_of(p["res0"]))
    agg0 = _sc_agg0(xs0, src0, dst, zacc)
    y0, st0 = _tc_mm0(agg0, xs0, degp, wb(p["convs"][0]["W"]), b_of(p["convs"][0]))
    h1, xs12 = _tc_bn0(y0, st0, p["bns"][0]["g"].reshape(1, H),
                       p["bns"][0]["b"].reshape(1, H), res, degp)

    agg1 = _sc_agg1(xs12.reshape(2 * N, D), src1, dst, zacc)
    y1, st1 = _tc_mm1(agg1, xs12, degp, wb(p["convs"][1]["W"]), b_of(p["convs"][1]))
    h2 = _tc_bn1(y1, st1, p["bns"][1]["g"].reshape(1, H),
                 p["bns"][1]["b"].reshape(1, H), h1, degp)[0]

    te = _sc_target_gather(h2, tidx)
    embs = te.reshape(T, 2 * H)
    c = p["cls"]
    w1 = c["l1"]["W"]
    y3, st3 = _tc_cls1(embs, target_tx_features, wb(p["tx"]["W"]), b_of(p["tx"]),
                       wb(w1[:2 * H]), wb(w1[2 * H:]), b_of(c["l1"]))
    y4, st4 = _tc_cls2(y3, st3, c["bn1"]["g"].reshape(1, H),
                       c["bn1"]["b"].reshape(1, H), wb(c["l2"]["W"]), b_of(c["l2"]))
    z = _tc_cls3(y4, st4, c["bn2"]["g"].reshape(1, H // 2),
                 c["bn2"]["b"].reshape(1, H // 2), wb(c["l3"]["W"]), b_of(c["l3"]))
    return z

# --- scband reference (transcript-rebuilt; emitter-appended) ---
"""Pipeline reference for scband-py-gtemporal-gnn-70832600645744 (READ-ONLY COPY).

The authoritative reference and input builder live on the scoring server;
editing this copy changes nothing except your own understanding.
"""

import jax, jax.numpy as jnp
import numpy as np

N = 10000
E = 320000
VOCAB = 1000000
D_EMB = 128
H = 256
L = 2
T = 4096
F_TX = 32
D_TX = 64


def _lin(k, i, o):
    return {"W": jax.random.normal(k, (i, o), jnp.float32) / np.sqrt(i), "b": jnp.zeros((o,), jnp.float32)}


def setup_inputs(seed: int = 0):
    key = jax.random.key(seed)
    ks = jax.random.split(key, 16)
    x_node_global_ids = jax.random.randint(ks[0], (N,), 0, VOCAB)
    edge_index = jax.random.randint(ks[1], (2, E), 0, N)
    target_node_idx = jax.random.randint(ks[2], (2 * T,), 0, N)
    target_tx_features = jax.random.normal(ks[3], (T, F_TX), jnp.float32)
    params = {
        "emb": jax.random.normal(ks[4], (VOCAB, D_EMB), jnp.float32) * 0.02,
        "tx": _lin(ks[5], F_TX, D_TX),
        "convs": [_lin(ks[6], D_EMB, H), _lin(ks[7], H, H)],
        "bns": [{"g": jnp.ones((H,), jnp.float32), "b": jnp.zeros((H,), jnp.float32)} for _ in range(L)],
        "res0": _lin(ks[8], D_EMB, H),
        "cls": {
            "l1": _lin(ks[9], H * 2 + D_TX, H),
            "bn1": {"g": jnp.ones((H,), jnp.float32), "b": jnp.zeros((H,), jnp.float32)},
            "l2": _lin(ks[10], H, H // 2),
            "bn2": {"g": jnp.ones((H // 2,), jnp.float32), "b": jnp.zeros((H // 2,), jnp.float32)},
            "l3": _lin(ks[11], H // 2, 1),
        },
    }
    return {"params": params, "x_node_global_ids": x_node_global_ids, "edge_index": edge_index, "target_node_idx": target_node_idx, "target_tx_features": target_tx_features}


def _batchnorm(x, g, b, eps=1e-5):
    m = jnp.mean(x, axis=0)
    v = jnp.var(x, axis=0)
    return (x - m) / jnp.sqrt(v + eps) * g + b


def _gcn_conv(x, edge_index, W, b):
    n = x.shape[0]
    xw = x @ W
    loop = jnp.arange(n)
    row = jnp.concatenate([edge_index[0], loop])
    col = jnp.concatenate([edge_index[1], loop])
    ew = jnp.ones(row.shape[0], x.dtype)
    deg = jax.ops.segment_sum(ew, col, num_segments=n)
    dinv = jnp.where(deg > 0, deg ** -0.5, 0.0)
    norm = dinv[row] * ew * dinv[col]
    msg = xw[row] * norm[:, None]
    out = jax.ops.segment_sum(msg, col, num_segments=n)
    return out + b


def reference(params, x_node_global_ids, edge_index, target_node_idx, target_tx_features):
    h = params["emb"][x_node_global_ids]
    for i in range(L):
        h_prev = h
        hc = _gcn_conv(h, edge_index, params["convs"][i]["W"], params["convs"][i]["b"])
        hc = _batchnorm(hc, params["bns"][i]["g"], params["bns"][i]["b"])
        hc = jax.nn.relu(hc)
        if i == 0:
            res = h_prev @ params["res0"]["W"] + params["res0"]["b"]
        else:
            res = h_prev
        h = hc + res
    target_embs = h[target_node_idx]
    sender = target_embs[0::2]
    receiver = target_embs[1::2]
    tx = jax.nn.relu(target_tx_features @ params["tx"]["W"] + params["tx"]["b"])
    z = jnp.concatenate([sender, receiver, tx], axis=1)
    c = params["cls"]
    z = jax.nn.relu(_batchnorm(z @ c["l1"]["W"] + c["l1"]["b"], c["bn1"]["g"], c["bn1"]["b"]))
    z = jax.nn.relu(_batchnorm(z @ c["l2"]["W"] + c["l2"]["b"], c["bn2"]["g"], c["bn2"]["b"]))
    z = z @ c["l3"]["W"] + c["l3"]["b"]
    return z

if __name__ == "__main__":
    import jax
    _d = setup_inputs()
    print(jax.jit(kernel)(*tuple(_d.values())))

</pallas_src>

<mosaic_0001>
#map = affine_map<(d0, d1) -> (0, 0)>
#map1 = affine_map<(d0, d1) -> (0, 0, 0)>
#map2 = affine_map<(d0, d1) -> (0, 0, 0, 0)>
module attributes {stable_mosaic.version = 14 : i64} {
  func.func @_sc_gather_deg(%arg0: i32, %arg1: i32, %arg2: memref<1000000x128xf32, #tpu.memory_space<hbm>>, %arg3: memref<32x3x128xi32, #tpu.memory_space<hbm>>, %arg4: memref<2x16x160x128xi32, #tpu.memory_space<hbm>>, %arg5: memref<128x128xf32, #tpu.memory_space<hbm>>, %arg6: memref<336x128xf32, #tpu.memory_space<hbm>>, %arg7: memref<12288x128xf32, #tpu.memory_space<hbm>>, %arg8: memref<2x5376x128xf32, #tpu.memory_space<hbm>>, %arg9: memref<3x128xi32, #tpu.memory_space<vmem>>, %arg10: memref<384x128xf32, #tpu.memory_space<vmem>>, %arg11: memref<128x128xf32, #tpu.memory_space<vmem>>, %arg12: memref<160x128xi32, #tpu.memory_space<vmem>>, %arg13: memref<5376x128xf32, #tpu.memory_space<vmem_shared>>, %arg14: memref<!tpu.dma_semaphore, #tpu.memory_space<semaphore_mem>>) attributes {dimension_semantics = [#tpu.dimension_semantics<core_parallel>, #tpu.dimension_semantics<subcore_parallel>], iteration_bounds = array<i64: 2, 16>, scalar_prefetch = 0 : i64, scratch_operands = 6 : i64, tpu.core_type = #tpu.core_type<sc_vector_subcore>, window_params = [{transform_indices = #map}, {transform_indices = #map1}, {transform_indices = #map2}, {transform_indices = #map}, {transform_indices = #map}, {transform_indices = #map}, {transform_indices = #map1}]} {
    %mul3A = arith.constant 16 : i32
    %mul3A_0 = arith.muli %arg0, %mul3A : i32
    %add3A = arith.addi %mul3A_0, %arg1 : i32
    %mul3A_1 = arith.constant 336 : i32
    %mul3A_2 = arith.muli %arg1, %mul3A_1 : i32
    "tpu.region"() ({
      %run_scoped3A = tpu.sem_alloc : memref<!tpu.dma_semaphore, #tpu.memory_space<semaphore_mem>>
      %dma_start3A_70 = arith.constant 0 : i32
      %dma_start3A_71 = arith.constant 0 : i32
      %dma_start3A_72 = tpu.memref_slice %arg3[%add3A, %dma_start3A_70, %dma_start3A_71] : memref<32x3x128xi32, #tpu.memory_space<hbm>> -> memref<1x3x128xi32, #tpu.memory_space<hbm>>
      %dma_start3A_73 = tpu.memref_squeeze %dma_start3A_72 : memref<1x3x128xi32, #tpu.memory_space<hbm>> -> memref<3x128xi32, #tpu.memory_space<hbm>>
      %dma_start3A_74 = arith.constant 0 : i32
      %dma_start3A_75 = arith.constant 0 : i32
      %dma_start3A_76 = tpu.memref_slice %arg3[%add3A, %dma_start3A_74, %dma_start3A_75] : memref<32x3x128xi32, #tpu.memory_space<hbm>> -> memref<1x3x128xi32, #tpu.memory_space<hbm>>
      %dma_start3A_77 = tpu.memref_squeeze %dma_start3A_76 : memref<1x3x128xi32, #tpu.memory_space<hbm>> -> memref<3x128xi32, #tpu.memory_space<hbm>>
      tpu.enqueue_dma source(%dma_start3A_77 : memref<3x128xi32, #tpu.memory_space<hbm>>) target(%arg9 : memref<3x128xi32, #tpu.memory_space<vmem>>) target_semaphore(%run_scoped3A : memref<!tpu.dma_semaphore, #tpu.memory_space<semaphore_mem>>)
      %dma_wait3A_78 = arith.constant 0 : i32
      %dma_wait3A_79 = arith.constant 0 : i32
      %dma_wait3A_80 = tpu.memref_slice %arg3[%add3A, %dma_wait3A_78, %dma_wait3A_79] : memref<32x3x128xi32, #tpu.memory_space<hbm>> -> memref<1x3x128xi32, #tpu.memory_space<hbm>>
      %dma_wait3A_81 = tpu.memref_squeeze %dma_wait3A_80 : memref<1x3x128xi32, #tpu.memory_space<hbm>> -> memref<3x128xi32, #tpu.memory_space<hbm>>
      %dma_wait3A_82 = arith.constant 0 : i32
      %dma_wait3A_83 = arith.constant 0 : i32
      %dma_wait3A_84 = tpu.memref_slice %arg3[%add3A, %dma_wait3A_82, %dma_wait3A_83] : memref<32x3x128xi32, #tpu.memory_space<hbm>> -> memref<1x3x128xi32, #tpu.memory_space<hbm>>
      %dma_wait3A_85 = tpu.memref_squeeze %dma_wait3A_84 : memref<1x3x128xi32, #tpu.memory_space<hbm>> -> memref<3x128xi32, #tpu.memory_space<hbm>>
      tpu.wait_dma2 semaphore(%run_scoped3A : memref<!tpu.dma_semaphore, #tpu.memory_space<semaphore_mem>>) src(%dma_wait3A_85 : memref<3x128xi32, #tpu.memory_space<hbm>>) dst(%arg9 : memref<3x128xi32, #tpu.memory_space<vmem>>)
      tpu.yield
    }) : () -> ()
    %dma_start3A = arith.constant 0 : i32
    %dma_start3A_3 = arith.constant 0 : i32
    %dma_start3A_4 = arith.constant 0 : i32
    %dma_start3A_5 = tpu.memref_slice %arg10[%dma_start3A_3, %dma_start3A_4] : memref<384x128xf32, #tpu.memory_space<vmem>> -> memref<128x128xf32, #tpu.memory_space<vmem>>
    %dma_start3A_6 = arith.constant 0 : i32
    %dma_start3A_7 = tpu.memref_slice %arg9[%dma_start3A, %dma_start3A_6] : memref<3x128xi32, #tpu.memory_space<vmem>> -> memref<1x128xi32, #tpu.memory_space<vmem>>
    %dma_start3A_8 = tpu.memref_squeeze %dma_start3A_7 : memref<1x128xi32, #tpu.memory_space<vmem>> -> memref<128xi32, #tpu.memory_space<vmem>>
    %dma_start3A_9 = arith.constant 0 : i32
    %dma_start3A_10 = arith.constant 0 : i32
    %dma_start3A_11 = tpu.memref_slice %arg2[%dma_start3A_9, %dma_start3A_10] : memref<1000000x128xf32, #tpu.memory_space<hbm>> -> memref<1000000x128xf32, #tpu.memory_space<hbm>>
    tpu.enqueue_indirect_dma source(%dma_start3A_11 : memref<1000000x128xf32, #tpu.memory_space<hbm>>) target(%dma_start3A_5 : memref<128x128xf32, #tpu.memory_space<vmem>>) offsets(%dma_start3A_8 : memref<128xi32, #tpu.memory_space<vmem>>) semaphore(%arg14 : memref<!tpu.dma_semaphore, #tpu.memory_space<semaphore_mem>>)
    %dma_wait3A = arith.constant 0 : i32
    %dma_wait3A_12 = arith.constant 0 : i32
    %dma_wait3A_13 = arith.constant 0 : i32
    %dma_wait3A_14 = tpu.memref_slice %arg10[%dma_wait3A_12, %dma_wait3A_13] : memref<384x128xf32, #tpu.memory_space<vmem>> -> memref<128x128xf32, #tpu.memory_space<vmem>>
    %dma_wait3A_15 = arith.constant 0 : i32
    %dma_wait3A_16 = tpu.memref_slice %arg9[%dma_wait3A, %dma_wait3A_15] : memref<3x128xi32, #tpu.memory_space<vmem>> -> memref<1x128xi32, #tpu.memory_space<vmem>>
    %dma_wait3A_17 = tpu.memref_squeeze %dma_wait3A_16 : memref<1x128xi32, #tpu.memory_space<vmem>> -> memref<128xi32, #tpu.memory_space<vmem>>
    %dma_wait3A_18 = arith.constant 0 : i32
    %dma_wait3A_19 = arith.constant 0 : i32
    %dma_wait3A_20 = tpu.memref_slice %arg2[%dma_wait3A_18, %dma_wait3A_19] : memref<1000000x128xf32, #tpu.memory_space<hbm>> -> memref<1000000x128xf32, #tpu.memory_space<hbm>>
    tpu.wait_indirect_dma semaphore(%arg14 : memref<!tpu.dma_semaphore, #tpu.memory_space<semaphore_mem>>) src(%dma_wait3A_20 : memref<1000000x128xf32, #tpu.memory_space<hbm>>) dst(%dma_wait3A_14 : memref<128x128xf32, #tpu.memory_space<vmem>>)
    %dma_start3A_21 = arith.constant 1 : i32
    %dma_start3A_22 = arith.constant 128 : i32
    %dma_start3A_23 = arith.constant 0 : i32
    %dma_start3A_24 = tpu.memref_slice %arg10[%dma_start3A_22, %dma_start3A_23] : memref<384x128xf32, #tpu.memory_space<vmem>> -> memref<128x128xf32, #tpu.memory_space<vmem>>
    %dma_start3A_25 = arith.constant 0 : i32
    %dma_start3A_26 = tpu.memref_slice %arg9[%dma_start3A_21, %dma_start3A_25] : memref<3x128xi32, #tpu.memory_space<vmem>> -> memref<1x128xi32, #tpu.memory_space<vmem>>
    %dma_start3A_27 = tpu.memref_squeeze %dma_start3A_26 : memref<1x128xi32, #tpu.memory_space<vmem>> -> memref<128xi32, #tpu.memory_space<vmem>>
    %dma_start3A_28 = arith.constant 0 : i32
    %dma_start3A_29 = arith.constant 0 : i32
    %dma_start3A_30 = tpu.memref_slice %arg2[%dma_start3A_28, %dma_start3A_29] : memref<1000000x128xf32, #tpu.memory_space<hbm>> -> memref<1000000x128xf32, #tpu.memory_space<hbm>>
    tpu.enqueue_indirect_dma source(%dma_start3A_30 : memref<1000000x128xf32, #tpu.memory_space<hbm>>) target(%dma_start3A_24 : memref<128x128xf32, #tpu.memory_space<vmem>>) offsets(%dma_start3A_27 : memref<128xi32, #tpu.memory_space<vmem>>) semaphore(%arg14 : memref<!tpu.dma_semaphore, #tpu.memory_space<semaphore_mem>>)
    %dma_wait3A_31 = arith.constant 1 : i32
    %dma_wait3A_32 = arith.constant 128 : i32
    %dma_wait3A_33 = arith.constant 0 : i32
    %dma_wait3A_34 = tpu.memref_slice %arg10[%dma_wait3A_32, %dma_wait3A_33] : memref<384x128xf32, #tpu.memory_space<vmem>> -> memref<128x128xf32, #tpu.memory_space<vmem>>
    %dma_wait3A_35 = arith.constant 0 : i32
    %dma_wait3A_36 = tpu.memref_slice %arg9[%dma_wait3A_31, %dma_wait3A_35] : memref<3x128xi32, #tpu.memory_space<vmem>> -> memref<1x128xi32, #tpu.memory_space<vmem>>
    %dma_wait3A_37 = tpu.memref_squeeze %dma_wait3A_36 : memref<1x128xi32, #tpu.memory_space<vmem>> -> memref<128xi32, #tpu.memory_space<vmem>>
    %dma_wait3A_38 = arith.constant 0 : i32
    %dma_wait3A_39 = arith.constant 0 : i32
    %dma_wait3A_40 = tpu.memref_slice %arg2[%dma_wait3A_38, %dma_wait3A_39] : memref<1000000x128xf32, #tpu.memory_space<hbm>> -> memref<1000000x128xf32, #tpu.memory_space<hbm>>
    tpu.wait_indirect_dma semaphore(%arg14 : memref<!tpu.dma_semaphore, #tpu.memory_space<semaphore_mem>>) src(%dma_wait3A_40 : memref<1000000x128xf32, #tpu.memory_space<hbm>>) dst(%dma_wait3A_34 : memref<128x128xf32, #tpu.memory_space<vmem>>)
    %dma_start3A_41 = arith.constant 2 : i32
    %dma_start3A_42 = arith.constant 256 : i32
    %dma_start3A_43 = arith.constant 0 : i32
    %dma_start3A_44 = tpu.memref_slice %arg10[%dma_start3A_42, %dma_start3A_43] : memref<384x128xf32, #tpu.memory_space<vmem>> -> memref<128x128xf32, #tpu.memory_space<vmem>>
    %dma_start3A_45 = arith.constant 0 : i32
    %dma_start3A_46 = tpu.memref_slice %arg9[%dma_start3A_41, %dma_start3A_45] : memref<3x128xi32, #tpu.memory_space<vmem>> -> memref<1x128xi32, #tpu.memory_space<vmem>>
    %dma_start3A_47 = tpu.memref_squeeze %dma_start3A_46 : memref<1x128xi32, #tpu.memory_space<vmem>> -> memref<128xi32, #tpu.memory_space<vmem>>
    %dma_start3A_48 = arith.constant 0 : i32
    %dma_start3A_49 = arith.constant 0 : i32
    %dma_start3A_50 = tpu.memref_slice %arg2[%dma_start3A_48, %dma_start3A_49] : memref<1000000x128xf32, #tpu.memory_space<hbm>> -> memref<1000000x128xf32, #tpu.memory_space<hbm>>
    tpu.enqueue_indirect_dma source(%dma_start3A_50 : memref<1000000x128xf32, #tpu.memory_space<hbm>>) target(%dma_start3A_44 : memref<128x128xf32, #tpu.memory_space<vmem>>) offsets(%dma_start3A_47 : memref<128xi32, #tpu.memory_space<vmem>>) semaphore(%arg14 : memref<!tpu.dma_semaphore, #tpu.memory_space<semaphore_mem>>)
    %dma_wait3A_51 = arith.constant 2 : i32
    %dma_wait3A_52 = arith.constant 256 : i32
    %dma_wait3A_53 = arith.constant 0 : i32
    %dma_wait3A_54 = tpu.memref_slice %arg10[%dma_wait3A_52, %dma_wait3A_53] : memref<384x128xf32, #tpu.memory_space<vmem>> -> memref<128x128xf32, #tpu.memory_space<vmem>>
    %dma_wait3A_55 = arith.constant 0 : i32
    %dma_wait3A_56 = tpu.memref_slice %arg9[%dma_wait3A_51, %dma_wait3A_55] : memref<3x128xi32, #tpu.memory_space<vmem>> -> memref<1x128xi32, #tpu.memory_space<vmem>>
    %dma_wait3A_57 = tpu.memref_squeeze %dma_wait3A_56 : memref<1x128xi32, #tpu.memory_space<vmem>> -> memref<128xi32, #tpu.memory_space<vmem>>
    %dma_wait3A_58 = arith.constant 0 : i32
    %dma_wait3A_59 = arith.constant 0 : i32
    %dma_wait3A_60 = tpu.memref_slice %arg2[%dma_wait3A_58, %dma_wait3A_59] : memref<1000000x128xf32, #tpu.memory_space<hbm>> -> memref<1000000x128xf32, #tpu.memory_space<hbm>>
    tpu.wait_indirect_dma semaphore(%arg14 : memref<!tpu.dma_semaphore, #tpu.memory_space<semaphore_mem>>) src(%dma_wait3A_60 : memref<1000000x128xf32, #tpu.memory_space<hbm>>) dst(%dma_wait3A_54 : memref<128x128xf32, #tpu.memory_space<vmem>>)
    %mul3A_61 = arith.constant 3 : i32
    %mul3A_62 = arith.muli %add3A, %mul3A_61 : i32
    %mul3A_63 = arith.constant 128 : i32
    %mul3A_64 = arith.muli %mul3A_62, %mul3A_63 : i32
    "tpu.region"() ({
      %run_scoped3A = tpu.sem_alloc : memref<!tpu.dma_semaphore, #tpu.memory_space<semaphore_mem>>
      %dma_start3A_70 = arith.constant 0 : i32
      %dma_start3A_71 = tpu.memref_slice %arg7[%mul3A_64, %dma_start3A_70] : memref<12288x128xf32, #tpu.memory_space<hbm>> -> memref<384x128xf32, #tpu.memory_space<hbm>>
      %dma_start3A_72 = arith.constant 0 : i32
      %dma_start3A_73 = tpu.memref_slice %arg7[%mul3A_64, %dma_start3A_72] : memref<12288x128xf32, #tpu.memory_space<hbm>> -> memref<384x128xf32, #tpu.memory_space<hbm>>
      tpu.enqueue_dma source(%arg10 : memref<384x128xf32, #tpu.memory_space<vmem>>) target(%dma_start3A_73 : memref<384x128xf32, #tpu.memory_space<hbm>>) target_semaphore(%run_scoped3A : memref<!tpu.dma_semaphore, #tpu.memory_space<semaphore_mem>>)
      %dma_wait3A_74 = arith.constant 0 : i32
      %dma_wait3A_75 = tpu.memref_slice %arg7[%mul3A_64, %dma_wait3A_74] : memref<12288x128xf32, #tpu.memory_space<hbm>> -> memref<384x128xf32, #tpu.memory_space<hbm>>
      %dma_wait3A_76 = arith.constant 0 : i32
      %dma_wait3A_77 = tpu.memref_slice %arg7[%mul3A_64, %dma_wait3A_76] : memref<12288x128xf32, #tpu.memory_space<hbm>> -> memref<384x128xf32, #tpu.memory_space<hbm>>
      tpu.wait_dma2 semaphore(%run_scoped3A : memref<!tpu.dma_semaphore, #tpu.memory_space<semaphore_mem>>) src(%arg10 : memref<384x128xf32, #tpu.memory_space<vmem>>) dst(%dma_wait3A_77 : memref<384x128xf32, #tpu.memory_space<hbm>>)
      tpu.yield
    }) : () -> ()
    "tpu.region"() ({
      %run_scoped3A = tpu.sem_alloc : memref<!tpu.dma_semaphore, #tpu.memory_space<semaphore_mem>>
      %dma_start3A_70 = arith.constant 0 : i32
      %dma_start3A_71 = tpu.memref_slice %arg13[%mul3A_2, %dma_start3A_70] : memref<5376x128xf32, #tpu.memory_space<vmem_shared>> -> memref<336x128xf32, #tpu.memory_space<vmem_shared>>
      tpu.enqueue_dma source(%arg6 : memref<336x128xf32, #tpu.memory_space<hbm>>) target(%dma_start3A_71 : memref<336x128xf32, #tpu.memory_space<vmem_shared>>) target_semaphore(%run_scoped3A : memref<!tpu.dma_semaphore, #tpu.memory_space<semaphore_mem>>)
      %dma_wait3A_72 = arith.constant 0 : i32
      %dma_wait3A_73 = tpu.memref_slice %arg13[%mul3A_2, %dma_wait3A_72] : memref<5376x128xf32, #tpu.memory_space<vmem_shared>> -> memref<336x128xf32, #tpu.memory_space<vmem_shared>>
      tpu.wait_dma2 semaphore(%run_scoped3A : memref<!tpu.dma_semaphore, #tpu.memory_space<semaphore_mem>>) src(%arg6 : memref<336x128xf32, #tpu.memory_space<hbm>>) dst(%dma_wait3A_73 : memref<336x128xf32, #tpu.memory_space<vmem_shared>>)
      tpu.yield
    }) : () -> ()
    "tpu.region"() ({
      %run_scoped3A = tpu.sem_alloc : memref<!tpu.dma_semaphore, #tpu.memory_space<semaphore_mem>>
      tpu.enqueue_dma source(%arg5 : memref<128x128xf32, #tpu.memory_space<hbm>>) target(%arg11 : memref<128x128xf32, #tpu.memory_space<vmem>>) target_semaphore(%run_scoped3A : memref<!tpu.dma_semaphore, #tpu.memory_space<semaphore_mem>>)
      tpu.wait_dma2 semaphore(%run_scoped3A : memref<!tpu.dma_semaphore, #tpu.memory_space<semaphore_mem>>) src(%arg5 : memref<128x128xf32, #tpu.memory_space<hbm>>) dst(%arg11 : memref<128x128xf32, #tpu.memory_space<vmem>>)
      tpu.yield
    }) : () -> ()
    "tpu.region"() ({
      %run_scoped3A = tpu.sem_alloc : memref<!tpu.dma_semaphore, #tpu.memory_space<semaphore_mem>>
      %dma_start3A_70 = arith.constant 0 : i32
      %dma_start3A_71 = arith.constant 0 : i32
      %dma_start3A_72 = tpu.memref_slice %arg4[%arg0, %arg1, %dma_start3A_70, %dma_start3A_71] : memref<2x16x160x128xi32, #tpu.memory_space<hbm>> -> memref<1x1x160x128xi32, #tpu.memory_space<hbm>>
      %dma_start3A_73 = tpu.memref_squeeze %dma_start3A_72 : memref<1x1x160x128xi32, #tpu.memory_space<hbm>> -> memref<160x128xi32, #tpu.memory_space<hbm>>
      %dma_start3A_74 = arith.constant 0 : i32
      %dma_start3A_75 = arith.constant 0 : i32
      %dma_start3A_76 = tpu.memref_slice %arg4[%arg0, %arg1, %dma_start3A_74, %dma_start3A_75] : memref<2x16x160x128xi32, #tpu.memory_space<hbm>> -> memref<1x1x160x128xi32, #tpu.memory_space<hbm>>
      %dma_start3A_77 = tpu.memref_squeeze %dma_start3A_76 : memref<1x1x160x128xi32, #tpu.memory_space<hbm>> -> memref<160x128xi32, #tpu.memory_space<hbm>>
      tpu.enqueue_dma source(%dma_start3A_77 : memref<160x128xi32, #tpu.memory_space<hbm>>) target(%arg12 : memref<160x128xi32, #tpu.memory_space<vmem>>) target_semaphore(%run_scoped3A : memref<!tpu.dma_semaphore, #tpu.memory_space<semaphore_mem>>)
      %dma_wait3A_78 = arith.constant 0 : i32
      %dma_wait3A_79 = arith.constant 0 : i32
      %dma_wait3A_80 = tpu.memref_slice %arg4[%arg0, %arg1, %dma_wait3A_78, %dma_wait3A_79] : memref<2x16x160x128xi32, #tpu.memory_space<hbm>> -> memref<1x1x160x128xi32, #tpu.memory_space<hbm>>
      %dma_wait3A_81 = tpu.memref_squeeze %dma_wait3A_80 : memref<1x1x160x128xi32, #tpu.memory_space<hbm>> -> memref<160x128xi32, #tpu.memory_space<hbm>>
      %dma_wait3A_82 = arith.constant 0 : i32
      %dma_wait3A_83 = arith.constant 0 : i32
      %dma_wait3A_84 = tpu.memref_slice %arg4[%arg0, %arg1, %dma_wait3A_82, %dma_wait3A_83] : memref<2x16x160x128xi32, #tpu.memory_space<hbm>> -> memref<1x1x160x128xi32, #tpu.memory_space<hbm>>
      %dma_wait3A_85 = tpu.memref_squeeze %dma_wait3A_84 : memref<1x1x160x128xi32, #tpu.memory_space<hbm>> -> memref<160x128xi32, #tpu.memory_space<hbm>>
      tpu.wait_dma2 semaphore(%run_scoped3A : memref<!tpu.dma_semaphore, #tpu.memory_space<semaphore_mem>>) src(%dma_wait3A_85 : memref<160x128xi32, #tpu.memory_space<hbm>>) dst(%arg12 : memref<160x128xi32, #tpu.memory_space<vmem>>)
      tpu.yield
    }) : () -> ()
    %barrier3A = arith.constant 0 : index
    tpu.barrier barrier_id(%barrier3A)
    %scan3A = arith.constant 0 : i32
    %scan3A_65 = arith.constant 160 : i32
    %scan3A_66 = arith.addi %scan3A, %scan3A_65 : i32
    %scan3A_67 = arith.constant 1 : i32
    scf.for %scan3A_70 = %scan3A to %scan3A_66 step %scan3A_67  : i32 {
      %mul3A_71 = arith.constant 1 : i32
      %mul3A_72 = arith.muli %scan3A_70, %mul3A_71 : i32
      %add3A_73 = arith.constant 0 : i32
      %add3A_74 = arith.addi %add3A_73, %mul3A_72 : i32
      "tpu.region"() ({
        %run_scoped3A = tpu.sem_alloc : memref<!tpu.dma_semaphore, #tpu.memory_space<semaphore_mem>>
        %dma_start3A_75 = arith.constant 0 : i32
        %dma_start3A_76 = tpu.memref_slice %arg12[%add3A_74, %dma_start3A_75] : memref<160x128xi32, #tpu.memory_space<vmem>> -> memref<1x128xi32, #tpu.memory_space<vmem>>
        %dma_start3A_77 = tpu.memref_squeeze %dma_start3A_76 : memref<1x128xi32, #tpu.memory_space<vmem>> -> memref<128xi32, #tpu.memory_space<vmem>>
        %dma_start3A_78 = arith.constant 0 : i32
        %dma_start3A_79 = arith.constant 0 : i32
        %dma_start3A_80 = tpu.memref_slice %arg13[%dma_start3A_78, %dma_start3A_79] : memref<5376x128xf32, #tpu.memory_space<vmem_shared>> -> memref<5376x128xf32, #tpu.memory_space<vmem_shared>>
        tpu.enqueue_indirect_dma source(%arg11 : memref<128x128xf32, #tpu.memory_space<vmem>>) target(%dma_start3A_80 : memref<5376x128xf32, #tpu.memory_space<vmem_shared>>) offsets(%dma_start3A_77 : memref<128xi32, #tpu.memory_space<vmem>>) semaphore(%run_scoped3A : memref<!tpu.dma_semaphore, #tpu.memory_space<semaphore_mem>>) {add = true}
        %dma_wait3A_81 = arith.constant 0 : i32
        %dma_wait3A_82 = tpu.memref_slice %arg12[%add3A_74, %dma_wait3A_81] : memref<160x128xi32, #tpu.memory_space<vmem>> -> memref<1x128xi32, #tpu.memory_space<vmem>>
        %dma_wait3A_83 = tpu.memref_squeeze %dma_wait3A_82 : memref<1x128xi32, #tpu.memory_space<vmem>> -> memref<128xi32, #tpu.memory_space<vmem>>
        %dma_wait3A_84 = arith.constant 0 : i32
        %dma_wait3A_85 = arith.constant 0 : i32
        %dma_wait3A_86 = tpu.memref_slice %arg13[%dma_wait3A_84, %dma_wait3A_85] : memref<5376x128xf32, #tpu.memory_space<vmem_shared>> -> memref<5376x128xf32, #tpu.memory_space<vmem_shared>>
        tpu.wait_indirect_dma semaphore(%run_scoped3A : memref<!tpu.dma_semaphore, #tpu.memory_space<semaphore_mem>>) src(%arg11 : memref<128x128xf32, #tpu.memory_space<vmem>>) dst(%dma_wait3A_86 : memref<5376x128xf32, #tpu.memory_space<vmem_shared>>)
        tpu.yield
      }) : () -> ()
    }
    %scan3A_68 = arith.constant 160 : i32
    %barrier3A_69 = arith.constant 0 : index
    tpu.barrier barrier_id(%barrier3A_69)
    "tpu.region"() ({
      %run_scoped3A = tpu.sem_alloc : memref<!tpu.dma_semaphore, #tpu.memory_space<semaphore_mem>>
      %dma_start3A_70 = arith.constant 0 : i32
      %dma_start3A_71 = tpu.memref_slice %arg8[%arg0, %mul3A_2, %dma_start3A_70] : memref<2x5376x128xf32, #tpu.memory_space<hbm>> -> memref<1x336x128xf32, #tpu.memory_space<hbm>>
      %dma_start3A_72 = tpu.memref_squeeze %dma_start3A_71 : memref<1x336x128xf32, #tpu.memory_space<hbm>> -> memref<336x128xf32, #tpu.memory_space<hbm>>
      %dma_start3A_73 = arith.constant 0 : i32
      %dma_start3A_74 = tpu.memref_slice %arg13[%mul3A_2, %dma_start3A_73] : memref<5376x128xf32, #tpu.memory_space<vmem_shared>> -> memref<336x128xf32, #tpu.memory_space<vmem_shared>>
      tpu.enqueue_dma source(%dma_start3A_74 : memref<336x128xf32, #tpu.memory_space<vmem_shared>>) target(%dma_start3A_72 : memref<336x128xf32, #tpu.memory_space<hbm>>) target_semaphore(%run_scoped3A : memref<!tpu.dma_semaphore, #tpu.memory_space<semaphore_mem>>)
      %dma_wait3A_75 = arith.constant 0 : i32
      %dma_wait3A_76 = tpu.memref_slice %arg8[%arg0, %mul3A_2, %dma_wait3A_75] : memref<2x5376x128xf32, #tpu.memory_space<hbm>> -> memref<1x336x128xf32, #tpu.memory_space<hbm>>
      %dma_wait3A_77 = tpu.memref_squeeze %dma_wait3A_76 : memref<1x336x128xf32, #tpu.memory_space<hbm>> -> memref<336x128xf32, #tpu.memory_space<hbm>>
      %dma_wait3A_78 = arith.constant 0 : i32
      %dma_wait3A_79 = tpu.memref_slice %arg13[%mul3A_2, %dma_wait3A_78] : memref<5376x128xf32, #tpu.memory_space<vmem_shared>> -> memref<336x128xf32, #tpu.memory_space<vmem_shared>>
      tpu.wait_dma2 semaphore(%run_scoped3A : memref<!tpu.dma_semaphore, #tpu.memory_space<semaphore_mem>>) src(%dma_wait3A_79 : memref<336x128xf32, #tpu.memory_space<vmem_shared>>) dst(%dma_wait3A_77 : memref<336x128xf32, #tpu.memory_space<hbm>>)
      tpu.yield
    }) : () -> ()
    return
  }
}

#map = affine_map<(d0, d1) -> (0, 0)>
#map1 = affine_map<(d0, d1) -> (0, 0, 0, 0)>
module attributes {stable_mosaic.version = 14 : i64} {
  func.func @agg(%arg0: i32, %arg1: i32, %arg2: memref<10000x128xf32, #tpu.memory_space<hbm>>, %arg3: memref<1x16x160x128xi32, #tpu.memory_space<hbm>>, %arg4: memref<2x16x160x128xi32, #tpu.memory_space<hbm>>, %arg5: memref<336x128xf32, #tpu.memory_space<hbm>>, %arg6: memref<2x1x5376x128xf32, #tpu.memory_space<hbm>>, %arg7: memref<160x128xi32, #tpu.memory_space<vmem>>, %arg8: memref<160x128xi32, #tpu.memory_space<vmem>>, %arg9: memref<2x128x128xf32, #tpu.memory_space<vmem>>, %arg10: memref<5376x128xf32, #tpu.memory_space<vmem_shared>>, %arg11: memref<!tpu.dma_semaphore, #tpu.memory_space<semaphore_mem>>, %arg12: memref<!tpu.dma_semaphore, #tpu.memory_space<semaphore_mem>>) attributes {dimension_semantics = [#tpu.dimension_semantics<core_parallel>, #tpu.dimension_semantics<subcore_parallel>], iteration_bounds = array<i64: 2, 16>, scalar_prefetch = 0 : i64, scratch_operands = 6 : i64, tpu.core_type = #tpu.core_type<sc_vector_subcore>, window_params = [{transform_indices = #map}, {transform_indices = #map1}, {transform_indices = #map1}, {transform_indices = #map}, {transform_indices = #map1}]} {
    %mul3A = arith.constant 336 : i32
    %mul3A_0 = arith.muli %arg1, %mul3A : i32
    "tpu.region"() ({
      %run_scoped3A_30 = tpu.sem_alloc : memref<!tpu.dma_semaphore, #tpu.memory_space<semaphore_mem>>
      %dma_start3A_31 = arith.constant 0 : i32
      %dma_start3A_32 = arith.constant 0 : i32
      %dma_start3A_33 = tpu.memref_slice %arg4[%arg0, %arg1, %dma_start3A_31, %dma_start3A_32] : memref<2x16x160x128xi32, #tpu.memory_space<hbm>> -> memref<1x1x160x128xi32, #tpu.memory_space<hbm>>
      %dma_start3A_34 = tpu.memref_squeeze %dma_start3A_33 : memref<1x1x160x128xi32, #tpu.memory_space<hbm>> -> memref<160x128xi32, #tpu.memory_space<hbm>>
      %dma_start3A_35 = arith.constant 0 : i32
      %dma_start3A_36 = arith.constant 0 : i32
      %dma_start3A_37 = tpu.memref_slice %arg4[%arg0, %arg1, %dma_start3A_35, %dma_start3A_36] : memref<2x16x160x128xi32, #tpu.memory_space<hbm>> -> memref<1x1x160x128xi32, #tpu.memory_space<hbm>>
      %dma_start3A_38 = tpu.memref_squeeze %dma_start3A_37 : memref<1x1x160x128xi32, #tpu.memory_space<hbm>> -> memref<160x128xi32, #tpu.memory_space<hbm>>
      tpu.enqueue_dma source(%dma_start3A_38 : memref<160x128xi32, #tpu.memory_space<hbm>>) target(%arg8 : memref<160x128xi32, #tpu.memory_space<vmem>>) target_semaphore(%run_scoped3A_30 : memref<!tpu.dma_semaphore, #tpu.memory_space<semaphore_mem>>)
      %dma_wait3A = arith.constant 0 : i32
      %dma_wait3A_39 = arith.constant 0 : i32
      %dma_wait3A_40 = tpu.memref_slice %arg4[%arg0, %arg1, %dma_wait3A, %dma_wait3A_39] : memref<2x16x160x128xi32, #tpu.memory_space<hbm>> -> memref<1x1x160x128xi32, #tpu.memory_space<hbm>>
      %dma_wait3A_41 = tpu.memref_squeeze %dma_wait3A_40 : memref<1x1x160x128xi32, #tpu.memory_space<hbm>> -> memref<160x128xi32, #tpu.memory_space<hbm>>
      %dma_wait3A_42 = arith.constant 0 : i32
      %dma_wait3A_43 = arith.constant 0 : i32
      %dma_wait3A_44 = tpu.memref_slice %arg4[%arg0, %arg1, %dma_wait3A_42, %dma_wait3A_43] : memref<2x16x160x128xi32, #tpu.memory_space<hbm>> -> memref<1x1x160x128xi32, #tpu.memory_space<hbm>>
      %dma_wait3A_45 = tpu.memref_squeeze %dma_wait3A_44 : memref<1x1x160x128xi32, #tpu.memory_space<hbm>> -> memref<160x128xi32, #tpu.memory_space<hbm>>
      tpu.wait_dma2 semaphore(%run_scoped3A_30 : memref<!tpu.dma_semaphore, #tpu.memory_space<semaphore_mem>>) src(%dma_wait3A_45 : memref<160x128xi32, #tpu.memory_space<hbm>>) dst(%arg8 : memref<160x128xi32, #tpu.memory_space<vmem>>)
      tpu.yield
    }) : () -> ()
    "tpu.region"() ({
      %run_scoped3A_30 = tpu.sem_alloc : memref<!tpu.dma_semaphore, #tpu.memory_space<semaphore_mem>>
      %dma_start3A_31 = arith.constant 0 : i32
      %dma_start3A_32 = tpu.memref_slice %arg10[%mul3A_0, %dma_start3A_31] : memref<5376x128xf32, #tpu.memory_space<vmem_shared>> -> memref<336x128xf32, #tpu.memory_space<vmem_shared>>
      tpu.enqueue_dma source(%arg5 : memref<336x128xf32, #tpu.memory_space<hbm>>) target(%dma_start3A_32 : memref<336x128xf32, #tpu.memory_space<vmem_shared>>) target_semaphore(%run_scoped3A_30 : memref<!tpu.dma_semaphore, #tpu.memory_space<semaphore_mem>>)
      %dma_wait3A = arith.constant 0 : i32
      %dma_wait3A_33 = tpu.memref_slice %arg10[%mul3A_0, %dma_wait3A] : memref<5376x128xf32, #tpu.memory_space<vmem_shared>> -> memref<336x128xf32, #tpu.memory_space<vmem_shared>>
      tpu.wait_dma2 semaphore(%run_scoped3A_30 : memref<!tpu.dma_semaphore, #tpu.memory_space<semaphore_mem>>) src(%arg5 : memref<336x128xf32, #tpu.memory_space<hbm>>) dst(%dma_wait3A_33 : memref<336x128xf32, #tpu.memory_space<vmem_shared>>)
      tpu.yield
    }) : () -> ()
    %run_scoped3A = arith.constant 0 : i32
    "tpu.region"() ({
      %run_scoped3A_30 = tpu.sem_alloc : memref<!tpu.dma_semaphore, #tpu.memory_space<semaphore_mem>>
      %dma_start3A_31 = arith.constant 0 : i32
      %dma_start3A_32 = arith.constant 0 : i32
      %dma_start3A_33 = tpu.memref_slice %arg3[%run_scoped3A, %arg1, %dma_start3A_31, %dma_start3A_32] : memref<1x16x160x128xi32, #tpu.memory_space<hbm>> -> memref<1x1x160x128xi32, #tpu.memory_space<hbm>>
      %dma_start3A_34 = tpu.memref_squeeze %dma_start3A_33 : memref<1x1x160x128xi32, #tpu.memory_space<hbm>> -> memref<160x128xi32, #tpu.memory_space<hbm>>
      %dma_start3A_35 = arith.constant 0 : i32
      %dma_start3A_36 = arith.constant 0 : i32
      %dma_start3A_37 = tpu.memref_slice %arg3[%run_scoped3A, %arg1, %dma_start3A_35, %dma_start3A_36] : memref<1x16x160x128xi32, #tpu.memory_space<hbm>> -> memref<1x1x160x128xi32, #tpu.memory_space<hbm>>
      %dma_start3A_38 = tpu.memref_squeeze %dma_start3A_37 : memref<1x1x160x128xi32, #tpu.memory_space<hbm>> -> memref<160x128xi32, #tpu.memory_space<hbm>>
      tpu.enqueue_dma source(%dma_start3A_38 : memref<160x128xi32, #tpu.memory_space<hbm>>) target(%arg7 : memref<160x128xi32, #tpu.memory_space<vmem>>) target_semaphore(%run_scoped3A_30 : memref<!tpu.dma_semaphore, #tpu.memory_space<semaphore_mem>>)
      %dma_wait3A = arith.constant 0 : i32
      %dma_wait3A_39 = arith.constant 0 : i32
      %dma_wait3A_40 = tpu.memref_slice %arg3[%run_scoped3A, %arg1, %dma_wait3A, %dma_wait3A_39] : memref<1x16x160x128xi32, #tpu.memory_space<hbm>> -> memref<1x1x160x128xi32, #tpu.memory_space<hbm>>
      %dma_wait3A_41 = tpu.memref_squeeze %dma_wait3A_40 : memref<1x1x160x128xi32, #tpu.memory_space<hbm>> -> memref<160x128xi32, #tpu.memory_space<hbm>>
      %dma_wait3A_42 = arith.constant 0 : i32
      %dma_wait3A_43 = arith.constant 0 : i32
      %dma_wait3A_44 = tpu.memref_slice %arg3[%run_scoped3A, %arg1, %dma_wait3A_42, %dma_wait3A_43] : memref<1x16x160x128xi32, #tpu.memory_space<hbm>> -> memref<1x1x160x128xi32, #tpu.memory_space<hbm>>
      %dma_wait3A_45 = tpu.memref_squeeze %dma_wait3A_44 : memref<1x1x160x128xi32, #tpu.memory_space<hbm>> -> memref<160x128xi32, #tpu.memory_space<hbm>>
      tpu.wait_dma2 semaphore(%run_scoped3A_30 : memref<!tpu.dma_semaphore, #tpu.memory_space<semaphore_mem>>) src(%dma_wait3A_45 : memref<160x128xi32, #tpu.memory_space<hbm>>) dst(%arg7 : memref<160x128xi32, #tpu.memory_space<vmem>>)
      tpu.yield
    }) : () -> ()
    %barrier3A = arith.constant 0 : index
    tpu.barrier barrier_id(%barrier3A)
    %dma_start3A = arith.constant 0 : i32
    %dma_start3A_1 = arith.constant 0 : i32
    %dma_start3A_2 = arith.constant 0 : i32
    %dma_start3A_3 = arith.constant 0 : i32
    %dma_start3A_4 = tpu.memref_slice %arg9[%dma_start3A_1, %dma_start3A_2, %dma_start3A_3] : memref<2x128x128xf32, #tpu.memory_space<vmem>> -> memref<1x128x128xf32, #tpu.memory_space<vmem>>
    %dma_start3A_5 = tpu.memref_squeeze %dma_start3A_4 : memref<1x128x128xf32, #tpu.memory_space<vmem>> -> memref<128x128xf32, #tpu.memory_space<vmem>>
    %dma_start3A_6 = arith.constant 0 : i32
    %dma_start3A_7 = tpu.memref_slice %arg7[%dma_start3A, %dma_start3A_6] : memref<160x128xi32, #tpu.memory_space<vmem>> -> memref<1x128xi32, #tpu.memory_space<vmem>>
    %dma_start3A_8 = tpu.memref_squeeze %dma_start3A_7 : memref<1x128xi32, #tpu.memory_space<vmem>> -> memref<128xi32, #tpu.memory_space<vmem>>
    %dma_start3A_9 = arith.constant 0 : i32
    %dma_start3A_10 = arith.constant 0 : i32
    %dma_start3A_11 = tpu.memref_slice %arg2[%dma_start3A_9, %dma_start3A_10] : memref<10000x128xf32, #tpu.memory_space<hbm>> -> memref<10000x128xf32, #tpu.memory_space<hbm>>
    tpu.enqueue_indirect_dma source(%dma_start3A_11 : memref<10000x128xf32, #tpu.memory_space<hbm>>) target(%dma_start3A_5 : memref<128x128xf32, #tpu.memory_space<vmem>>) offsets(%dma_start3A_8 : memref<128xi32, #tpu.memory_space<vmem>>) semaphore(%arg11 : memref<!tpu.dma_semaphore, #tpu.memory_space<semaphore_mem>>)
    %dma_start3A_12 = arith.constant 1 : i32
    %dma_start3A_13 = arith.constant 1 : i32
    %dma_start3A_14 = arith.constant 0 : i32
    %dma_start3A_15 = arith.constant 0 : i32
    %dma_start3A_16 = tpu.memref_slice %arg9[%dma_start3A_13, %dma_start3A_14, %dma_start3A_15] : memref<2x128x128xf32, #tpu.memory_space<vmem>> -> memref<1x128x128xf32, #tpu.memory_space<vmem>>
    %dma_start3A_17 = tpu.memref_squeeze %dma_start3A_16 : memref<1x128x128xf32, #tpu.memory_space<vmem>> -> memref<128x128xf32, #tpu.memory_space<vmem>>
    %dma_start3A_18 = arith.constant 0 : i32
    %dma_start3A_19 = tpu.memref_slice %arg7[%dma_start3A_12, %dma_start3A_18] : memref<160x128xi32, #tpu.memory_space<vmem>> -> memref<1x128xi32, #tpu.memory_space<vmem>>
    %dma_start3A_20 = tpu.memref_squeeze %dma_start3A_19 : memref<1x128xi32, #tpu.memory_space<vmem>> -> memref<128xi32, #tpu.memory_space<vmem>>
    %dma_start3A_21 = arith.constant 0 : i32
    %dma_start3A_22 = arith.constant 0 : i32
    %dma_start3A_23 = tpu.memref_slice %arg2[%dma_start3A_21, %dma_start3A_22] : memref<10000x128xf32, #tpu.memory_space<hbm>> -> memref<10000x128xf32, #tpu.memory_space<hbm>>
    tpu.enqueue_indirect_dma source(%dma_start3A_23 : memref<10000x128xf32, #tpu.memory_space<hbm>>) target(%dma_start3A_17 : memref<128x128xf32, #tpu.memory_space<vmem>>) offsets(%dma_start3A_20 : memref<128xi32, #tpu.memory_space<vmem>>) semaphore(%arg12 : memref<!tpu.dma_semaphore, #tpu.memory_space<semaphore_mem>>)
    %scan3A = arith.constant 0 : i32
    %scan3A_24 = arith.constant 80 : i32
    %scan3A_25 = arith.addi %scan3A, %scan3A_24 : i32
    %scan3A_26 = arith.constant 1 : i32
    scf.for %scan3A_30 = %scan3A to %scan3A_25 step %scan3A_26  : i32 {
      %mul3A_31 = arith.constant 2 : i32
      %mul3A_32 = arith.muli %scan3A_30, %mul3A_31 : i32
      %add3A = arith.constant 0 : i32
      %add3A_33 = arith.addi %add3A, %mul3A_32 : i32
      %add3A_34 = arith.constant 0 : i32
      %add3A_35 = arith.addi %add3A_33, %add3A_34 : i32
      %dma_wait3A = arith.constant 0 : i32
      %dma_wait3A_36 = arith.constant 0 : i32
      %dma_wait3A_37 = arith.constant 0 : i32
      %dma_wait3A_38 = arith.constant 0 : i32
      %dma_wait3A_39 = tpu.memref_slice %arg9[%dma_wait3A_36, %dma_wait3A_37, %dma_wait3A_38] : memref<2x128x128xf32, #tpu.memory_space<vmem>> -> memref<1x128x128xf32, #tpu.memory_space<vmem>>
      %dma_wait3A_40 = tpu.memref_squeeze %dma_wait3A_39 : memref<1x128x128xf32, #tpu.memory_space<vmem>> -> memref<128x128xf32, #tpu.memory_space<vmem>>
      %dma_wait3A_41 = arith.constant 0 : i32
      %dma_wait3A_42 = tpu.memref_slice %arg7[%dma_wait3A, %dma_wait3A_41] : memref<160x128xi32, #tpu.memory_space<vmem>> -> memref<1x128xi32, #tpu.memory_space<vmem>>
      %dma_wait3A_43 = tpu.memref_squeeze %dma_wait3A_42 : memref<1x128xi32, #tpu.memory_space<vmem>> -> memref<128xi32, #tpu.memory_space<vmem>>
      %dma_wait3A_44 = arith.constant 0 : i32
      %dma_wait3A_45 = arith.constant 0 : i32
      %dma_wait3A_46 = tpu.memref_slice %arg2[%dma_wait3A_44, %dma_wait3A_45] : memref<10000x128xf32, #tpu.memory_space<hbm>> -> memref<10000x128xf32, #tpu.memory_space<hbm>>
      tpu.wait_indirect_dma semaphore(%arg11 : memref<!tpu.dma_semaphore, #tpu.memory_space<semaphore_mem>>) src(%dma_wait3A_46 : memref<10000x128xf32, #tpu.memory_space<hbm>>) dst(%dma_wait3A_40 : memref<128x128xf32, #tpu.memory_space<vmem>>)
      %run_scoped3A_47 = arith.constant 0 : i32
      "tpu.region"() ({
        %run_scoped3A_74 = tpu.sem_alloc : memref<!tpu.dma_semaphore, #tpu.memory_space<semaphore_mem>>
        %dma_start3A_75 = arith.constant 0 : i32
        %dma_start3A_76 = arith.constant 0 : i32
        %dma_start3A_77 = tpu.memref_slice %arg9[%run_scoped3A_47, %dma_start3A_75, %dma_start3A_76] : memref<2x128x128xf32, #tpu.memory_space<vmem>> -> memref<1x128x128xf32, #tpu.memory_space<vmem>>
        %dma_start3A_78 = tpu.memref_squeeze %dma_start3A_77 : memref<1x128x128xf32, #tpu.memory_space<vmem>> -> memref<128x128xf32, #tpu.memory_space<vmem>>
        %dma_start3A_79 = arith.constant 0 : i32
        %dma_start3A_80 = tpu.memref_slice %arg8[%add3A_35, %dma_start3A_79] : memref<160x128xi32, #tpu.memory_space<vmem>> -> memref<1x128xi32, #tpu.memory_space<vmem>>
        %dma_start3A_81 = tpu.memref_squeeze %dma_start3A_80 : memref<1x128xi32, #tpu.memory_space<vmem>> -> memref<128xi32, #tpu.memory_space<vmem>>
        %dma_start3A_82 = arith.constant 0 : i32
        %dma_start3A_83 = arith.constant 0 : i32
        %dma_start3A_84 = tpu.memref_slice %arg10[%dma_start3A_82, %dma_start3A_83] : memref<5376x128xf32, #tpu.memory_space<vmem_shared>> -> memref<5376x128xf32, #tpu.memory_space<vmem_shared>>
        tpu.enqueue_indirect_dma source(%dma_start3A_78 : memref<128x128xf32, #tpu.memory_space<vmem>>) target(%dma_start3A_84 : memref<5376x128xf32, #tpu.memory_space<vmem_shared>>) offsets(%dma_start3A_81 : memref<128xi32, #tpu.memory_space<vmem>>) semaphore(%run_scoped3A_74 : memref<!tpu.dma_semaphore, #tpu.memory_space<semaphore_mem>>) {add = true}
        %dma_wait3A_85 = arith.constant 0 : i32
        %dma_wait3A_86 = arith.constant 0 : i32
        %dma_wait3A_87 = tpu.memref_slice %arg9[%run_scoped3A_47, %dma_wait3A_85, %dma_wait3A_86] : memref<2x128x128xf32, #tpu.memory_space<vmem>> -> memref<1x128x128xf32, #tpu.memory_space<vmem>>
        %dma_wait3A_88 = tpu.memref_squeeze %dma_wait3A_87 : memref<1x128x128xf32, #tpu.memory_space<vmem>> -> memref<128x128xf32, #tpu.memory_space<vmem>>
        %dma_wait3A_89 = arith.constant 0 : i32
        %dma_wait3A_90 = tpu.memref_slice %arg8[%add3A_35, %dma_wait3A_89] : memref<160x128xi32, #tpu.memory_space<vmem>> -> memref<1x128xi32, #tpu.memory_space<vmem>>
        %dma_wait3A_91 = tpu.memref_squeeze %dma_wait3A_90 : memref<1x128xi32, #tpu.memory_space<vmem>> -> memref<128xi32, #tpu.memory_space<vmem>>
        %dma_wait3A_92 = arith.constant 0 : i32
        %dma_wait3A_93 = arith.constant 0 : i32
        %dma_wait3A_94 = tpu.memref_slice %arg10[%dma_wait3A_92, %dma_wait3A_93] : memref<5376x128xf32, #tpu.memory_space<vmem_shared>> -> memref<5376x128xf32, #tpu.memory_space<vmem_shared>>
        tpu.wait_indirect_dma semaphore(%run_scoped3A_74 : memref<!tpu.dma_semaphore, #tpu.memory_space<semaphore_mem>>) src(%dma_wait3A_88 : memref<128x128xf32, #tpu.memory_space<vmem>>) dst(%dma_wait3A_94 : memref<5376x128xf32, #tpu.memory_space<vmem_shared>>)
        tpu.yield
      }) : () -> ()
      %add3A_48 = arith.constant 2 : i32
      %add3A_49 = arith.addi %add3A_35, %add3A_48 : i32
      %lt3A = arith.constant 160 : i32
      %lt3A_50 = arith.cmpi slt, %add3A_49, %lt3A : i32
      %convert_element_type3A = arith.extui %lt3A_50 : i1 to i32
      %cond3A = arith.constant 0 : i32
      %cond3A_51 = arith.cmpi ne, %convert_element_type3A, %cond3A : i32
      scf.if %cond3A_51 {
        %add3A_74 = arith.constant 2 : i32
        %add3A_75 = arith.addi %add3A_35, %add3A_74 : i32
        %dma_start3A_76 = arith.constant 0 : i32
        %dma_start3A_77 = arith.constant 0 : i32
        %dma_start3A_78 = arith.constant 0 : i32
        %dma_start3A_79 = tpu.memref_slice %arg9[%dma_start3A_76, %dma_start3A_77, %dma_start3A_78] : memref<2x128x128xf32, #tpu.memory_space<vmem>> -> memref<1x128x128xf32, #tpu.memory_space<vmem>>
        %dma_start3A_80 = tpu.memref_squeeze %dma_start3A_79 : memref<1x128x128xf32, #tpu.memory_space<vmem>> -> memref<128x128xf32, #tpu.memory_space<vmem>>
        %dma_start3A_81 = arith.constant 0 : i32
        %dma_start3A_82 = tpu.memref_slice %arg7[%add3A_75, %dma_start3A_81] : memref<160x128xi32, #tpu.memory_space<vmem>> -> memref<1x128xi32, #tpu.memory_space<vmem>>
        %dma_start3A_83 = tpu.memref_squeeze %dma_start3A_82 : memref<1x128xi32, #tpu.memory_space<vmem>> -> memref<128xi32, #tpu.memory_space<vmem>>
        %dma_start3A_84 = arith.constant 0 : i32
        %dma_start3A_85 = arith.constant 0 : i32
        %dma_start3A_86 = tpu.memref_slice %arg2[%dma_start3A_84, %dma_start3A_85] : memref<10000x128xf32, #tpu.memory_space<hbm>> -> memref<10000x128xf32, #tpu.memory_space<hbm>>
        tpu.enqueue_indirect_dma source(%dma_start3A_86 : memref<10000x128xf32, #tpu.memory_space<hbm>>) target(%dma_start3A_80 : memref<128x128xf32, #tpu.memory_space<vmem>>) offsets(%dma_start3A_83 : memref<128xi32, #tpu.memory_space<vmem>>) semaphore(%arg11 : memref<!tpu.dma_semaphore, #tpu.memory_space<semaphore_mem>>)
      } else {
      }
      %add3A_52 = arith.constant 1 : i32
      %add3A_53 = arith.addi %add3A_33, %add3A_52 : i32
      %dma_wait3A_54 = arith.constant 0 : i32
      %dma_wait3A_55 = arith.constant 1 : i32
      %dma_wait3A_56 = arith.constant 0 : i32
      %dma_wait3A_57 = arith.constant 0 : i32
      %dma_wait3A_58 = tpu.memref_slice %arg9[%dma_wait3A_55, %dma_wait3A_56, %dma_wait3A_57] : memref<2x128x128xf32, #tpu.memory_space<vmem>> -> memref<1x128x128xf32, #tpu.memory_space<vmem>>
      %dma_wait3A_59 = tpu.memref_squeeze %dma_wait3A_58 : memref<1x128x128xf32, #tpu.memory_space<vmem>> -> memref<128x128xf32, #tpu.memory_space<vmem>>
      %dma_wait3A_60 = arith.constant 0 : i32
      %dma_wait3A_61 = tpu.memref_slice %arg7[%dma_wait3A_54, %dma_wait3A_60] : memref<160x128xi32, #tpu.memory_space<vmem>> -> memref<1x128xi32, #tpu.memory_space<vmem>>
      %dma_wait3A_62 = tpu.memref_squeeze %dma_wait3A_61 : memref<1x128xi32, #tpu.memory_space<vmem>> -> memref<128xi32, #tpu.memory_space<vmem>>
      %dma_wait3A_63 = arith.constant 0 : i32
      %dma_wait3A_64 = arith.constant 0 : i32
      %dma_wait3A_65 = tpu.memref_slice %arg2[%dma_wait3A_63, %dma_wait3A_64] : memref<10000x128xf32, #tpu.memory_space<hbm>> -> memref<10000x128xf32, #tpu.memory_space<hbm>>
      tpu.wait_indirect_dma semaphore(%arg12 : memref<!tpu.dma_semaphore, #tpu.memory_space<semaphore_mem>>) src(%dma_wait3A_65 : memref<10000x128xf32, #tpu.memory_space<hbm>>) dst(%dma_wait3A_59 : memref<128x128xf32, #tpu.memory_space<vmem>>)
      %run_scoped3A_66 = arith.constant 1 : i32
      "tpu.region"() ({
        %run_scoped3A_74 = tpu.sem_alloc : memref<!tpu.dma_semaphore, #tpu.memory_space<semaphore_mem>>
        %dma_start3A_75 = arith.constant 0 : i32
        %dma_start3A_76 = arith.constant 0 : i32
        %dma_start3A_77 = tpu.memref_slice %arg9[%run_scoped3A_66, %dma_start3A_75, %dma_start3A_76] : memref<2x128x128xf32, #tpu.memory_space<vmem>> -> memref<1x128x128xf32, #tpu.memory_space<vmem>>
        %dma_start3A_78 = tpu.memref_squeeze %dma_start3A_77 : memref<1x128x128xf32, #tpu.memory_space<vmem>> -> memref<128x128xf32, #tpu.memory_space<vmem>>
        %dma_start3A_79 = arith.constant 0 : i32
        %dma_start3A_80 = tpu.memref_slice %arg8[%add3A_53, %dma_start3A_79] : memref<160x128xi32, #tpu.memory_space<vmem>> -> memref<1x128xi32, #tpu.memory_space<vmem>>
        %dma_start3A_81 = tpu.memref_squeeze %dma_start3A_80 : memref<1x128xi32, #tpu.memory_space<vmem>> -> memref<128xi32, #tpu.memory_space<vmem>>
        %dma_start3A_82 = arith.constant 0 : i32
        %dma_start3A_83 = arith.constant 0 : i32
        %dma_start3A_84 = tpu.memref_slice %arg10[%dma_start3A_82, %dma_start3A_83] : memref<5376x128xf32, #tpu.memory_space<vmem_shared>> -> memref<5376x128xf32, #tpu.memory_space<vmem_shared>>
        tpu.enqueue_indirect_dma source(%dma_start3A_78 : memref<128x128xf32, #tpu.memory_space<vmem>>) target(%dma_start3A_84 : memref<5376x128xf32, #tpu.memory_space<vmem_shared>>) offsets(%dma_start3A_81 : memref<128xi32, #tpu.memory_space<vmem>>) semaphore(%run_scoped3A_74 : memref<!tpu.dma_semaphore, #tpu.memory_space<semaphore_mem>>) {add = true}
        %dma_wait3A_85 = arith.constant 0 : i32
        %dma_wait3A_86 = arith.constant 0 : i32
        %dma_wait3A_87 = tpu.memref_slice %arg9[%run_scoped3A_66, %dma_wait3A_85, %dma_wait3A_86] : memref<2x128x128xf32, #tpu.memory_space<vmem>> -> memref<1x128x128xf32, #tpu.memory_space<vmem>>
        %dma_wait3A_88 = tpu.memref_squeeze %dma_wait3A_87 : memref<1x128x128xf32, #tpu.memory_space<vmem>> -> memref<128x128xf32, #tpu.memory_space<vmem>>
        %dma_wait3A_89 = arith.constant 0 : i32
        %dma_wait3A_90 = tpu.memref_slice %arg8[%add3A_53, %dma_wait3A_89] : memref<160x128xi32, #tpu.memory_space<vmem>> -> memref<1x128xi32, #tpu.memory_space<vmem>>
        %dma_wait3A_91 = tpu.memref_squeeze %dma_wait3A_90 : memref<1x128xi32, #tpu.memory_space<vmem>> -> memref<128xi32, #tpu.memory_space<vmem>>
        %dma_wait3A_92 = arith.constant 0 : i32
        %dma_wait3A_93 = arith.constant 0 : i32
        %dma_wait3A_94 = tpu.memref_slice %arg10[%dma_wait3A_92, %dma_wait3A_93] : memref<5376x128xf32, #tpu.memory_space<vmem_shared>> -> memref<5376x128xf32, #tpu.memory_space<vmem_shared>>
        tpu.wait_indirect_dma semaphore(%run_scoped3A_74 : memref<!tpu.dma_semaphore, #tpu.memory_space<semaphore_mem>>) src(%dma_wait3A_88 : memref<128x128xf32, #tpu.memory_space<vmem>>) dst(%dma_wait3A_94 : memref<5376x128xf32, #tpu.memory_space<vmem_shared>>)
        tpu.yield
      }) : () -> ()
      %add3A_67 = arith.constant 2 : i32
      %add3A_68 = arith.addi %add3A_53, %add3A_67 : i32
      %lt3A_69 = arith.constant 160 : i32
      %lt3A_70 = arith.cmpi slt, %add3A_68, %lt3A_69 : i32
      %convert_element_type3A_71 = arith.extui %lt3A_70 : i1 to i32
      %cond3A_72 = arith.constant 0 : i32
      %cond3A_73 = arith.cmpi ne, %convert_element_type3A_71, %cond3A_72 : i32
      scf.if %cond3A_73 {
        %add3A_74 = arith.constant 2 : i32
        %add3A_75 = arith.addi %add3A_53, %add3A_74 : i32
        %dma_start3A_76 = arith.constant 1 : i32
        %dma_start3A_77 = arith.constant 0 : i32
        %dma_start3A_78 = arith.constant 0 : i32
        %dma_start3A_79 = tpu.memref_slice %arg9[%dma_start3A_76, %dma_start3A_77, %dma_start3A_78] : memref<2x128x128xf32, #tpu.memory_space<vmem>> -> memref<1x128x128xf32, #tpu.memory_space<vmem>>
        %dma_start3A_80 = tpu.memref_squeeze %dma_start3A_79 : memref<1x128x128xf32, #tpu.memory_space<vmem>> -> memref<128x128xf32, #tpu.memory_space<vmem>>
        %dma_start3A_81 = arith.constant 0 : i32
        %dma_start3A_82 = tpu.memref_slice %arg7[%add3A_75, %dma_start3A_81] : memref<160x128xi32, #tpu.memory_space<vmem>> -> memref<1x128xi32, #tpu.memory_space<vmem>>
        %dma_start3A_83 = tpu.memref_squeeze %dma_start3A_82 : memref<1x128xi32, #tpu.memory_space<vmem>> -> memref<128xi32, #tpu.memory_space<vmem>>
        %dma_start3A_84 = arith.constant 0 : i32
        %dma_start3A_85 = arith.constant 0 : i32
        %dma_start3A_86 = tpu.memref_slice %arg2[%dma_start3A_84, %dma_start3A_85] : memref<10000x128xf32, #tpu.memory_space<hbm>> -> memref<10000x128xf32, #tpu.memory_space<hbm>>
        tpu.enqueue_indirect_dma source(%dma_start3A_86 : memref<10000x128xf32, #tpu.memory_space<hbm>>) target(%dma_start3A_80 : memref<128x128xf32, #tpu.memory_space<vmem>>) offsets(%dma_start3A_83 : memref<128xi32, #tpu.memory_space<vmem>>) semaphore(%arg12 : memref<!tpu.dma_semaphore, #tpu.memory_space<semaphore_mem>>)
      } else {
      }
    }
    %scan3A_27 = arith.constant 80 : i32
    %barrier3A_28 = arith.constant 0 : index
    tpu.barrier barrier_id(%barrier3A_28)
    %run_scoped3A_29 = arith.constant 0 : i32
    "tpu.region"() ({
      %run_scoped3A_30 = tpu.sem_alloc : memref<!tpu.dma_semaphore, #tpu.memory_space<semaphore_mem>>
      %dma_start3A_31 = arith.constant 0 : i32
      %dma_start3A_32 = tpu.memref_slice %arg6[%arg0, %run_scoped3A_29, %mul3A_0, %dma_start3A_31] : memref<2x1x5376x128xf32, #tpu.memory_space<hbm>> -> memref<1x1x336x128xf32, #tpu.memory_space<hbm>>
      %dma_start3A_33 = tpu.memref_squeeze %dma_start3A_32 : memref<1x1x336x128xf32, #tpu.memory_space<hbm>> -> memref<336x128xf32, #tpu.memory_space<hbm>>
      %dma_start3A_34 = arith.constant 0 : i32
      %dma_start3A_35 = tpu.memref_slice %arg10[%mul3A_0, %dma_start3A_34] : memref<5376x128xf32, #tpu.memory_space<vmem_shared>> -> memref<336x128xf32, #tpu.memory_space<vmem_shared>>
      tpu.enqueue_dma source(%dma_start3A_35 : memref<336x128xf32, #tpu.memory_space<vmem_shared>>) target(%dma_start3A_33 : memref<336x128xf32, #tpu.memory_space<hbm>>) target_semaphore(%run_scoped3A_30 : memref<!tpu.dma_semaphore, #tpu.memory_space<semaphore_mem>>)
      %dma_wait3A = arith.constant 0 : i32
      %dma_wait3A_36 = tpu.memref_slice %arg6[%arg0, %run_scoped3A_29, %mul3A_0, %dma_wait3A] : memref<2x1x5376x128xf32, #tpu.memory_space<hbm>> -> memref<1x1x336x128xf32, #tpu.memory_space<hbm>>
      %dma_wait3A_37 = tpu.memref_squeeze %dma_wait3A_36 : memref<1x1x336x128xf32, #tpu.memory_space<hbm>> -> memref<336x128xf32, #tpu.memory_space<hbm>>
      %dma_wait3A_38 = arith.constant 0 : i32
      %dma_wait3A_39 = tpu.memref_slice %arg10[%mul3A_0, %dma_wait3A_38] : memref<5376x128xf32, #tpu.memory_space<vmem_shared>> -> memref<336x128xf32, #tpu.memory_space<vmem_shared>>
      tpu.wait_dma2 semaphore(%run_scoped3A_30 : memref<!tpu.dma_semaphore, #tpu.memory_space<semaphore_mem>>) src(%dma_wait3A_39 : memref<336x128xf32, #tpu.memory_space<vmem_shared>>) dst(%dma_wait3A_37 : memref<336x128xf32, #tpu.memory_space<hbm>>)
      tpu.yield
    }) : () -> ()
    return
  }
}

#map = affine_map<(d0, d1) -> (0, 0)>
#map1 = affine_map<(d0, d1) -> (0, 0, 0)>
module attributes {stable_mosaic.version = 14 : i64} {
  func.func @_sc_target_gather(%arg0: i32, %arg1: i32, %arg2: memref<10000x256xf32, #tpu.memory_space<hbm>>, %arg3: memref<32x2x128xi32, #tpu.memory_space<hbm>>, %arg4: memref<8192x256xf32, #tpu.memory_space<hbm>>, %arg5: memref<2x128xi32, #tpu.memory_space<vmem>>, %arg6: memref<256x256xf32, #tpu.memory_space<vmem>>, %arg7: memref<!tpu.dma_semaphore, #tpu.memory_space<semaphore_mem>>) attributes {dimension_semantics = [#tpu.dimension_semantics<core_parallel>, #tpu.dimension_semantics<subcore_parallel>], iteration_bounds = array<i64: 2, 16>, scalar_prefetch = 0 : i64, scratch_operands = 3 : i64, tpu.core_type = #tpu.core_type<sc_vector_subcore>, window_params = [{transform_indices = #map}, {transform_indices = #map1}, {transform_indices = #map}]} {
    %mul3A = arith.constant 16 : i32
    %mul3A_0 = arith.muli %arg0, %mul3A : i32
    %add3A = arith.addi %mul3A_0, %arg1 : i32
    "tpu.region"() ({
      %run_scoped3A = tpu.sem_alloc : memref<!tpu.dma_semaphore, #tpu.memory_space<semaphore_mem>>
      %dma_start3A_43 = arith.constant 0 : i32
      %dma_start3A_44 = arith.constant 0 : i32
      %dma_start3A_45 = tpu.memref_slice %arg3[%add3A, %dma_start3A_43, %dma_start3A_44] : memref<32x2x128xi32, #tpu.memory_space<hbm>> -> memref<1x2x128xi32, #tpu.memory_space<hbm>>
      %dma_start3A_46 = tpu.memref_squeeze %dma_start3A_45 : memref<1x2x128xi32, #tpu.memory_space<hbm>> -> memref<2x128xi32, #tpu.memory_space<hbm>>
      %dma_start3A_47 = arith.constant 0 : i32
      %dma_start3A_48 = arith.constant 0 : i32
      %dma_start3A_49 = tpu.memref_slice %arg3[%add3A, %dma_start3A_47, %dma_start3A_48] : memref<32x2x128xi32, #tpu.memory_space<hbm>> -> memref<1x2x128xi32, #tpu.memory_space<hbm>>
      %dma_start3A_50 = tpu.memref_squeeze %dma_start3A_49 : memref<1x2x128xi32, #tpu.memory_space<hbm>> -> memref<2x128xi32, #tpu.memory_space<hbm>>
      tpu.enqueue_dma source(%dma_start3A_50 : memref<2x128xi32, #tpu.memory_space<hbm>>) target(%arg5 : memref<2x128xi32, #tpu.memory_space<vmem>>) target_semaphore(%run_scoped3A : memref<!tpu.dma_semaphore, #tpu.memory_space<semaphore_mem>>)
      %dma_wait3A_51 = arith.constant 0 : i32
      %dma_wait3A_52 = arith.constant 0 : i32
      %dma_wait3A_53 = tpu.memref_slice %arg3[%add3A, %dma_wait3A_51, %dma_wait3A_52] : memref<32x2x128xi32, #tpu.memory_space<hbm>> -> memref<1x2x128xi32, #tpu.memory_space<hbm>>
      %dma_wait3A_54 = tpu.memref_squeeze %dma_wait3A_53 : memref<1x2x128xi32, #tpu.memory_space<hbm>> -> memref<2x128xi32, #tpu.memory_space<hbm>>
      %dma_wait3A_55 = arith.constant 0 : i32
      %dma_wait3A_56 = arith.constant 0 : i32
      %dma_wait3A_57 = tpu.memref_slice %arg3[%add3A, %dma_wait3A_55, %dma_wait3A_56] : memref<32x2x128xi32, #tpu.memory_space<hbm>> -> memref<1x2x128xi32, #tpu.memory_space<hbm>>
      %dma_wait3A_58 = tpu.memref_squeeze %dma_wait3A_57 : memref<1x2x128xi32, #tpu.memory_space<hbm>> -> memref<2x128xi32, #tpu.memory_space<hbm>>
      tpu.wait_dma2 semaphore(%run_scoped3A : memref<!tpu.dma_semaphore, #tpu.memory_space<semaphore_mem>>) src(%dma_wait3A_58 : memref<2x128xi32, #tpu.memory_space<hbm>>) dst(%arg5 : memref<2x128xi32, #tpu.memory_space<vmem>>)
      tpu.yield
    }) : () -> ()
    %dma_start3A = arith.constant 0 : i32
    %dma_start3A_1 = arith.constant 0 : i32
    %dma_start3A_2 = arith.constant 0 : i32
    %dma_start3A_3 = tpu.memref_slice %arg6[%dma_start3A_1, %dma_start3A_2] : memref<256x256xf32, #tpu.memory_space<vmem>> -> memref<128x256xf32, #tpu.memory_space<vmem>>
    %dma_start3A_4 = arith.constant 0 : i32
    %dma_start3A_5 = tpu.memref_slice %arg5[%dma_start3A, %dma_start3A_4] : memref<2x128xi32, #tpu.memory_space<vmem>> -> memref<1x128xi32, #tpu.memory_space<vmem>>
    %dma_start3A_6 = tpu.memref_squeeze %dma_start3A_5 : memref<1x128xi32, #tpu.memory_space<vmem>> -> memref<128xi32, #tpu.memory_space<vmem>>
    %dma_start3A_7 = arith.constant 0 : i32
    %dma_start3A_8 = arith.constant 0 : i32
    %dma_start3A_9 = tpu.memref_slice %arg2[%dma_start3A_7, %dma_start3A_8] : memref<10000x256xf32, #tpu.memory_space<hbm>> -> memref<10000x256xf32, #tpu.memory_space<hbm>>
    tpu.enqueue_indirect_dma source(%dma_start3A_9 : memref<10000x256xf32, #tpu.memory_space<hbm>>) target(%dma_start3A_3 : memref<128x256xf32, #tpu.memory_space<vmem>>) offsets(%dma_start3A_6 : memref<128xi32, #tpu.memory_space<vmem>>) semaphore(%arg7 : memref<!tpu.dma_semaphore, #tpu.memory_space<semaphore_mem>>)
    %dma_wait3A = arith.constant 0 : i32
    %dma_wait3A_10 = arith.constant 0 : i32
    %dma_wait3A_11 = arith.constant 0 : i32
    %dma_wait3A_12 = tpu.memref_slice %arg6[%dma_wait3A_10, %dma_wait3A_11] : memref<256x256xf32, #tpu.memory_space<vmem>> -> memref<128x256xf32, #tpu.memory_space<vmem>>
    %dma_wait3A_13 = arith.constant 0 : i32
    %dma_wait3A_14 = tpu.memref_slice %arg5[%dma_wait3A, %dma_wait3A_13] : memref<2x128xi32, #tpu.memory_space<vmem>> -> memref<1x128xi32, #tpu.memory_space<vmem>>
    %dma_wait3A_15 = tpu.memref_squeeze %dma_wait3A_14 : memref<1x128xi32, #tpu.memory_space<vmem>> -> memref<128xi32, #tpu.memory_space<vmem>>
    %dma_wait3A_16 = arith.constant 0 : i32
    %dma_wait3A_17 = arith.constant 0 : i32
    %dma_wait3A_18 = tpu.memref_slice %arg2[%dma_wait3A_16, %dma_wait3A_17] : memref<10000x256xf32, #tpu.memory_space<hbm>> -> memref<10000x256xf32, #tpu.memory_space<hbm>>
    tpu.wait_indirect_dma semaphore(%arg7 : memref<!tpu.dma_semaphore, #tpu.memory_space<semaphore_mem>>) src(%dma_wait3A_18 : memref<10000x256xf32, #tpu.memory_space<hbm>>) dst(%dma_wait3A_12 : memref<128x256xf32, #tpu.memory_space<vmem>>)
    %dma_start3A_19 = arith.constant 1 : i32
    %dma_start3A_20 = arith.constant 128 : i32
    %dma_start3A_21 = arith.constant 0 : i32
    %dma_start3A_22 = tpu.memref_slice %arg6[%dma_start3A_20, %dma_start3A_21] : memref<256x256xf32, #tpu.memory_space<vmem>> -> memref<128x256xf32, #tpu.memory_space<vmem>>
    %dma_start3A_23 = arith.constant 0 : i32
    %dma_start3A_24 = tpu.memref_slice %arg5[%dma_start3A_19, %dma_start3A_23] : memref<2x128xi32, #tpu.memory_space<vmem>> -> memref<1x128xi32, #tpu.memory_space<vmem>>
    %dma_start3A_25 = tpu.memref_squeeze %dma_start3A_24 : memref<1x128xi32, #tpu.memory_space<vmem>> -> memref<128xi32, #tpu.memory_space<vmem>>
    %dma_start3A_26 = arith.constant 0 : i32
    %dma_start3A_27 = arith.constant 0 : i32
    %dma_start3A_28 = tpu.memref_slice %arg2[%dma_start3A_26, %dma_start3A_27] : memref<10000x256xf32, #tpu.memory_space<hbm>> -> memref<10000x256xf32, #tpu.memory_space<hbm>>
    tpu.enqueue_indirect_dma source(%dma_start3A_28 : memref<10000x256xf32, #tpu.memory_space<hbm>>) target(%dma_start3A_22 : memref<128x256xf32, #tpu.memory_space<vmem>>) offsets(%dma_start3A_25 : memref<128xi32, #tpu.memory_space<vmem>>) semaphore(%arg7 : memref<!tpu.dma_semaphore, #tpu.memory_space<semaphore_mem>>)
    %dma_wait3A_29 = arith.constant 1 : i32
    %dma_wait3A_30 = arith.constant 128 : i32
    %dma_wait3A_31 = arith.constant 0 : i32
    %dma_wait3A_32 = tpu.memref_slice %arg6[%dma_wait3A_30, %dma_wait3A_31] : memref<256x256xf32, #tpu.memory_space<vmem>> -> memref<128x256xf32, #tpu.memory_space<vmem>>
    %dma_wait3A_33 = arith.constant 0 : i32
    %dma_wait3A_34 = tpu.memref_slice %arg5[%dma_wait3A_29, %dma_wait3A_33] : memref<2x128xi32, #tpu.memory_space<vmem>> -> memref<1x128xi32, #tpu.memory_space<vmem>>
    %dma_wait3A_35 = tpu.memref_squeeze %dma_wait3A_34 : memref<1x128xi32, #tpu.memory_space<vmem>> -> memref<128xi32, #tpu.memory_space<vmem>>
    %dma_wait3A_36 = arith.constant 0 : i32
    %dma_wait3A_37 = arith.constant 0 : i32
    %dma_wait3A_38 = tpu.memref_slice %arg2[%dma_wait3A_36, %dma_wait3A_37] : memref<10000x256xf32, #tpu.memory_space<hbm>> -> memref<10000x256xf32, #tpu.memory_space<hbm>>
    tpu.wait_indirect_dma semaphore(%arg7 : memref<!tpu.dma_semaphore, #tpu.memory_space<semaphore_mem>>) src(%dma_wait3A_38 : memref<10000x256xf32, #tpu.memory_space<hbm>>) dst(%dma_wait3A_32 : memref<128x256xf32, #tpu.memory_space<vmem>>)
    %mul3A_39 = arith.constant 2 : i32
    %mul3A_40 = arith.muli %add3A, %mul3A_39 : i32
    %mul3A_41 = arith.constant 128 : i32
    %mul3A_42 = arith.muli %mul3A_40, %mul3A_41 : i32
    "tpu.region"() ({
      %run_scoped3A = tpu.sem_alloc : memref<!tpu.dma_semaphore, #tpu.memory_space<semaphore_mem>>
      %dma_start3A_43 = arith.constant 0 : i32
      %dma_start3A_44 = tpu.memref_slice %arg4[%mul3A_42, %dma_start3A_43] : memref<8192x256xf32, #tpu.memory_space<hbm>> -> memref<256x256xf32, #tpu.memory_space<hbm>>
      %dma_start3A_45 = arith.constant 0 : i32
      %dma_start3A_46 = tpu.memref_slice %arg4[%mul3A_42, %dma_start3A_45] : memref<8192x256xf32, #tpu.memory_space<hbm>> -> memref<256x256xf32, #tpu.memory_space<hbm>>
      tpu.enqueue_dma source(%arg6 : memref<256x256xf32, #tpu.memory_space<vmem>>) target(%dma_start3A_46 : memref<256x256xf32, #tpu.memory_space<hbm>>) target_semaphore(%run_scoped3A : memref<!tpu.dma_semaphore, #tpu.memory_space<semaphore_mem>>)
      %dma_wait3A_47 = arith.constant 0 : i32
      %dma_wait3A_48 = tpu.memref_slice %arg4[%mul3A_42, %dma_wait3A_47] : memref<8192x256xf32, #tpu.memory_space<hbm>> -> memref<256x256xf32, #tpu.memory_space<hbm>>
      %dma_wait3A_49 = arith.constant 0 : i32
      %dma_wait3A_50 = tpu.memref_slice %arg4[%mul3A_42, %dma_wait3A_49] : memref<8192x256xf32, #tpu.memory_space<hbm>> -> memref<256x256xf32, #tpu.memory_space<hbm>>
      tpu.wait_dma2 semaphore(%run_scoped3A : memref<!tpu.dma_semaphore, #tpu.memory_space<semaphore_mem>>) src(%arg6 : memref<256x256xf32, #tpu.memory_space<vmem>>) dst(%dma_wait3A_50 : memref<256x256xf32, #tpu.memory_space<hbm>>)
      tpu.yield
    }) : () -> ()
    return
  }
}

#map = affine_map<(d0, d1) -> (0, 0)>
#map1 = affine_map<(d0, d1) -> (0, 0, 0, 0)>
module attributes {stable_mosaic.version = 14 : i64} {
  func.func @agg(%arg0: i32, %arg1: i32, %arg2: memref<20000x128xf32, #tpu.memory_space<hbm>>, %arg3: memref<2x16x160x128xi32, #tpu.memory_space<hbm>>, %arg4: memref<2x16x160x128xi32, #tpu.memory_space<hbm>>, %arg5: memref<336x128xf32, #tpu.memory_space<hbm>>, %arg6: memref<2x2x5376x128xf32, #tpu.memory_space<hbm>>, %arg7: memref<160x128xi32, #tpu.memory_space<vmem>>, %arg8: memref<160x128xi32, #tpu.memory_space<vmem>>, %arg9: memref<2x128x128xf32, #tpu.memory_space<vmem>>, %arg10: memref<5376x128xf32, #tpu.memory_space<vmem_shared>>, %arg11: memref<!tpu.dma_semaphore, #tpu.memory_space<semaphore_mem>>, %arg12: memref<!tpu.dma_semaphore, #tpu.memory_space<semaphore_mem>>) attributes {dimension_semantics = [#tpu.dimension_semantics<core_parallel>, #tpu.dimension_semantics<subcore_parallel>], iteration_bounds = array<i64: 2, 16>, scalar_prefetch = 0 : i64, scratch_operands = 6 : i64, tpu.core_type = #tpu.core_type<sc_vector_subcore>, window_params = [{transform_indices = #map}, {transform_indices = #map1}, {transform_indices = #map1}, {transform_indices = #map}, {transform_indices = #map1}]} {
    %mul3A = arith.constant 336 : i32
    %mul3A_0 = arith.muli %arg1, %mul3A : i32
    "tpu.region"() ({
      %run_scoped3A_63 = tpu.sem_alloc : memref<!tpu.dma_semaphore, #tpu.memory_space<semaphore_mem>>
      %dma_start3A_64 = arith.constant 0 : i32
      %dma_start3A_65 = arith.constant 0 : i32
      %dma_start3A_66 = tpu.memref_slice %arg4[%arg0, %arg1, %dma_start3A_64, %dma_start3A_65] : memref<2x16x160x128xi32, #tpu.memory_space<hbm>> -> memref<1x1x160x128xi32, #tpu.memory_space<hbm>>
      %dma_start3A_67 = tpu.memref_squeeze %dma_start3A_66 : memref<1x1x160x128xi32, #tpu.memory_space<hbm>> -> memref<160x128xi32, #tpu.memory_space<hbm>>
      %dma_start3A_68 = arith.constant 0 : i32
      %dma_start3A_69 = arith.constant 0 : i32
      %dma_start3A_70 = tpu.memref_slice %arg4[%arg0, %arg1, %dma_start3A_68, %dma_start3A_69] : memref<2x16x160x128xi32, #tpu.memory_space<hbm>> -> memref<1x1x160x128xi32, #tpu.memory_space<hbm>>
      %dma_start3A_71 = tpu.memref_squeeze %dma_start3A_70 : memref<1x1x160x128xi32, #tpu.memory_space<hbm>> -> memref<160x128xi32, #tpu.memory_space<hbm>>
      tpu.enqueue_dma source(%dma_start3A_71 : memref<160x128xi32, #tpu.memory_space<hbm>>) target(%arg8 : memref<160x128xi32, #tpu.memory_space<vmem>>) target_semaphore(%run_scoped3A_63 : memref<!tpu.dma_semaphore, #tpu.memory_space<semaphore_mem>>)
      %dma_wait3A = arith.constant 0 : i32
      %dma_wait3A_72 = arith.constant 0 : i32
      %dma_wait3A_73 = tpu.memref_slice %arg4[%arg0, %arg1, %dma_wait3A, %dma_wait3A_72] : memref<2x16x160x128xi32, #tpu.memory_space<hbm>> -> memref<1x1x160x128xi32, #tpu.memory_space<hbm>>
      %dma_wait3A_74 = tpu.memref_squeeze %dma_wait3A_73 : memref<1x1x160x128xi32, #tpu.memory_space<hbm>> -> memref<160x128xi32, #tpu.memory_space<hbm>>
      %dma_wait3A_75 = arith.constant 0 : i32
      %dma_wait3A_76 = arith.constant 0 : i32
      %dma_wait3A_77 = tpu.memref_slice %arg4[%arg0, %arg1, %dma_wait3A_75, %dma_wait3A_76] : memref<2x16x160x128xi32, #tpu.memory_space<hbm>> -> memref<1x1x160x128xi32, #tpu.memory_space<hbm>>
      %dma_wait3A_78 = tpu.memref_squeeze %dma_wait3A_77 : memref<1x1x160x128xi32, #tpu.memory_space<hbm>> -> memref<160x128xi32, #tpu.memory_space<hbm>>
      tpu.wait_dma2 semaphore(%run_scoped3A_63 : memref<!tpu.dma_semaphore, #tpu.memory_space<semaphore_mem>>) src(%dma_wait3A_78 : memref<160x128xi32, #tpu.memory_space<hbm>>) dst(%arg8 : memref<160x128xi32, #tpu.memory_space<vmem>>)
      tpu.yield
    }) : () -> ()
    "tpu.region"() ({
      %run_scoped3A_63 = tpu.sem_alloc : memref<!tpu.dma_semaphore, #tpu.memory_space<semaphore_mem>>
      %dma_start3A_64 = arith.constant 0 : i32
      %dma_start3A_65 = tpu.memref_slice %arg10[%mul3A_0, %dma_start3A_64] : memref<5376x128xf32, #tpu.memory_space<vmem_shared>> -> memref<336x128xf32, #tpu.memory_space<vmem_shared>>
      tpu.enqueue_dma source(%arg5 : memref<336x128xf32, #tpu.memory_space<hbm>>) target(%dma_start3A_65 : memref<336x128xf32, #tpu.memory_space<vmem_shared>>) target_semaphore(%run_scoped3A_63 : memref<!tpu.dma_semaphore, #tpu.memory_space<semaphore_mem>>)
      %dma_wait3A = arith.constant 0 : i32
      %dma_wait3A_66 = tpu.memref_slice %arg10[%mul3A_0, %dma_wait3A] : memref<5376x128xf32, #tpu.memory_space<vmem_shared>> -> memref<336x128xf32, #tpu.memory_space<vmem_shared>>
      tpu.wait_dma2 semaphore(%run_scoped3A_63 : memref<!tpu.dma_semaphore, #tpu.memory_space<semaphore_mem>>) src(%arg5 : memref<336x128xf32, #tpu.memory_space<hbm>>) dst(%dma_wait3A_66 : memref<336x128xf32, #tpu.memory_space<vmem_shared>>)
      tpu.yield
    }) : () -> ()
    %run_scoped3A = arith.constant 0 : i32
    "tpu.region"() ({
      %run_scoped3A_63 = tpu.sem_alloc : memref<!tpu.dma_semaphore, #tpu.memory_space<semaphore_mem>>
      %dma_start3A_64 = arith.constant 0 : i32
      %dma_start3A_65 = arith.constant 0 : i32
      %dma_start3A_66 = tpu.memref_slice %arg3[%run_scoped3A, %arg1, %dma_start3A_64, %dma_start3A_65] : memref<2x16x160x128xi32, #tpu.memory_space<hbm>> -> memref<1x1x160x128xi32, #tpu.memory_space<hbm>>
      %dma_start3A_67 = tpu.memref_squeeze %dma_start3A_66 : memref<1x1x160x128xi32, #tpu.memory_space<hbm>> -> memref<160x128xi32, #tpu.memory_space<hbm>>
      %dma_start3A_68 = arith.constant 0 : i32
      %dma_start3A_69 = arith.constant 0 : i32
      %dma_start3A_70 = tpu.memref_slice %arg3[%run_scoped3A, %arg1, %dma_start3A_68, %dma_start3A_69] : memref<2x16x160x128xi32, #tpu.memory_space<hbm>> -> memref<1x1x160x128xi32, #tpu.memory_space<hbm>>
      %dma_start3A_71 = tpu.memref_squeeze %dma_start3A_70 : memref<1x1x160x128xi32, #tpu.memory_space<hbm>> -> memref<160x128xi32, #tpu.memory_space<hbm>>
      tpu.enqueue_dma source(%dma_start3A_71 : memref<160x128xi32, #tpu.memory_space<hbm>>) target(%arg7 : memref<160x128xi32, #tpu.memory_space<vmem>>) target_semaphore(%run_scoped3A_63 : memref<!tpu.dma_semaphore, #tpu.memory_space<semaphore_mem>>)
      %dma_wait3A = arith.constant 0 : i32
      %dma_wait3A_72 = arith.constant 0 : i32
      %dma_wait3A_73 = tpu.memref_slice %arg3[%run_scoped3A, %arg1, %dma_wait3A, %dma_wait3A_72] : memref<2x16x160x128xi32, #tpu.memory_space<hbm>> -> memref<1x1x160x128xi32, #tpu.memory_space<hbm>>
      %dma_wait3A_74 = tpu.memref_squeeze %dma_wait3A_73 : memref<1x1x160x128xi32, #tpu.memory_space<hbm>> -> memref<160x128xi32, #tpu.memory_space<hbm>>
      %dma_wait3A_75 = arith.constant 0 : i32
      %dma_wait3A_76 = arith.constant 0 : i32
      %dma_wait3A_77 = tpu.memref_slice %arg3[%run_scoped3A, %arg1, %dma_wait3A_75, %dma_wait3A_76] : memref<2x16x160x128xi32, #tpu.memory_space<hbm>> -> memref<1x1x160x128xi32, #tpu.memory_space<hbm>>
      %dma_wait3A_78 = tpu.memref_squeeze %dma_wait3A_77 : memref<1x1x160x128xi32, #tpu.memory_space<hbm>> -> memref<160x128xi32, #tpu.memory_space<hbm>>
      tpu.wait_dma2 semaphore(%run_scoped3A_63 : memref<!tpu.dma_semaphore, #tpu.memory_space<semaphore_mem>>) src(%dma_wait3A_78 : memref<160x128xi32, #tpu.memory_space<hbm>>) dst(%arg7 : memref<160x128xi32, #tpu.memory_space<vmem>>)
      tpu.yield
    }) : () -> ()
    %barrier3A = arith.constant 0 : index
    tpu.barrier barrier_id(%barrier3A)
    %dma_start3A = arith.constant 0 : i32
    %dma_start3A_1 = arith.constant 0 : i32
    %dma_start3A_2 = arith.constant 0 : i32
    %dma_start3A_3 = arith.constant 0 : i32
    %dma_start3A_4 = tpu.memref_slice %arg9[%dma_start3A_1, %dma_start3A_2, %dma_start3A_3] : memref<2x128x128xf32, #tpu.memory_space<vmem>> -> memref<1x128x128xf32, #tpu.memory_space<vmem>>
    %dma_start3A_5 = tpu.memref_squeeze %dma_start3A_4 : memref<1x128x128xf32, #tpu.memory_space<vmem>> -> memref<128x128xf32, #tpu.memory_space<vmem>>
    %dma_start3A_6 = arith.constant 0 : i32
    %dma_start3A_7 = tpu.memref_slice %arg7[%dma_start3A, %dma_start3A_6] : memref<160x128xi32, #tpu.memory_space<vmem>> -> memref<1x128xi32, #tpu.memory_space<vmem>>
    %dma_start3A_8 = tpu.memref_squeeze %dma_start3A_7 : memref<1x128xi32, #tpu.memory_space<vmem>> -> memref<128xi32, #tpu.memory_space<vmem>>
    %dma_start3A_9 = arith.constant 0 : i32
    %dma_start3A_10 = arith.constant 0 : i32
    %dma_start3A_11 = tpu.memref_slice %arg2[%dma_start3A_9, %dma_start3A_10] : memref<20000x128xf32, #tpu.memory_space<hbm>> -> memref<20000x128xf32, #tpu.memory_space<hbm>>
    tpu.enqueue_indirect_dma source(%dma_start3A_11 : memref<20000x128xf32, #tpu.memory_space<hbm>>) target(%dma_start3A_5 : memref<128x128xf32, #tpu.memory_space<vmem>>) offsets(%dma_start3A_8 : memref<128xi32, #tpu.memory_space<vmem>>) semaphore(%arg11 : memref<!tpu.dma_semaphore, #tpu.memory_space<semaphore_mem>>)
    %dma_start3A_12 = arith.constant 1 : i32
    %dma_start3A_13 = arith.constant 1 : i32
    %dma_start3A_14 = arith.constant 0 : i32
    %dma_start3A_15 = arith.constant 0 : i32
    %dma_start3A_16 = tpu.memref_slice %arg9[%dma_start3A_13, %dma_start3A_14, %dma_start3A_15] : memref<2x128x128xf32, #tpu.memory_space<vmem>> -> memref<1x128x128xf32, #tpu.memory_space<vmem>>
    %dma_start3A_17 = tpu.memref_squeeze %dma_start3A_16 : memref<1x128x128xf32, #tpu.memory_space<vmem>> -> memref<128x128xf32, #tpu.memory_space<vmem>>
    %dma_start3A_18 = arith.constant 0 : i32
    %dma_start3A_19 = tpu.memref_slice %arg7[%dma_start3A_12, %dma_start3A_18] : memref<160x128xi32, #tpu.memory_space<vmem>> -> memref<1x128xi32, #tpu.memory_space<vmem>>
    %dma_start3A_20 = tpu.memref_squeeze %dma_start3A_19 : memref<1x128xi32, #tpu.memory_space<vmem>> -> memref<128xi32, #tpu.memory_space<vmem>>
    %dma_start3A_21 = arith.constant 0 : i32
    %dma_start3A_22 = arith.constant 0 : i32
    %dma_start3A_23 = tpu.memref_slice %arg2[%dma_start3A_21, %dma_start3A_22] : memref<20000x128xf32, #tpu.memory_space<hbm>> -> memref<20000x128xf32, #tpu.memory_space<hbm>>
    tpu.enqueue_indirect_dma source(%dma_start3A_23 : memref<20000x128xf32, #tpu.memory_space<hbm>>) target(%dma_start3A_17 : memref<128x128xf32, #tpu.memory_space<vmem>>) offsets(%dma_start3A_20 : memref<128xi32, #tpu.memory_space<vmem>>) semaphore(%arg12 : memref<!tpu.dma_semaphore, #tpu.memory_space<semaphore_mem>>)
    %scan3A = arith.constant 0 : i32
    %scan3A_24 = arith.constant 80 : i32
    %scan3A_25 = arith.addi %scan3A, %scan3A_24 : i32
    %scan3A_26 = arith.constant 1 : i32
    scf.for %scan3A_63 = %scan3A to %scan3A_25 step %scan3A_26  : i32 {
      %mul3A_64 = arith.constant 2 : i32
      %mul3A_65 = arith.muli %scan3A_63, %mul3A_64 : i32
      %add3A = arith.constant 0 : i32
      %add3A_66 = arith.addi %add3A, %mul3A_65 : i32
      %add3A_67 = arith.constant 0 : i32
      %add3A_68 = arith.addi %add3A_66, %add3A_67 : i32
      %dma_wait3A = arith.constant 0 : i32
      %dma_wait3A_69 = arith.constant 0 : i32
      %dma_wait3A_70 = arith.constant 0 : i32
      %dma_wait3A_71 = arith.constant 0 : i32
      %dma_wait3A_72 = tpu.memref_slice %arg9[%dma_wait3A_69, %dma_wait3A_70, %dma_wait3A_71] : memref<2x128x128xf32, #tpu.memory_space<vmem>> -> memref<1x128x128xf32, #tpu.memory_space<vmem>>
      %dma_wait3A_73 = tpu.memref_squeeze %dma_wait3A_72 : memref<1x128x128xf32, #tpu.memory_space<vmem>> -> memref<128x128xf32, #tpu.memory_space<vmem>>
      %dma_wait3A_74 = arith.constant 0 : i32
      %dma_wait3A_75 = tpu.memref_slice %arg7[%dma_wait3A, %dma_wait3A_74] : memref<160x128xi32, #tpu.memory_space<vmem>> -> memref<1x128xi32, #tpu.memory_space<vmem>>
      %dma_wait3A_76 = tpu.memref_squeeze %dma_wait3A_75 : memref<1x128xi32, #tpu.memory_space<vmem>> -> memref<128xi32, #tpu.memory_space<vmem>>
      %dma_wait3A_77 = arith.constant 0 : i32
      %dma_wait3A_78 = arith.constant 0 : i32
      %dma_wait3A_79 = tpu.memref_slice %arg2[%dma_wait3A_77, %dma_wait3A_78] : memref<20000x128xf32, #tpu.memory_space<hbm>> -> memref<20000x128xf32, #tpu.memory_space<hbm>>
      tpu.wait_indirect_dma semaphore(%arg11 : memref<!tpu.dma_semaphore, #tpu.memory_space<semaphore_mem>>) src(%dma_wait3A_79 : memref<20000x128xf32, #tpu.memory_space<hbm>>) dst(%dma_wait3A_73 : memref<128x128xf32, #tpu.memory_space<vmem>>)
      %run_scoped3A_80 = arith.constant 0 : i32
      "tpu.region"() ({
        %run_scoped3A_107 = tpu.sem_alloc : memref<!tpu.dma_semaphore, #tpu.memory_space<semaphore_mem>>
        %dma_start3A_108 = arith.constant 0 : i32
        %dma_start3A_109 = arith.constant 0 : i32
        %dma_start3A_110 = tpu.memref_slice %arg9[%run_scoped3A_80, %dma_start3A_108, %dma_start3A_109] : memref<2x128x128xf32, #tpu.memory_space<vmem>> -> memref<1x128x128xf32, #tpu.memory_space<vmem>>
        %dma_start3A_111 = tpu.memref_squeeze %dma_start3A_110 : memref<1x128x128xf32, #tpu.memory_space<vmem>> -> memref<128x128xf32, #tpu.memory_space<vmem>>
        %dma_start3A_112 = arith.constant 0 : i32
        %dma_start3A_113 = tpu.memref_slice %arg8[%add3A_68, %dma_start3A_112] : memref<160x128xi32, #tpu.memory_space<vmem>> -> memref<1x128xi32, #tpu.memory_space<vmem>>
        %dma_start3A_114 = tpu.memref_squeeze %dma_start3A_113 : memref<1x128xi32, #tpu.memory_space<vmem>> -> memref<128xi32, #tpu.memory_space<vmem>>
        %dma_start3A_115 = arith.constant 0 : i32
        %dma_start3A_116 = arith.constant 0 : i32
        %dma_start3A_117 = tpu.memref_slice %arg10[%dma_start3A_115, %dma_start3A_116] : memref<5376x128xf32, #tpu.memory_space<vmem_shared>> -> memref<5376x128xf32, #tpu.memory_space<vmem_shared>>
        tpu.enqueue_indirect_dma source(%dma_start3A_111 : memref<128x128xf32, #tpu.memory_space<vmem>>) target(%dma_start3A_117 : memref<5376x128xf32, #tpu.memory_space<vmem_shared>>) offsets(%dma_start3A_114 : memref<128xi32, #tpu.memory_space<vmem>>) semaphore(%run_scoped3A_107 : memref<!tpu.dma_semaphore, #tpu.memory_space<semaphore_mem>>) {add = true}
        %dma_wait3A_118 = arith.constant 0 : i32
        %dma_wait3A_119 = arith.constant 0 : i32
        %dma_wait3A_120 = tpu.memref_slice %arg9[%run_scoped3A_80, %dma_wait3A_118, %dma_wait3A_119] : memref<2x128x128xf32, #tpu.memory_space<vmem>> -> memref<1x128x128xf32, #tpu.memory_space<vmem>>
        %dma_wait3A_121 = tpu.memref_squeeze %dma_wait3A_120 : memref<1x128x128xf32, #tpu.memory_space<vmem>> -> memref<128x128xf32, #tpu.memory_space<vmem>>
        %dma_wait3A_122 = arith.constant 0 : i32
        %dma_wait3A_123 = tpu.memref_slice %arg8[%add3A_68, %dma_wait3A_122] : memref<160x128xi32, #tpu.memory_space<vmem>> -> memref<1x128xi32, #tpu.memory_space<vmem>>
        %dma_wait3A_124 = tpu.memref_squeeze %dma_wait3A_123 : memref<1x128xi32, #tpu.memory_space<vmem>> -> memref<128xi32, #tpu.memory_space<vmem>>
        %dma_wait3A_125 = arith.constant 0 : i32
        %dma_wait3A_126 = arith.constant 0 : i32
        %dma_wait3A_127 = tpu.memref_slice %arg10[%dma_wait3A_125, %dma_wait3A_126] : memref<5376x128xf32, #tpu.memory_space<vmem_shared>> -> memref<5376x128xf32, #tpu.memory_space<vmem_shared>>
        tpu.wait_indirect_dma semaphore(%run_scoped3A_107 : memref<!tpu.dma_semaphore, #tpu.memory_space<semaphore_mem>>) src(%dma_wait3A_121 : memref<128x128xf32, #tpu.memory_space<vmem>>) dst(%dma_wait3A_127 : memref<5376x128xf32, #tpu.memory_space<vmem_shared>>)
        tpu.yield
      }) : () -> ()
      %add3A_81 = arith.constant 2 : i32
      %add3A_82 = arith.addi %add3A_68, %add3A_81 : i32
      %lt3A = arith.constant 160 : i32
      %lt3A_83 = arith.cmpi slt, %add3A_82, %lt3A : i32
      %convert_element_type3A = arith.extui %lt3A_83 : i1 to i32
      %cond3A = arith.constant 0 : i32
      %cond3A_84 = arith.cmpi ne, %convert_element_type3A, %cond3A : i32
      scf.if %cond3A_84 {
        %add3A_107 = arith.constant 2 : i32
        %add3A_108 = arith.addi %add3A_68, %add3A_107 : i32
        %dma_start3A_109 = arith.constant 0 : i32
        %dma_start3A_110 = arith.constant 0 : i32
        %dma_start3A_111 = arith.constant 0 : i32
        %dma_start3A_112 = tpu.memref_slice %arg9[%dma_start3A_109, %dma_start3A_110, %dma_start3A_111] : memref<2x128x128xf32, #tpu.memory_space<vmem>> -> memref<1x128x128xf32, #tpu.memory_space<vmem>>
        %dma_start3A_113 = tpu.memref_squeeze %dma_start3A_112 : memref<1x128x128xf32, #tpu.memory_space<vmem>> -> memref<128x128xf32, #tpu.memory_space<vmem>>
        %dma_start3A_114 = arith.constant 0 : i32
        %dma_start3A_115 = tpu.memref_slice %arg7[%add3A_108, %dma_start3A_114] : memref<160x128xi32, #tpu.memory_space<vmem>> -> memref<1x128xi32, #tpu.memory_space<vmem>>
        %dma_start3A_116 = tpu.memref_squeeze %dma_start3A_115 : memref<1x128xi32, #tpu.memory_space<vmem>> -> memref<128xi32, #tpu.memory_space<vmem>>
        %dma_start3A_117 = arith.constant 0 : i32
        %dma_start3A_118 = arith.constant 0 : i32
        %dma_start3A_119 = tpu.memref_slice %arg2[%dma_start3A_117, %dma_start3A_118] : memref<20000x128xf32, #tpu.memory_space<hbm>> -> memref<20000x128xf32, #tpu.memory_space<hbm>>
        tpu.enqueue_indirect_dma source(%dma_start3A_119 : memref<20000x128xf32, #tpu.memory_space<hbm>>) target(%dma_start3A_113 : memref<128x128xf32, #tpu.memory_space<vmem>>) offsets(%dma_start3A_116 : memref<128xi32, #tpu.memory_space<vmem>>) semaphore(%arg11 : memref<!tpu.dma_semaphore, #tpu.memory_space<semaphore_mem>>)
      } else {
      }
      %add3A_85 = arith.constant 1 : i32
      %add3A_86 = arith.addi %add3A_66, %add3A_85 : i32
      %dma_wait3A_87 = arith.constant 0 : i32
      %dma_wait3A_88 = arith.constant 1 : i32
      %dma_wait3A_89 = arith.constant 0 : i32
      %dma_wait3A_90 = arith.constant 0 : i32
      %dma_wait3A_91 = tpu.memref_slice %arg9[%dma_wait3A_88, %dma_wait3A_89, %dma_wait3A_90] : memref<2x128x128xf32, #tpu.memory_space<vmem>> -> memref<1x128x128xf32, #tpu.memory_space<vmem>>
      %dma_wait3A_92 = tpu.memref_squeeze %dma_wait3A_91 : memref<1x128x128xf32, #tpu.memory_space<vmem>> -> memref<128x128xf32, #tpu.memory_space<vmem>>
      %dma_wait3A_93 = arith.constant 0 : i32
      %dma_wait3A_94 = tpu.memref_slice %arg7[%dma_wait3A_87, %dma_wait3A_93] : memref<160x128xi32, #tpu.memory_space<vmem>> -> memref<1x128xi32, #tpu.memory_space<vmem>>
      %dma_wait3A_95 = tpu.memref_squeeze %dma_wait3A_94 : memref<1x128xi32, #tpu.memory_space<vmem>> -> memref<128xi32, #tpu.memory_space<vmem>>
      %dma_wait3A_96 = arith.constant 0 : i32
      %dma_wait3A_97 = arith.constant 0 : i32
      %dma_wait3A_98 = tpu.memref_slice %arg2[%dma_wait3A_96, %dma_wait3A_97] : memref<20000x128xf32, #tpu.memory_space<hbm>> -> memref<20000x128xf32, #tpu.memory_space<hbm>>
      tpu.wait_indirect_dma semaphore(%arg12 : memref<!tpu.dma_semaphore, #tpu.memory_space<semaphore_mem>>) src(%dma_wait3A_98 : memref<20000x128xf32, #tpu.memory_space<hbm>>) dst(%dma_wait3A_92 : memref<128x128xf32, #tpu.memory_space<vmem>>)
      %run_scoped3A_99 = arith.constant 1 : i32
      "tpu.region"() ({
        %run_scoped3A_107 = tpu.sem_alloc : memref<!tpu.dma_semaphore, #tpu.memory_space<semaphore_mem>>
        %dma_start3A_108 = arith.constant 0 : i32
        %dma_start3A_109 = arith.constant 0 : i32
        %dma_start3A_110 = tpu.memref_slice %arg9[%run_scoped3A_99, %dma_start3A_108, %dma_start3A_109] : memref<2x128x128xf32, #tpu.memory_space<vmem>> -> memref<1x128x128xf32, #tpu.memory_space<vmem>>
        %dma_start3A_111 = tpu.memref_squeeze %dma_start3A_110 : memref<1x128x128xf32, #tpu.memory_space<vmem>> -> memref<128x128xf32, #tpu.memory_space<vmem>>
        %dma_start3A_112 = arith.constant 0 : i32
        %dma_start3A_113 = tpu.memref_slice %arg8[%add3A_86, %dma_start3A_112] : memref<160x128xi32, #tpu.memory_space<vmem>> -> memref<1x128xi32, #tpu.memory_space<vmem>>
        %dma_start3A_114 = tpu.memref_squeeze %dma_start3A_113 : memref<1x128xi32, #tpu.memory_space<vmem>> -> memref<128xi32, #tpu.memory_space<vmem>>
        %dma_start3A_115 = arith.constant 0 : i32
        %dma_start3A_116 = arith.constant 0 : i32
        %dma_start3A_117 = tpu.memref_slice %arg10[%dma_start3A_115, %dma_start3A_116] : memref<5376x128xf32, #tpu.memory_space<vmem_shared>> -> memref<5376x128xf32, #tpu.memory_space<vmem_shared>>
        tpu.enqueue_indirect_dma source(%dma_start3A_111 : memref<128x128xf32, #tpu.memory_space<vmem>>) target(%dma_start3A_117 : memref<5376x128xf32, #tpu.memory_space<vmem_shared>>) offsets(%dma_start3A_114 : memref<128xi32, #tpu.memory_space<vmem>>) semaphore(%run_scoped3A_107 : memref<!tpu.dma_semaphore, #tpu.memory_space<semaphore_mem>>) {add = true}
        %dma_wait3A_118 = arith.constant 0 : i32
        %dma_wait3A_119 = arith.constant 0 : i32
        %dma_wait3A_120 = tpu.memref_slice %arg9[%run_scoped3A_99, %dma_wait3A_118, %dma_wait3A_119] : memref<2x128x128xf32, #tpu.memory_space<vmem>> -> memref<1x128x128xf32, #tpu.memory_space<vmem>>
        %dma_wait3A_121 = tpu.memref_squeeze %dma_wait3A_120 : memref<1x128x128xf32, #tpu.memory_space<vmem>> -> memref<128x128xf32, #tpu.memory_space<vmem>>
        %dma_wait3A_122 = arith.constant 0 : i32
        %dma_wait3A_123 = tpu.memref_slice %arg8[%add3A_86, %dma_wait3A_122] : memref<160x128xi32, #tpu.memory_space<vmem>> -> memref<1x128xi32, #tpu.memory_space<vmem>>
        %dma_wait3A_124 = tpu.memref_squeeze %dma_wait3A_123 : memref<1x128xi32, #tpu.memory_space<vmem>> -> memref<128xi32, #tpu.memory_space<vmem>>
        %dma_wait3A_125 = arith.constant 0 : i32
        %dma_wait3A_126 = arith.constant 0 : i32
        %dma_wait3A_127 = tpu.memref_slice %arg10[%dma_wait3A_125, %dma_wait3A_126] : memref<5376x128xf32, #tpu.memory_space<vmem_shared>> -> memref<5376x128xf32, #tpu.memory_space<vmem_shared>>
        tpu.wait_indirect_dma semaphore(%run_scoped3A_107 : memref<!tpu.dma_semaphore, #tpu.memory_space<semaphore_mem>>) src(%dma_wait3A_121 : memref<128x128xf32, #tpu.memory_space<vmem>>) dst(%dma_wait3A_127 : memref<5376x128xf32, #tpu.memory_space<vmem_shared>>)
        tpu.yield
      }) : () -> ()
      %add3A_100 = arith.constant 2 : i32
      %add3A_101 = arith.addi %add3A_86, %add3A_100 : i32
      %lt3A_102 = arith.constant 160 : i32
      %lt3A_103 = arith.cmpi slt, %add3A_101, %lt3A_102 : i32
      %convert_element_type3A_104 = arith.extui %lt3A_103 : i1 to i32
      %cond3A_105 = arith.constant 0 : i32
      %cond3A_106 = arith.cmpi ne, %convert_element_type3A_104, %cond3A_105 : i32
      scf.if %cond3A_106 {
        %add3A_107 = arith.constant 2 : i32
        %add3A_108 = arith.addi %add3A_86, %add3A_107 : i32
        %dma_start3A_109 = arith.constant 1 : i32
        %dma_start3A_110 = arith.constant 0 : i32
        %dma_start3A_111 = arith.constant 0 : i32
        %dma_start3A_112 = tpu.memref_slice %arg9[%dma_start3A_109, %dma_start3A_110, %dma_start3A_111] : memref<2x128x128xf32, #tpu.memory_space<vmem>> -> memref<1x128x128xf32, #tpu.memory_space<vmem>>
        %dma_start3A_113 = tpu.memref_squeeze %dma_start3A_112 : memref<1x128x128xf32, #tpu.memory_space<vmem>> -> memref<128x128xf32, #tpu.memory_space<vmem>>
        %dma_start3A_114 = arith.constant 0 : i32
        %dma_start3A_115 = tpu.memref_slice %arg7[%add3A_108, %dma_start3A_114] : memref<160x128xi32, #tpu.memory_space<vmem>> -> memref<1x128xi32, #tpu.memory_space<vmem>>
        %dma_start3A_116 = tpu.memref_squeeze %dma_start3A_115 : memref<1x128xi32, #tpu.memory_space<vmem>> -> memref<128xi32, #tpu.memory_space<vmem>>
        %dma_start3A_117 = arith.constant 0 : i32
        %dma_start3A_118 = arith.constant 0 : i32
        %dma_start3A_119 = tpu.memref_slice %arg2[%dma_start3A_117, %dma_start3A_118] : memref<20000x128xf32, #tpu.memory_space<hbm>> -> memref<20000x128xf32, #tpu.memory_space<hbm>>
        tpu.enqueue_indirect_dma source(%dma_start3A_119 : memref<20000x128xf32, #tpu.memory_space<hbm>>) target(%dma_start3A_113 : memref<128x128xf32, #tpu.memory_space<vmem>>) offsets(%dma_start3A_116 : memref<128xi32, #tpu.memory_space<vmem>>) semaphore(%arg12 : memref<!tpu.dma_semaphore, #tpu.memory_space<semaphore_mem>>)
      } else {
      }
    }
    %scan3A_27 = arith.constant 80 : i32
    %barrier3A_28 = arith.constant 0 : index
    tpu.barrier barrier_id(%barrier3A_28)
    %run_scoped3A_29 = arith.constant 0 : i32
    "tpu.region"() ({
      %run_scoped3A_63 = tpu.sem_alloc : memref<!tpu.dma_semaphore, #tpu.memory_space<semaphore_mem>>
      %dma_start3A_64 = arith.constant 0 : i32
      %dma_start3A_65 = tpu.memref_slice %arg6[%arg0, %run_scoped3A_29, %mul3A_0, %dma_start3A_64] : memref<2x2x5376x128xf32, #tpu.memory_space<hbm>> -> memref<1x1x336x128xf32, #tpu.memory_space<hbm>>
      %dma_start3A_66 = tpu.memref_squeeze %dma_start3A_65 : memref<1x1x336x128xf32, #tpu.memory_space<hbm>> -> memref<336x128xf32, #tpu.memory_space<hbm>>
      %dma_start3A_67 = arith.constant 0 : i32
      %dma_start3A_68 = tpu.memref_slice %arg10[%mul3A_0, %dma_start3A_67] : memref<5376x128xf32, #tpu.memory_space<vmem_shared>> -> memref<336x128xf32, #tpu.memory_space<vmem_shared>>
      tpu.enqueue_dma source(%dma_start3A_68 : memref<336x128xf32, #tpu.memory_space<vmem_shared>>) target(%dma_start3A_66 : memref<336x128xf32, #tpu.memory_space<hbm>>) target_semaphore(%run_scoped3A_63 : memref<!tpu.dma_semaphore, #tpu.memory_space<semaphore_mem>>)
      %dma_wait3A = arith.constant 0 : i32
      %dma_wait3A_69 = tpu.memref_slice %arg6[%arg0, %run_scoped3A_29, %mul3A_0, %dma_wait3A] : memref<2x2x5376x128xf32, #tpu.memory_space<hbm>> -> memref<1x1x336x128xf32, #tpu.memory_space<hbm>>
      %dma_wait3A_70 = tpu.memref_squeeze %dma_wait3A_69 : memref<1x1x336x128xf32, #tpu.memory_space<hbm>> -> memref<336x128xf32, #tpu.memory_space<hbm>>
      %dma_wait3A_71 = arith.constant 0 : i32
      %dma_wait3A_72 = tpu.memref_slice %arg10[%mul3A_0, %dma_wait3A_71] : memref<5376x128xf32, #tpu.memory_space<vmem_shared>> -> memref<336x128xf32, #tpu.memory_space<vmem_shared>>
      tpu.wait_dma2 semaphore(%run_scoped3A_63 : memref<!tpu.dma_semaphore, #tpu.memory_space<semaphore_mem>>) src(%dma_wait3A_72 : memref<336x128xf32, #tpu.memory_space<vmem_shared>>) dst(%dma_wait3A_70 : memref<336x128xf32, #tpu.memory_space<hbm>>)
      tpu.yield
    }) : () -> ()
    "tpu.region"() ({
      %run_scoped3A_63 = tpu.sem_alloc : memref<!tpu.dma_semaphore, #tpu.memory_space<semaphore_mem>>
      %dma_start3A_64 = arith.constant 0 : i32
      %dma_start3A_65 = tpu.memref_slice %arg10[%mul3A_0, %dma_start3A_64] : memref<5376x128xf32, #tpu.memory_space<vmem_shared>> -> memref<336x128xf32, #tpu.memory_space<vmem_shared>>
      tpu.enqueue_dma source(%arg5 : memref<336x128xf32, #tpu.memory_space<hbm>>) target(%dma_start3A_65 : memref<336x128xf32, #tpu.memory_space<vmem_shared>>) target_semaphore(%run_scoped3A_63 : memref<!tpu.dma_semaphore, #tpu.memory_space<semaphore_mem>>)
      %dma_wait3A = arith.constant 0 : i32
      %dma_wait3A_66 = tpu.memref_slice %arg10[%mul3A_0, %dma_wait3A] : memref<5376x128xf32, #tpu.memory_space<vmem_shared>> -> memref<336x128xf32, #tpu.memory_space<vmem_shared>>
      tpu.wait_dma2 semaphore(%run_scoped3A_63 : memref<!tpu.dma_semaphore, #tpu.memory_space<semaphore_mem>>) src(%arg5 : memref<336x128xf32, #tpu.memory_space<hbm>>) dst(%dma_wait3A_66 : memref<336x128xf32, #tpu.memory_space<vmem_shared>>)
      tpu.yield
    }) : () -> ()
    %run_scoped3A_30 = arith.constant 1 : i32
    "tpu.region"() ({
      %run_scoped3A_63 = tpu.sem_alloc : memref<!tpu.dma_semaphore, #tpu.memory_space<semaphore_mem>>
      %dma_start3A_64 = arith.constant 0 : i32
      %dma_start3A_65 = arith.constant 0 : i32
      %dma_start3A_66 = tpu.memref_slice %arg3[%run_scoped3A_30, %arg1, %dma_start3A_64, %dma_start3A_65] : memref<2x16x160x128xi32, #tpu.memory_space<hbm>> -> memref<1x1x160x128xi32, #tpu.memory_space<hbm>>
      %dma_start3A_67 = tpu.memref_squeeze %dma_start3A_66 : memref<1x1x160x128xi32, #tpu.memory_space<hbm>> -> memref<160x128xi32, #tpu.memory_space<hbm>>
      %dma_start3A_68 = arith.constant 0 : i32
      %dma_start3A_69 = arith.constant 0 : i32
      %dma_start3A_70 = tpu.memref_slice %arg3[%run_scoped3A_30, %arg1, %dma_start3A_68, %dma_start3A_69] : memref<2x16x160x128xi32, #tpu.memory_space<hbm>> -> memref<1x1x160x128xi32, #tpu.memory_space<hbm>>
      %dma_start3A_71 = tpu.memref_squeeze %dma_start3A_70 : memref<1x1x160x128xi32, #tpu.memory_space<hbm>> -> memref<160x128xi32, #tpu.memory_space<hbm>>
      tpu.enqueue_dma source(%dma_start3A_71 : memref<160x128xi32, #tpu.memory_space<hbm>>) target(%arg7 : memref<160x128xi32, #tpu.memory_space<vmem>>) target_semaphore(%run_scoped3A_63 : memref<!tpu.dma_semaphore, #tpu.memory_space<semaphore_mem>>)
      %dma_wait3A = arith.constant 0 : i32
      %dma_wait3A_72 = arith.constant 0 : i32
      %dma_wait3A_73 = tpu.memref_slice %arg3[%run_scoped3A_30, %arg1, %dma_wait3A, %dma_wait3A_72] : memref<2x16x160x128xi32, #tpu.memory_space<hbm>> -> memref<1x1x160x128xi32, #tpu.memory_space<hbm>>
      %dma_wait3A_74 = tpu.memref_squeeze %dma_wait3A_73 : memref<1x1x160x128xi32, #tpu.memory_space<hbm>> -> memref<160x128xi32, #tpu.memory_space<hbm>>
      %dma_wait3A_75 = arith.constant 0 : i32
      %dma_wait3A_76 = arith.constant 0 : i32
      %dma_wait3A_77 = tpu.memref_slice %arg3[%run_scoped3A_30, %arg1, %dma_wait3A_75, %dma_wait3A_76] : memref<2x16x160x128xi32, #tpu.memory_space<hbm>> -> memref<1x1x160x128xi32, #tpu.memory_space<hbm>>
      %dma_wait3A_78 = tpu.memref_squeeze %dma_wait3A_77 : memref<1x1x160x128xi32, #tpu.memory_space<hbm>> -> memref<160x128xi32, #tpu.memory_space<hbm>>
      tpu.wait_dma2 semaphore(%run_scoped3A_63 : memref<!tpu.dma_semaphore, #tpu.memory_space<semaphore_mem>>) src(%dma_wait3A_78 : memref<160x128xi32, #tpu.memory_space<hbm>>) dst(%arg7 : memref<160x128xi32, #tpu.memory_space<vmem>>)
      tpu.yield
    }) : () -> ()
    %barrier3A_31 = arith.constant 0 : index
    tpu.barrier barrier_id(%barrier3A_31)
    %dma_start3A_32 = arith.constant 0 : i32
    %dma_start3A_33 = arith.constant 0 : i32
    %dma_start3A_34 = arith.constant 0 : i32
    %dma_start3A_35 = arith.constant 0 : i32
    %dma_start3A_36 = tpu.memref_slice %arg9[%dma_start3A_33, %dma_start3A_34, %dma_start3A_35] : memref<2x128x128xf32, #tpu.memory_space<vmem>> -> memref<1x128x128xf32, #tpu.memory_space<vmem>>
    %dma_start3A_37 = tpu.memref_squeeze %dma_start3A_36 : memref<1x128x128xf32, #tpu.memory_space<vmem>> -> memref<128x128xf32, #tpu.memory_space<vmem>>
    %dma_start3A_38 = arith.constant 0 : i32
    %dma_start3A_39 = tpu.memref_slice %arg7[%dma_start3A_32, %dma_start3A_38] : memref<160x128xi32, #tpu.memory_space<vmem>> -> memref<1x128xi32, #tpu.memory_space<vmem>>
    %dma_start3A_40 = tpu.memref_squeeze %dma_start3A_39 : memref<1x128xi32, #tpu.memory_space<vmem>> -> memref<128xi32, #tpu.memory_space<vmem>>
    %dma_start3A_41 = arith.constant 0 : i32
    %dma_start3A_42 = arith.constant 0 : i32
    %dma_start3A_43 = tpu.memref_slice %arg2[%dma_start3A_41, %dma_start3A_42] : memref<20000x128xf32, #tpu.memory_space<hbm>> -> memref<20000x128xf32, #tpu.memory_space<hbm>>
    tpu.enqueue_indirect_dma source(%dma_start3A_43 : memref<20000x128xf32, #tpu.memory_space<hbm>>) target(%dma_start3A_37 : memref<128x128xf32, #tpu.memory_space<vmem>>) offsets(%dma_start3A_40 : memref<128xi32, #tpu.memory_space<vmem>>) semaphore(%arg11 : memref<!tpu.dma_semaphore, #tpu.memory_space<semaphore_mem>>)
    %dma_start3A_44 = arith.constant 1 : i32
    %dma_start3A_45 = arith.constant 1 : i32
    %dma_start3A_46 = arith.constant 0 : i32
    %dma_start3A_47 = arith.constant 0 : i32
    %dma_start3A_48 = tpu.memref_slice %arg9[%dma_start3A_45, %dma_start3A_46, %dma_start3A_47] : memref<2x128x128xf32, #tpu.memory_space<vmem>> -> memref<1x128x128xf32, #tpu.memory_space<vmem>>
    %dma_start3A_49 = tpu.memref_squeeze %dma_start3A_48 : memref<1x128x128xf32, #tpu.memory_space<vmem>> -> memref<128x128xf32, #tpu.memory_space<vmem>>
    %dma_start3A_50 = arith.constant 0 : i32
    %dma_start3A_51 = tpu.memref_slice %arg7[%dma_start3A_44, %dma_start3A_50] : memref<160x128xi32, #tpu.memory_space<vmem>> -> memref<1x128xi32, #tpu.memory_space<vmem>>
    %dma_start3A_52 = tpu.memref_squeeze %dma_start3A_51 : memref<1x128xi32, #tpu.memory_space<vmem>> -> memref<128xi32, #tpu.memory_space<vmem>>
    %dma_start3A_53 = arith.constant 0 : i32
    %dma_start3A_54 = arith.constant 0 : i32
    %dma_start3A_55 = tpu.memref_slice %arg2[%dma_start3A_53, %dma_start3A_54] : memref<20000x128xf32, #tpu.memory_space<hbm>> -> memref<20000x128xf32, #tpu.memory_space<hbm>>
    tpu.enqueue_indirect_dma source(%dma_start3A_55 : memref<20000x128xf32, #tpu.memory_space<hbm>>) target(%dma_start3A_49 : memref<128x128xf32, #tpu.memory_space<vmem>>) offsets(%dma_start3A_52 : memref<128xi32, #tpu.memory_space<vmem>>) semaphore(%arg12 : memref<!tpu.dma_semaphore, #tpu.memory_space<semaphore_mem>>)
    %scan3A_56 = arith.constant 0 : i32
    %scan3A_57 = arith.constant 80 : i32
    %scan3A_58 = arith.addi %scan3A_56, %scan3A_57 : i32
    %scan3A_59 = arith.constant 1 : i32
    scf.for %scan3A_63 = %scan3A_56 to %scan3A_58 step %scan3A_59  : i32 {
      %mul3A_64 = arith.constant 2 : i32
      %mul3A_65 = arith.muli %scan3A_63, %mul3A_64 : i32
      %add3A = arith.constant 0 : i32
      %add3A_66 = arith.addi %add3A, %mul3A_65 : i32
      %add3A_67 = arith.constant 0 : i32
      %add3A_68 = arith.addi %add3A_66, %add3A_67 : i32
      %dma_wait3A = arith.constant 0 : i32
      %dma_wait3A_69 = arith.constant 0 : i32
      %dma_wait3A_70 = arith.constant 0 : i32
      %dma_wait3A_71 = arith.constant 0 : i32
      %dma_wait3A_72 = tpu.memref_slice %arg9[%dma_wait3A_69, %dma_wait3A_70, %dma_wait3A_71] : memref<2x128x128xf32, #tpu.memory_space<vmem>> -> memref<1x128x128xf32, #tpu.memory_space<vmem>>
      %dma_wait3A_73 = tpu.memref_squeeze %dma_wait3A_72 : memref<1x128x128xf32, #tpu.memory_space<vmem>> -> memref<128x128xf32, #tpu.memory_space<vmem>>
      %dma_wait3A_74 = arith.constant 0 : i32
      %dma_wait3A_75 = tpu.memref_slice %arg7[%dma_wait3A, %dma_wait3A_74] : memref<160x128xi32, #tpu.memory_space<vmem>> -> memref<1x128xi32, #tpu.memory_space<vmem>>
      %dma_wait3A_76 = tpu.memref_squeeze %dma_wait3A_75 : memref<1x128xi32, #tpu.memory_space<vmem>> -> memref<128xi32, #tpu.memory_space<vmem>>
      %dma_wait3A_77 = arith.constant 0 : i32
      %dma_wait3A_78 = arith.constant 0 : i32
      %dma_wait3A_79 = tpu.memref_slice %arg2[%dma_wait3A_77, %dma_wait3A_78] : memref<20000x128xf32, #tpu.memory_space<hbm>> -> memref<20000x128xf32, #tpu.memory_space<hbm>>
      tpu.wait_indirect_dma semaphore(%arg11 : memref<!tpu.dma_semaphore, #tpu.memory_space<semaphore_mem>>) src(%dma_wait3A_79 : memref<20000x128xf32, #tpu.memory_space<hbm>>) dst(%dma_wait3A_73 : memref<128x128xf32, #tpu.memory_space<vmem>>)
      %run_scoped3A_80 = arith.constant 0 : i32
      "tpu.region"() ({
        %run_scoped3A_107 = tpu.sem_alloc : memref<!tpu.dma_semaphore, #tpu.memory_space<semaphore_mem>>
        %dma_start3A_108 = arith.constant 0 : i32
        %dma_start3A_109 = arith.constant 0 : i32
        %dma_start3A_110 = tpu.memref_slice %arg9[%run_scoped3A_80, %dma_start3A_108, %dma_start3A_109] : memref<2x128x128xf32, #tpu.memory_space<vmem>> -> memref<1x128x128xf32, #tpu.memory_space<vmem>>
        %dma_start3A_111 = tpu.memref_squeeze %dma_start3A_110 : memref<1x128x128xf32, #tpu.memory_space<vmem>> -> memref<128x128xf32, #tpu.memory_space<vmem>>
        %dma_start3A_112 = arith.constant 0 : i32
        %dma_start3A_113 = tpu.memref_slice %arg8[%add3A_68, %dma_start3A_112] : memref<160x128xi32, #tpu.memory_space<vmem>> -> memref<1x128xi32, #tpu.memory_space<vmem>>
        %dma_start3A_114 = tpu.memref_squeeze %dma_start3A_113 : memref<1x128xi32, #tpu.memory_space<vmem>> -> memref<128xi32, #tpu.memory_space<vmem>>
        %dma_start3A_115 = arith.constant 0 : i32
        %dma_start3A_116 = arith.constant 0 : i32
        %dma_start3A_117 = tpu.memref_slice %arg10[%dma_start3A_115, %dma_start3A_116] : memref<5376x128xf32, #tpu.memory_space<vmem_shared>> -> memref<5376x128xf32, #tpu.memory_space<vmem_shared>>
        tpu.enqueue_indirect_dma source(%dma_start3A_111 : memref<128x128xf32, #tpu.memory_space<vmem>>) target(%dma_start3A_117 : memref<5376x128xf32, #tpu.memory_space<vmem_shared>>) offsets(%dma_start3A_114 : memref<128xi32, #tpu.memory_space<vmem>>) semaphore(%run_scoped3A_107 : memref<!tpu.dma_semaphore, #tpu.memory_space<semaphore_mem>>) {add = true}
        %dma_wait3A_118 = arith.constant 0 : i32
        %dma_wait3A_119 = arith.constant 0 : i32
        %dma_wait3A_120 = tpu.memref_slice %arg9[%run_scoped3A_80, %dma_wait3A_118, %dma_wait3A_119] : memref<2x128x128xf32, #tpu.memory_space<vmem>> -> memref<1x128x128xf32, #tpu.memory_space<vmem>>
        %dma_wait3A_121 = tpu.memref_squeeze %dma_wait3A_120 : memref<1x128x128xf32, #tpu.memory_space<vmem>> -> memref<128x128xf32, #tpu.memory_space<vmem>>
        %dma_wait3A_122 = arith.constant 0 : i32
        %dma_wait3A_123 = tpu.memref_slice %arg8[%add3A_68, %dma_wait3A_122] : memref<160x128xi32, #tpu.memory_space<vmem>> -> memref<1x128xi32, #tpu.memory_space<vmem>>
        %dma_wait3A_124 = tpu.memref_squeeze %dma_wait3A_123 : memref<1x128xi32, #tpu.memory_space<vmem>> -> memref<128xi32, #tpu.memory_space<vmem>>
        %dma_wait3A_125 = arith.constant 0 : i32
        %dma_wait3A_126 = arith.constant 0 : i32
        %dma_wait3A_127 = tpu.memref_slice %arg10[%dma_wait3A_125, %dma_wait3A_126] : memref<5376x128xf32, #tpu.memory_space<vmem_shared>> -> memref<5376x128xf32, #tpu.memory_space<vmem_shared>>
        tpu.wait_indirect_dma semaphore(%run_scoped3A_107 : memref<!tpu.dma_semaphore, #tpu.memory_space<semaphore_mem>>) src(%dma_wait3A_121 : memref<128x128xf32, #tpu.memory_space<vmem>>) dst(%dma_wait3A_127 : memref<5376x128xf32, #tpu.memory_space<vmem_shared>>)
        tpu.yield
      }) : () -> ()
      %add3A_81 = arith.constant 2 : i32
      %add3A_82 = arith.addi %add3A_68, %add3A_81 : i32
      %lt3A = arith.constant 160 : i32
      %lt3A_83 = arith.cmpi slt, %add3A_82, %lt3A : i32
      %convert_element_type3A = arith.extui %lt3A_83 : i1 to i32
      %cond3A = arith.constant 0 : i32
      %cond3A_84 = arith.cmpi ne, %convert_element_type3A, %cond3A : i32
      scf.if %cond3A_84 {
        %add3A_107 = arith.constant 2 : i32
        %add3A_108 = arith.addi %add3A_68, %add3A_107 : i32
        %dma_start3A_109 = arith.constant 0 : i32
        %dma_start3A_110 = arith.constant 0 : i32
        %dma_start3A_111 = arith.constant 0 : i32
        %dma_start3A_112 = tpu.memref_slice %arg9[%dma_start3A_109, %dma_start3A_110, %dma_start3A_111] : memref<2x128x128xf32, #tpu.memory_space<vmem>> -> memref<1x128x128xf32, #tpu.memory_space<vmem>>
        %dma_start3A_113 = tpu.memref_squeeze %dma_start3A_112 : memref<1x128x128xf32, #tpu.memory_space<vmem>> -> memref<128x128xf32, #tpu.memory_space<vmem>>
        %dma_start3A_114 = arith.constant 0 : i32
        %dma_start3A_115 = tpu.memref_slice %arg7[%add3A_108, %dma_start3A_114] : memref<160x128xi32, #tpu.memory_space<vmem>> -> memref<1x128xi32, #tpu.memory_space<vmem>>
        %dma_start3A_116 = tpu.memref_squeeze %dma_start3A_115 : memref<1x128xi32, #tpu.memory_space<vmem>> -> memref<128xi32, #tpu.memory_space<vmem>>
        %dma_start3A_117 = arith.constant 0 : i32
        %dma_start3A_118 = arith.constant 0 : i32
        %dma_start3A_119 = tpu.memref_slice %arg2[%dma_start3A_117, %dma_start3A_118] : memref<20000x128xf32, #tpu.memory_space<hbm>> -> memref<20000x128xf32, #tpu.memory_space<hbm>>
        tpu.enqueue_indirect_dma source(%dma_start3A_119 : memref<20000x128xf32, #tpu.memory_space<hbm>>) target(%dma_start3A_113 : memref<128x128xf32, #tpu.memory_space<vmem>>) offsets(%dma_start3A_116 : memref<128xi32, #tpu.memory_space<vmem>>) semaphore(%arg11 : memref<!tpu.dma_semaphore, #tpu.memory_space<semaphore_mem>>)
      } else {
      }
      %add3A_85 = arith.constant 1 : i32
      %add3A_86 = arith.addi %add3A_66, %add3A_85 : i32
      %dma_wait3A_87 = arith.constant 0 : i32
      %dma_wait3A_88 = arith.constant 1 : i32
      %dma_wait3A_89 = arith.constant 0 : i32
      %dma_wait3A_90 = arith.constant 0 : i32
      %dma_wait3A_91 = tpu.memref_slice %arg9[%dma_wait3A_88, %dma_wait3A_89, %dma_wait3A_90] : memref<2x128x128xf32, #tpu.memory_space<vmem>> -> memref<1x128x128xf32, #tpu.memory_space<vmem>>
      %dma_wait3A_92 = tpu.memref_squeeze %dma_wait3A_91 : memref<1x128x128xf32, #tpu.memory_space<vmem>> -> memref<128x128xf32, #tpu.memory_space<vmem>>
      %dma_wait3A_93 = arith.constant 0 : i32
      %dma_wait3A_94 = tpu.memref_slice %arg7[%dma_wait3A_87, %dma_wait3A_93] : memref<160x128xi32, #tpu.memory_space<vmem>> -> memref<1x128xi32, #tpu.memory_space<vmem>>
      %dma_wait3A_95 = tpu.memref_squeeze %dma_wait3A_94 : memref<1x128xi32, #tpu.memory_space<vmem>> -> memref<128xi32, #tpu.memory_space<vmem>>
      %dma_wait3A_96 = arith.constant 0 : i32
      %dma_wait3A_97 = arith.constant 0 : i32
      %dma_wait3A_98 = tpu.memref_slice %arg2[%dma_wait3A_96, %dma_wait3A_97] : memref<20000x128xf32, #tpu.memory_space<hbm>> -> memref<20000x128xf32, #tpu.memory_space<hbm>>
      tpu.wait_indirect_dma semaphore(%arg12 : memref<!tpu.dma_semaphore, #tpu.memory_space<semaphore_mem>>) src(%dma_wait3A_98 : memref<20000x128xf32, #tpu.memory_space<hbm>>) dst(%dma_wait3A_92 : memref<128x128xf32, #tpu.memory_space<vmem>>)
      %run_scoped3A_99 = arith.constant 1 : i32
      "tpu.region"() ({
        %run_scoped3A_107 = tpu.sem_alloc : memref<!tpu.dma_semaphore, #tpu.memory_space<semaphore_mem>>
        %dma_start3A_108 = arith.constant 0 : i32
        %dma_start3A_109 = arith.constant 0 : i32
        %dma_start3A_110 = tpu.memref_slice %arg9[%run_scoped3A_99, %dma_start3A_108, %dma_start3A_109] : memref<2x128x128xf32, #tpu.memory_space<vmem>> -> memref<1x128x128xf32, #tpu.memory_space<vmem>>
        %dma_start3A_111 = tpu.memref_squeeze %dma_start3A_110 : memref<1x128x128xf32, #tpu.memory_space<vmem>> -> memref<128x128xf32, #tpu.memory_space<vmem>>
        %dma_start3A_112 = arith.constant 0 : i32
        %dma_start3A_113 = tpu.memref_slice %arg8[%add3A_86, %dma_start3A_112] : memref<160x128xi32, #tpu.memory_space<vmem>> -> memref<1x128xi32, #tpu.memory_space<vmem>>
        %dma_start3A_114 = tpu.memref_squeeze %dma_start3A_113 : memref<1x128xi32, #tpu.memory_space<vmem>> -> memref<128xi32, #tpu.memory_space<vmem>>
        %dma_start3A_115 = arith.constant 0 : i32
        %dma_start3A_116 = arith.constant 0 : i32
        %dma_start3A_117 = tpu.memref_slice %arg10[%dma_start3A_115, %dma_start3A_116] : memref<5376x128xf32, #tpu.memory_space<vmem_shared>> -> memref<5376x128xf32, #tpu.memory_space<vmem_shared>>
        tpu.enqueue_indirect_dma source(%dma_start3A_111 : memref<128x128xf32, #tpu.memory_space<vmem>>) target(%dma_start3A_117 : memref<5376x128xf32, #tpu.memory_space<vmem_shared>>) offsets(%dma_start3A_114 : memref<128xi32, #tpu.memory_space<vmem>>) semaphore(%run_scoped3A_107 : memref<!tpu.dma_semaphore, #tpu.memory_space<semaphore_mem>>) {add = true}
        %dma_wait3A_118 = arith.constant 0 : i32
        %dma_wait3A_119 = arith.constant 0 : i32
        %dma_wait3A_120 = tpu.memref_slice %arg9[%run_scoped3A_99, %dma_wait3A_118, %dma_wait3A_119] : memref<2x128x128xf32, #tpu.memory_space<vmem>> -> memref<1x128x128xf32, #tpu.memory_space<vmem>>
        %dma_wait3A_121 = tpu.memref_squeeze %dma_wait3A_120 : memref<1x128x128xf32, #tpu.memory_space<vmem>> -> memref<128x128xf32, #tpu.memory_space<vmem>>
        %dma_wait3A_122 = arith.constant 0 : i32
        %dma_wait3A_123 = tpu.memref_slice %arg8[%add3A_86, %dma_wait3A_122] : memref<160x128xi32, #tpu.memory_space<vmem>> -> memref<1x128xi32, #tpu.memory_space<vmem>>
        %dma_wait3A_124 = tpu.memref_squeeze %dma_wait3A_123 : memref<1x128xi32, #tpu.memory_space<vmem>> -> memref<128xi32, #tpu.memory_space<vmem>>
        %dma_wait3A_125 = arith.constant 0 : i32
        %dma_wait3A_126 = arith.constant 0 : i32
        %dma_wait3A_127 = tpu.memref_slice %arg10[%dma_wait3A_125, %dma_wait3A_126] : memref<5376x128xf32, #tpu.memory_space<vmem_shared>> -> memref<5376x128xf32, #tpu.memory_space<vmem_shared>>
        tpu.wait_indirect_dma semaphore(%run_scoped3A_107 : memref<!tpu.dma_semaphore, #tpu.memory_space<semaphore_mem>>) src(%dma_wait3A_121 : memref<128x128xf32, #tpu.memory_space<vmem>>) dst(%dma_wait3A_127 : memref<5376x128xf32, #tpu.memory_space<vmem_shared>>)
        tpu.yield
      }) : () -> ()
      %add3A_100 = arith.constant 2 : i32
      %add3A_101 = arith.addi %add3A_86, %add3A_100 : i32
      %lt3A_102 = arith.constant 160 : i32
      %lt3A_103 = arith.cmpi slt, %add3A_101, %lt3A_102 : i32
      %convert_element_type3A_104 = arith.extui %lt3A_103 : i1 to i32
      %cond3A_105 = arith.constant 0 : i32
      %cond3A_106 = arith.cmpi ne, %convert_element_type3A_104, %cond3A_105 : i32
      scf.if %cond3A_106 {
        %add3A_107 = arith.constant 2 : i32
        %add3A_108 = arith.addi %add3A_86, %add3A_107 : i32
        %dma_start3A_109 = arith.constant 1 : i32
        %dma_start3A_110 = arith.constant 0 : i32
        %dma_start3A_111 = arith.constant 0 : i32
        %dma_start3A_112 = tpu.memref_slice %arg9[%dma_start3A_109, %dma_start3A_110, %dma_start3A_111] : memref<2x128x128xf32, #tpu.memory_space<vmem>> -> memref<1x128x128xf32, #tpu.memory_space<vmem>>
        %dma_start3A_113 = tpu.memref_squeeze %dma_start3A_112 : memref<1x128x128xf32, #tpu.memory_space<vmem>> -> memref<128x128xf32, #tpu.memory_space<vmem>>
        %dma_start3A_114 = arith.constant 0 : i32
        %dma_start3A_115 = tpu.memref_slice %arg7[%add3A_108, %dma_start3A_114] : memref<160x128xi32, #tpu.memory_space<vmem>> -> memref<1x128xi32, #tpu.memory_space<vmem>>
        %dma_start3A_116 = tpu.memref_squeeze %dma_start3A_115 : memref<1x128xi32, #tpu.memory_space<vmem>> -> memref<128xi32, #tpu.memory_space<vmem>>
        %dma_start3A_117 = arith.constant 0 : i32
        %dma_start3A_118 = arith.constant 0 : i32
        %dma_start3A_119 = tpu.memref_slice %arg2[%dma_start3A_117, %dma_start3A_118] : memref<20000x128xf32, #tpu.memory_space<hbm>> -> memref<20000x128xf32, #tpu.memory_space<hbm>>
        tpu.enqueue_indirect_dma source(%dma_start3A_119 : memref<20000x128xf32, #tpu.memory_space<hbm>>) target(%dma_start3A_113 : memref<128x128xf32, #tpu.memory_space<vmem>>) offsets(%dma_start3A_116 : memref<128xi32, #tpu.memory_space<vmem>>) semaphore(%arg12 : memref<!tpu.dma_semaphore, #tpu.memory_space<semaphore_mem>>)
      } else {
      }
    }
    %scan3A_60 = arith.constant 80 : i32
    %barrier3A_61 = arith.constant 0 : index
    tpu.barrier barrier_id(%barrier3A_61)
    %run_scoped3A_62 = arith.constant 1 : i32
    "tpu.region"() ({
      %run_scoped3A_63 = tpu.sem_alloc : memref<!tpu.dma_semaphore, #tpu.memory_space<semaphore_mem>>
      %dma_start3A_64 = arith.constant 0 : i32
      %dma_start3A_65 = tpu.memref_slice %arg6[%arg0, %run_scoped3A_62, %mul3A_0, %dma_start3A_64] : memref<2x2x5376x128xf32, #tpu.memory_space<hbm>> -> memref<1x1x336x128xf32, #tpu.memory_space<hbm>>
      %dma_start3A_66 = tpu.memref_squeeze %dma_start3A_65 : memref<1x1x336x128xf32, #tpu.memory_space<hbm>> -> memref<336x128xf32, #tpu.memory_space<hbm>>
      %dma_start3A_67 = arith.constant 0 : i32
      %dma_start3A_68 = tpu.memref_slice %arg10[%mul3A_0, %dma_start3A_67] : memref<5376x128xf32, #tpu.memory_space<vmem_shared>> -> memref<336x128xf32, #tpu.memory_space<vmem_shared>>
      tpu.enqueue_dma source(%dma_start3A_68 : memref<336x128xf32, #tpu.memory_space<vmem_shared>>) target(%dma_start3A_66 : memref<336x128xf32, #tpu.memory_space<hbm>>) target_semaphore(%run_scoped3A_63 : memref<!tpu.dma_semaphore, #tpu.memory_space<semaphore_mem>>)
      %dma_wait3A = arith.constant 0 : i32
      %dma_wait3A_69 = tpu.memref_slice %arg6[%arg0, %run_scoped3A_62, %mul3A_0, %dma_wait3A] : memref<2x2x5376x128xf32, #tpu.memory_space<hbm>> -> memref<1x1x336x128xf32, #tpu.memory_space<hbm>>
      %dma_wait3A_70 = tpu.memref_squeeze %dma_wait3A_69 : memref<1x1x336x128xf32, #tpu.memory_space<hbm>> -> memref<336x128xf32, #tpu.memory_space<hbm>>
      %dma_wait3A_71 = arith.constant 0 : i32
      %dma_wait3A_72 = tpu.memref_slice %arg10[%mul3A_0, %dma_wait3A_71] : memref<5376x128xf32, #tpu.memory_space<vmem_shared>> -> memref<336x128xf32, #tpu.memory_space<vmem_shared>>
      tpu.wait_dma2 semaphore(%run_scoped3A_63 : memref<!tpu.dma_semaphore, #tpu.memory_space<semaphore_mem>>) src(%dma_wait3A_72 : memref<336x128xf32, #tpu.memory_space<vmem_shared>>) dst(%dma_wait3A_70 : memref<336x128xf32, #tpu.memory_space<hbm>>)
      tpu.yield
    }) : () -> ()
    return
  }
}

module attributes {stable_mosaic.version = 14 : i64} {
  func.func @body(%arg0: i32, %arg1: memref<1000x128xf32, #tpu.memory_space<vmem>>, %arg2: memref<1x1000x128xf32, #tpu.memory_space<vmem>>, %arg3: memref<128x256xf32, #tpu.memory_space<vmem>>, %arg4: memref<1x256xf32, #tpu.memory_space<vmem>>, %arg5: memref<1000x128xf32, #tpu.memory_space<vmem>>, %arg6: memref<1000x256xf32, #tpu.memory_space<vmem>>) attributes {dimension_semantics = [#tpu.dimension_semantics<arbitrary>], iteration_bounds = array<i64: 10>, scalar_prefetch = 0 : i64, scratch_operands = 0 : i64, tpu.core_type = #tpu.core_type<tc>, window_params = [{transform_indices = @transform_0, window_bounds = array<i64: 1000, 128>}, {transform_indices = @transform_1, window_bounds = array<i64: 1, 1000, 128>}, {pipeline_mode = #tpu.pipeline_mode<synchronous>, transform_indices = @transform_2, window_bounds = array<i64: 128, 256>}, {pipeline_mode = #tpu.pipeline_mode<synchronous>, transform_indices = @transform_3, window_bounds = array<i64: 1, 256>}, {transform_indices = @transform_4, window_bounds = array<i64: 1000, 128>}, {transform_indices = @transform_5, window_bounds = array<i64: 1000, 256>}]} {
    %get3A = arith.constant 0 : index
    %get3A_0 = arith.constant 0 : index
    %get3A_1 = arith.constant 0 : index
    %get3A_2 = vector.load %arg2[%get3A, %get3A_0, %get3A_1] : memref<1x1000x128xf32, #tpu.memory_space<vmem>>, vector<1x1000x128xf32>
    %slice3A = vector.extract_strided_slice %get3A_2 {offsets = [0, 0, 0], sizes = [1, 1000, 1], strides = [1, 1, 1]} : vector<1x1000x128xf32> to vector<1x1000x1xf32>
    %squeeze3A = vector.shape_cast %slice3A : vector<1x1000x1xf32> to vector<1000x1xf32>
    %add3A = arith.constant 1.000000e+00 : f32
    %add3A_3 = vector.broadcast %add3A : f32 to vector<1000x1xf32>
    %add3A_4 = arith.addf %squeeze3A, %add3A_3 : vector<1000x1xf32>
    %rsqrt3A = math.rsqrt %add3A_4 : vector<1000x1xf32>
    %get3A_5 = arith.constant 0 : index
    %get3A_6 = arith.constant 0 : index
    %get3A_7 = vector.load %arg1[%get3A_5, %get3A_6] : memref<1000x128xf32, #tpu.memory_space<vmem>>, vector<1000x128xf32>
    %convert_element_type3A = arith.truncf %get3A_7 : vector<1000x128xf32> to vector<1000x128xbf16>
    %convert_element_type3A_8 = arith.extf %convert_element_type3A : vector<1000x128xbf16> to vector<1000x128xf32>
    %mul3A = vector.broadcast %rsqrt3A : vector<1000x1xf32> to vector<1000x128xf32>
    %mul3A_9 = arith.mulf %convert_element_type3A_8, %mul3A : vector<1000x128xf32>
    %swap3A = arith.constant 0 : index
    %swap3A_10 = arith.constant 0 : index
    %swap3A_11 = vector.load %arg5[%swap3A, %swap3A_10] : memref<1000x128xf32, #tpu.memory_space<vmem>>, vector<1000x128xf32>
    tpu.vector_store %arg5[%swap3A, %swap3A_10], %mul3A_9 {strides = array<i32>} : memref<1000x128xf32, #tpu.memory_space<vmem>>, vector<1000x128xf32>,
    %get3A_12 = arith.constant 0 : index
    %get3A_13 = arith.constant 0 : index
    %get3A_14 = vector.load %arg3[%get3A_12, %get3A_13] : memref<128x256xf32, #tpu.memory_space<vmem>>, vector<128x256xf32>
    %dot_general3A = arith.constant dense<0.000000e+00> : vector<1000x256xf32>
    %dot_general3A_15 = tpu.matmul %convert_element_type3A_8, %get3A_14, %dot_general3A {dimension_numbers = #tpu.dot_dimension_numbers<[1], [0], [0], [1], [0, 0, 1, 1], [], []>, precision = #tpu.contract_precision<fp32>, transpose_lhs_hint = false} : vector<1000x128xf32>, vector<128x256xf32>, vector<1000x256xf32> -> vector<1000x256xf32>
    %get3A_16 = arith.constant 0 : index
    %get3A_17 = arith.constant 0 : index
    %get3A_18 = vector.load %arg4[%get3A_16, %get3A_17] : memref<1x256xf32, #tpu.memory_space<vmem>>, vector<1x256xf32>
    %add3A_19 = vector.broadcast %get3A_18 : vector<1x256xf32> to vector<1000x256xf32>
    %add3A_20 = arith.addf %dot_general3A_15, %add3A_19 : vector<1000x256xf32>
    %swap3A_21 = arith.constant 0 : index
    %swap3A_22 = arith.constant 0 : index
    %swap3A_23 = vector.load %arg6[%swap3A_21, %swap3A_22] : memref<1000x256xf32, #tpu.memory_space<vmem>>, vector<1000x256xf32>
    tpu.vector_store %arg6[%swap3A_21, %swap3A_22], %add3A_20 {strides = array<i32>} : memref<1000x256xf32, #tpu.memory_space<vmem>>, vector<1000x256xf32>,
    return
  }
  func.func @transform_0(%arg0: i32) -> (i32, i32) {
    %c0_i32 = arith.constant 0 : i32
    %c0_i32_0 = arith.constant 0 : i32
    return %arg0, %c0_i32 : i32, i32
  }
  func.func @transform_1(%arg0: i32) -> (i32, i32, i32) {
    %jit3A = arith.constant 5 : i32
    %div3A = arith.divsi %arg0, %jit3A : i32
    %sign3A = arith.constant 0 : i32
    %sign3A_0 = arith.cmpi sgt, %arg0, %sign3A : i32
    %sign3A_1 = arith.extui %sign3A_0 : i1 to i32
    %sign3A_2 = arith.constant 0 : i32
    %sign3A_3 = arith.cmpi slt, %arg0, %sign3A_2 : i32
    %sign3A_4 = arith.extui %sign3A_3 : i1 to i32
    %sign3A_5 = arith.subi %sign3A_1, %sign3A_4 : i32
    %sign3A_6 = arith.constant 0 : i32
    %sign3A_7 = arith.cmpi sgt, %jit3A, %sign3A_6 : i32
    %sign3A_8 = arith.extui %sign3A_7 : i1 to i32
    %sign3A_9 = arith.constant 0 : i32
    %sign3A_10 = arith.cmpi slt, %jit3A, %sign3A_9 : i32
    %sign3A_11 = arith.extui %sign3A_10 : i1 to i32
    %sign3A_12 = arith.subi %sign3A_8, %sign3A_11 : i32
    %ne3A = arith.cmpi ne, %sign3A_5, %sign3A_12 : i32
    %rem3A = arith.remsi %arg0, %jit3A : i32
    %ne3A_13 = arith.constant 0 : i32
    %ne3A_14 = arith.cmpi ne, %rem3A, %ne3A_13 : i32
    %and3A = arith.andi %ne3A, %ne3A_14 : i1
    %sub3A = arith.constant 1 : i32
    %sub3A_15 = arith.subi %div3A, %sub3A : i32
    %select_n3A = arith.select %and3A, %sub3A_15, %div3A : i32
    %jit3A_16 = arith.constant 5 : i32
    %eq3A = arith.constant 0 : i32
    %eq3A_17 = arith.cmpi eq, %jit3A_16, %eq3A : i32
    %jit3A_18 = arith.constant 1 : i32
    %select_n3A_19 = arith.select %eq3A_17, %jit3A_18, %jit3A_16 : i32
    %rem3A_20 = arith.remsi %arg0, %select_n3A_19 : i32
    %ne3A_21 = arith.constant 0 : i32
    %ne3A_22 = arith.cmpi ne, %rem3A_20, %ne3A_21 : i32
    %lt3A = arith.constant 0 : i32
    %lt3A_23 = arith.cmpi slt, %rem3A_20, %lt3A : i32
    %lt3A_24 = arith.constant 0 : i32
    %lt3A_25 = arith.cmpi slt, %select_n3A_19, %lt3A_24 : i32
    %ne3A_26 = arith.xori %lt3A_23, %lt3A_25 : i1
    %and3A_27 = arith.andi %ne3A_26, %ne3A_22 : i1
    %add3A = arith.addi %rem3A_20, %select_n3A_19 : i32
    %select_n3A_28 = arith.select %and3A_27, %add3A, %rem3A_20 : i32
    %c0_i32 = arith.constant 0 : i32
    %c0_i32_29 = arith.constant 0 : i32
    return %select_n3A, %select_n3A_28, %c0_i32 : i32, i32, i32
  }
  func.func @transform_2(%arg0: i32) -> (i32, i32) {
    %c0_i32 = arith.constant 0 : i32
    %c0_i32_0 = arith.constant 0 : i32
    %c0_i32_1 = arith.constant 0 : i32
    return %c0_i32, %c0_i32_0 : i32, i32
  }
  func.func @transform_3(%arg0: i32) -> (i32, i32) {
    %c0_i32 = arith.constant 0 : i32
    %c0_i32_0 = arith.constant 0 : i32
    %c0_i32_1 = arith.constant 0 : i32
    return %c0_i32, %c0_i32_0 : i32, i32
  }
  func.func @transform_4(%arg0: i32) -> (i32, i32) {
    %c0_i32 = arith.constant 0 : i32
    %c0_i32_0 = arith.constant 0 : i32
    return %arg0, %c0_i32 : i32, i32
  }
  func.func @transform_5(%arg0: i32) -> (i32, i32) {
    %c0_i32 = arith.constant 0 : i32
    %c0_i32_0 = arith.constant 0 : i32
    return %arg0, %c0_i32 : i32, i32
  }
}

module attributes {stable_mosaic.version = 14 : i64} {
  func.func @body(%arg0: i32, %arg1: memref<1x1x1000x128xf32, #tpu.memory_space<vmem>>, %arg2: memref<1000x128xf32, #tpu.memory_space<vmem>>, %arg3: memref<1x1000x128xf32, #tpu.memory_space<vmem>>, %arg4: memref<128x256xf32, #tpu.memory_space<vmem>>, %arg5: memref<1x256xf32, #tpu.memory_space<vmem>>, %arg6: memref<1000x256xf32, #tpu.memory_space<vmem>>, %arg7: memref<2x256xf32, #tpu.memory_space<vmem>>) attributes {dimension_semantics = [#tpu.dimension_semantics<arbitrary>], iteration_bounds = array<i64: 10>, scalar_prefetch = 0 : i64, scratch_operands = 0 : i64, tpu.core_type = #tpu.core_type<tc>, window_params = [{transform_indices = @transform_0, window_bounds = array<i64: 1, 1, 1000, 128>}, {transform_indices = @transform_1, window_bounds = array<i64: 1000, 128>}, {transform_indices = @transform_2, window_bounds = array<i64: 1, 1000, 128>}, {pipeline_mode = #tpu.pipeline_mode<synchronous>, transform_indices = @transform_3, window_bounds = array<i64: 128, 256>}, {pipeline_mode = #tpu.pipeline_mode<synchronous>, transform_indices = @transform_4, window_bounds = array<i64: 1, 256>}, {transform_indices = @transform_5, window_bounds = array<i64: 1000, 256>}, {pipeline_mode = #tpu.pipeline_mode<synchronous>, transform_indices = @transform_6, window_bounds = array<i64: 2, 256>}]} {
    %get3A = arith.constant 0 : index
    %get3A_0 = arith.constant 0 : index
    %get3A_1 = arith.constant 0 : index
    %get3A_2 = vector.load %arg3[%get3A, %get3A_0, %get3A_1] : memref<1x1000x128xf32, #tpu.memory_space<vmem>>, vector<1x1000x128xf32>
    %slice3A = vector.extract_strided_slice %get3A_2 {offsets = [0, 0, 0], sizes = [1, 1000, 1], strides = [1, 1, 1]} : vector<1x1000x128xf32> to vector<1x1000x1xf32>
    %squeeze3A = vector.shape_cast %slice3A : vector<1x1000x1xf32> to vector<1000x1xf32>
    %add3A = arith.constant 1.000000e+00 : f32
    %add3A_3 = vector.broadcast %add3A : f32 to vector<1000x1xf32>
    %add3A_4 = arith.addf %squeeze3A, %add3A_3 : vector<1000x1xf32>
    %rsqrt3A = math.rsqrt %add3A_4 : vector<1000x1xf32>
    %get3A_5 = arith.constant 0 : index
    %get3A_6 = arith.constant 0 : index
    %get3A_7 = arith.constant 0 : index
    %get3A_8 = arith.constant 0 : index
    %get3A_9 = vector.load %arg1[%get3A_5, %get3A_6, %get3A_7, %get3A_8] : memref<1x1x1000x128xf32, #tpu.memory_space<vmem>>, vector<1x1x1000x128xf32>
    %get3A_10 = vector.shape_cast %get3A_9 : vector<1x1x1000x128xf32> to vector<1000x128xf32>
    %get3A_11 = arith.constant 0 : index
    %get3A_12 = arith.constant 0 : index
    %get3A_13 = vector.load %arg2[%get3A_11, %get3A_12] : memref<1000x128xf32, #tpu.memory_space<vmem>>, vector<1000x128xf32>
    %add3A_14 = arith.addf %get3A_10, %get3A_13 : vector<1000x128xf32>
    %mul3A = vector.broadcast %rsqrt3A : vector<1000x1xf32> to vector<1000x128xf32>
    %mul3A_15 = arith.mulf %add3A_14, %mul3A : vector<1000x128xf32>
    %get3A_16 = arith.constant 0 : index
    %get3A_17 = arith.constant 0 : index
    %get3A_18 = vector.load %arg4[%get3A_16, %get3A_17] : memref<128x256xf32, #tpu.memory_space<vmem>>, vector<128x256xf32>
    %dot_general3A = arith.constant dense<0.000000e+00> : vector<1000x256xf32>
    %dot_general3A_19 = tpu.matmul %mul3A_15, %get3A_18, %dot_general3A {dimension_numbers = #tpu.dot_dimension_numbers<[1], [0], [0], [1], [0, 0, 1, 1], [], []>, precision = #tpu.contract_precision<fp32>, transpose_lhs_hint = false} : vector<1000x128xf32>, vector<128x256xf32>, vector<1000x256xf32> -> vector<1000x256xf32>
    %get3A_20 = arith.constant 0 : index
    %get3A_21 = arith.constant 0 : index
    %get3A_22 = vector.load %arg5[%get3A_20, %get3A_21] : memref<1x256xf32, #tpu.memory_space<vmem>>, vector<1x256xf32>
    %add3A_23 = vector.broadcast %get3A_22 : vector<1x256xf32> to vector<1000x256xf32>
    %add3A_24 = arith.addf %dot_general3A_19, %add3A_23 : vector<1000x256xf32>
    %swap3A = arith.constant 0 : index
    %swap3A_25 = arith.constant 0 : index
    %swap3A_26 = vector.load %arg6[%swap3A, %swap3A_25] : memref<1000x256xf32, #tpu.memory_space<vmem>>, vector<1000x256xf32>
    tpu.vector_store %arg6[%swap3A, %swap3A_25], %add3A_24 {strides = array<i32>} : memref<1000x256xf32, #tpu.memory_space<vmem>>, vector<1000x256xf32>,
    %reduce_sum3A = arith.constant dense<0.000000e+00> : vector<256xf32>
    %reduce_sum3A_27 = vector.multi_reduction <add>, %add3A_24, %reduce_sum3A [0] : vector<1000x256xf32> to vector<256xf32>
    %broadcast_in_dim3A = vector.shape_cast %reduce_sum3A_27 : vector<256xf32> to vector<1x256xf32>
    %mul3A_28 = arith.mulf %add3A_24, %add3A_24 : vector<1000x256xf32>
    %reduce_sum3A_29 = arith.constant dense<0.000000e+00> : vector<256xf32>
    %reduce_sum3A_30 = vector.multi_reduction <add>, %mul3A_28, %reduce_sum3A_29 [0] : vector<1000x256xf32> to vector<256xf32>
    %broadcast_in_dim3A_31 = vector.shape_cast %reduce_sum3A_30 : vector<256xf32> to vector<1x256xf32>
    %concatenate3A = tpu.concatenate %broadcast_in_dim3A, %broadcast_in_dim3A_31 in 0 : vector<1x256xf32>, vector<1x256xf32> -> vector<2x256xf32>
    %eq3A = arith.constant 0 : i32
    %eq3A_32 = arith.cmpi eq, %arg0, %eq3A : i32
    %convert_element_type3A = arith.extui %eq3A_32 : i1 to i32
    %cond3A = arith.constant 0 : i32
    %cond3A_33 = arith.cmpi ne, %convert_element_type3A, %cond3A : i32
    scf.if %cond3A_33 {
      %swap3A_38 = arith.constant 0 : index
      %swap3A_39 = arith.constant 0 : index
      %swap3A_40 = vector.load %arg7[%swap3A_38, %swap3A_39] : memref<2x256xf32, #tpu.memory_space<vmem>>, vector<2x256xf32>
      tpu.vector_store %arg7[%swap3A_38, %swap3A_39], %concatenate3A {strides = array<i32>} : memref<2x256xf32, #tpu.memory_space<vmem>>, vector<2x256xf32>,
    } else {
    }
    %gt3A = arith.constant 0 : i32
    %gt3A_34 = arith.cmpi sgt, %arg0, %gt3A : i32
    %convert_element_type3A_35 = arith.extui %gt3A_34 : i1 to i32
    %cond3A_36 = arith.constant 0 : i32
    %cond3A_37 = arith.cmpi ne, %convert_element_type3A_35, %cond3A_36 : i32
    scf.if %cond3A_37 {
      %get3A_38 = arith.constant 0 : index
      %get3A_39 = arith.constant 0 : index
      %get3A_40 = vector.load %arg7[%get3A_38, %get3A_39] : memref<2x256xf32, #tpu.memory_space<vmem>>, vector<2x256xf32>
      %add3A_41 = arith.addf %get3A_40, %concatenate3A : vector<2x256xf32>
      %swap3A_42 = arith.constant 0 : index
      %swap3A_43 = arith.constant 0 : index
      %swap3A_44 = vector.load %arg7[%swap3A_42, %swap3A_43] : memref<2x256xf32, #tpu.memory_space<vmem>>, vector<2x256xf32>
      tpu.vector_store %arg7[%swap3A_42, %swap3A_43], %add3A_41 {strides = array<i32>} : memref<2x256xf32, #tpu.memory_space<vmem>>, vector<2x256xf32>,
    } else {
    }
    return
  }
  func.func @transform_0(%arg0: i32) -> (i32, i32, i32, i32) {
    %jit3A = arith.constant 5 : i32
    %div3A = arith.divsi %arg0, %jit3A : i32
    %sign3A = arith.constant 0 : i32
    %sign3A_0 = arith.cmpi sgt, %arg0, %sign3A : i32
    %sign3A_1 = arith.extui %sign3A_0 : i1 to i32
    %sign3A_2 = arith.constant 0 : i32
    %sign3A_3 = arith.cmpi slt, %arg0, %sign3A_2 : i32
    %sign3A_4 = arith.extui %sign3A_3 : i1 to i32
    %sign3A_5 = arith.subi %sign3A_1, %sign3A_4 : i32
    %sign3A_6 = arith.constant 0 : i32
    %sign3A_7 = arith.cmpi sgt, %jit3A, %sign3A_6 : i32
    %sign3A_8 = arith.extui %sign3A_7 : i1 to i32
    %sign3A_9 = arith.constant 0 : i32
    %sign3A_10 = arith.cmpi slt, %jit3A, %sign3A_9 : i32
    %sign3A_11 = arith.extui %sign3A_10 : i1 to i32
    %sign3A_12 = arith.subi %sign3A_8, %sign3A_11 : i32
    %ne3A = arith.cmpi ne, %sign3A_5, %sign3A_12 : i32
    %rem3A = arith.remsi %arg0, %jit3A : i32
    %ne3A_13 = arith.constant 0 : i32
    %ne3A_14 = arith.cmpi ne, %rem3A, %ne3A_13 : i32
    %and3A = arith.andi %ne3A, %ne3A_14 : i1
    %sub3A = arith.constant 1 : i32
    %sub3A_15 = arith.subi %div3A, %sub3A : i32
    %select_n3A = arith.select %and3A, %sub3A_15, %div3A : i32
    %jit3A_16 = arith.constant 5 : i32
    %eq3A = arith.constant 0 : i32
    %eq3A_17 = arith.cmpi eq, %jit3A_16, %eq3A : i32
    %jit3A_18 = arith.constant 1 : i32
    %select_n3A_19 = arith.select %eq3A_17, %jit3A_18, %jit3A_16 : i32
    %rem3A_20 = arith.remsi %arg0, %select_n3A_19 : i32
    %ne3A_21 = arith.constant 0 : i32
    %ne3A_22 = arith.cmpi ne, %rem3A_20, %ne3A_21 : i32
    %lt3A = arith.constant 0 : i32
    %lt3A_23 = arith.cmpi slt, %rem3A_20, %lt3A : i32
    %lt3A_24 = arith.constant 0 : i32
    %lt3A_25 = arith.cmpi slt, %select_n3A_19, %lt3A_24 : i32
    %ne3A_26 = arith.xori %lt3A_23, %lt3A_25 : i1
    %and3A_27 = arith.andi %ne3A_26, %ne3A_22 : i1
    %add3A = arith.addi %rem3A_20, %select_n3A_19 : i32
    %select_n3A_28 = arith.select %and3A_27, %add3A, %rem3A_20 : i32
    %c0_i32 = arith.constant 0 : i32
    %c0_i32_29 = arith.constant 0 : i32
    %c0_i32_30 = arith.constant 0 : i32
    return %select_n3A, %c0_i32, %select_n3A_28, %c0_i32_29 : i32, i32, i32, i32
  }
  func.func @transform_1(%arg0: i32) -> (i32, i32) {
    %c0_i32 = arith.constant 0 : i32
    %c0_i32_0 = arith.constant 0 : i32
    return %arg0, %c0_i32 : i32, i32
  }
  func.func @transform_2(%arg0: i32) -> (i32, i32, i32) {
    %jit3A = arith.constant 5 : i32
    %div3A = arith.divsi %arg0, %jit3A : i32
    %sign3A = arith.constant 0 : i32
    %sign3A_0 = arith.cmpi sgt, %arg0, %sign3A : i32
    %sign3A_1 = arith.extui %sign3A_0 : i1 to i32
    %sign3A_2 = arith.constant 0 : i32
    %sign3A_3 = arith.cmpi slt, %arg0, %sign3A_2 : i32
    %sign3A_4 = arith.extui %sign3A_3 : i1 to i32
    %sign3A_5 = arith.subi %sign3A_1, %sign3A_4 : i32
    %sign3A_6 = arith.constant 0 : i32
    %sign3A_7 = arith.cmpi sgt, %jit3A, %sign3A_6 : i32
    %sign3A_8 = arith.extui %sign3A_7 : i1 to i32
    %sign3A_9 = arith.constant 0 : i32
    %sign3A_10 = arith.cmpi slt, %jit3A, %sign3A_9 : i32
    %sign3A_11 = arith.extui %sign3A_10 : i1 to i32
    %sign3A_12 = arith.subi %sign3A_8, %sign3A_11 : i32
    %ne3A = arith.cmpi ne, %sign3A_5, %sign3A_12 : i32
    %rem3A = arith.remsi %arg0, %jit3A : i32
    %ne3A_13 = arith.constant 0 : i32
    %ne3A_14 = arith.cmpi ne, %rem3A, %ne3A_13 : i32
    %and3A = arith.andi %ne3A, %ne3A_14 : i1
    %sub3A = arith.constant 1 : i32
    %sub3A_15 = arith.subi %div3A, %sub3A : i32
    %select_n3A = arith.select %and3A, %sub3A_15, %div3A : i32
    %jit3A_16 = arith.constant 5 : i32
    %eq3A = arith.constant 0 : i32
    %eq3A_17 = arith.cmpi eq, %jit3A_16, %eq3A : i32
    %jit3A_18 = arith.constant 1 : i32
    %select_n3A_19 = arith.select %eq3A_17, %jit3A_18, %jit3A_16 : i32
    %rem3A_20 = arith.remsi %arg0, %select_n3A_19 : i32
    %ne3A_21 = arith.constant 0 : i32
    %ne3A_22 = arith.cmpi ne, %rem3A_20, %ne3A_21 : i32
    %lt3A = arith.constant 0 : i32
    %lt3A_23 = arith.cmpi slt, %rem3A_20, %lt3A : i32
    %lt3A_24 = arith.constant 0 : i32
    %lt3A_25 = arith.cmpi slt, %select_n3A_19, %lt3A_24 : i32
    %ne3A_26 = arith.xori %lt3A_23, %lt3A_25 : i1
    %and3A_27 = arith.andi %ne3A_26, %ne3A_22 : i1
    %add3A = arith.addi %rem3A_20, %select_n3A_19 : i32
    %select_n3A_28 = arith.select %and3A_27, %add3A, %rem3A_20 : i32
    %c0_i32 = arith.constant 0 : i32
    %c0_i32_29 = arith.constant 0 : i32
    return %select_n3A, %select_n3A_28, %c0_i32 : i32, i32, i32
  }
  func.func @transform_3(%arg0: i32) -> (i32, i32) {
    %c0_i32 = arith.constant 0 : i32
    %c0_i32_0 = arith.constant 0 : i32
    %c0_i32_1 = arith.constant 0 : i32
    return %c0_i32, %c0_i32_0 : i32, i32
  }
  func.func @transform_4(%arg0: i32) -> (i32, i32) {
    %c0_i32 = arith.constant 0 : i32
    %c0_i32_0 = arith.constant 0 : i32
    %c0_i32_1 = arith.constant 0 : i32
    return %c0_i32, %c0_i32_0 : i32, i32
  }
  func.func @transform_5(%arg0: i32) -> (i32, i32) {
    %c0_i32 = arith.constant 0 : i32
    %c0_i32_0 = arith.constant 0 : i32
    return %arg0, %c0_i32 : i32, i32
  }
  func.func @transform_6(%arg0: i32) -> (i32, i32) {
    %c0_i32 = arith.constant 0 : i32
    %c0_i32_0 = arith.constant 0 : i32
    %c0_i32_1 = arith.constant 0 : i32
    return %c0_i32, %c0_i32_0 : i32, i32
  }
}

module attributes {stable_mosaic.version = 14 : i64} {
  func.func @body(%arg0: i32, %arg1: memref<1000x256xf32, #tpu.memory_space<vmem>>, %arg2: memref<2x256xf32, #tpu.memory_space<vmem>>, %arg3: memref<1x256xf32, #tpu.memory_space<vmem>>, %arg4: memref<1x256xf32, #tpu.memory_space<vmem>>, %arg5: memref<1000x256xf32, #tpu.memory_space<vmem>>, %arg6: memref<1x1000x128xf32, #tpu.memory_space<vmem>>, %arg7: memref<1000x256xf32, #tpu.memory_space<vmem>>, %arg8: memref<2x1000x128xf32, #tpu.memory_space<vmem>>) attributes {dimension_semantics = [#tpu.dimension_semantics<arbitrary>], iteration_bounds = array<i64: 10>, scalar_prefetch = 0 : i64, scratch_operands = 0 : i64, tpu.core_type = #tpu.core_type<tc>, window_params = [{transform_indices = @transform_0, window_bounds = array<i64: 1000, 256>}, {pipeline_mode = #tpu.pipeline_mode<synchronous>, transform_indices = @transform_1, window_bounds = array<i64: 2, 256>}, {pipeline_mode = #tpu.pipeline_mode<synchronous>, transform_indices = @transform_2, window_bounds = array<i64: 1, 256>}, {pipeline_mode = #tpu.pipeline_mode<synchronous>, transform_indices = @transform_3, window_bounds = array<i64: 1, 256>}, {transform_indices = @transform_4, window_bounds = array<i64: 1000, 256>}, {transform_indices = @transform_5, window_bounds = array<i64: 1, 1000, 128>}, {transform_indices = @transform_6, window_bounds = array<i64: 1000, 256>}, {transform_indices = @transform_7, window_bounds = array<i64: 2, 1000, 128>}]} {
    %get3A = arith.constant 0 : index
    %get3A_0 = arith.constant 0 : index
    %get3A_1 = vector.load %arg2[%get3A, %get3A_0] : memref<2x256xf32, #tpu.memory_space<vmem>>, vector<1x256xf32>
    %mul3A = arith.constant 9.99999974E-5 : f32
    %mul3A_2 = vector.broadcast %mul3A : f32 to vector<1x256xf32>
    %mul3A_3 = arith.mulf %get3A_1, %mul3A_2 : vector<1x256xf32>
    %get3A_4 = arith.constant 1 : index
    %get3A_5 = arith.constant 0 : index
    %get3A_6 = vector.load %arg2[%get3A_4, %get3A_5] : memref<2x256xf32, #tpu.memory_space<vmem>>, vector<1x256xf32>
    %mul3A_7 = arith.constant 9.99999974E-5 : f32
    %mul3A_8 = vector.broadcast %mul3A_7 : f32 to vector<1x256xf32>
    %mul3A_9 = arith.mulf %get3A_6, %mul3A_8 : vector<1x256xf32>
    %mul3A_10 = arith.mulf %mul3A_3, %mul3A_3 : vector<1x256xf32>
    %sub3A = arith.subf %mul3A_9, %mul3A_10 : vector<1x256xf32>
    %get3A_11 = arith.constant 0 : index
    %get3A_12 = arith.constant 0 : index
    %get3A_13 = vector.load %arg1[%get3A_11, %get3A_12] : memref<1000x256xf32, #tpu.memory_space<vmem>>, vector<1000x256xf32>
    %sub3A_14 = vector.broadcast %mul3A_3 : vector<1x256xf32> to vector<1000x256xf32>
    %sub3A_15 = arith.subf %get3A_13, %sub3A_14 : vector<1000x256xf32>
    %add3A = arith.constant 9.99999974E-6 : f32
    %add3A_16 = vector.broadcast %add3A : f32 to vector<1x256xf32>
    %add3A_17 = arith.addf %sub3A, %add3A_16 : vector<1x256xf32>
    %rsqrt3A = math.rsqrt %add3A_17 : vector<1x256xf32>
    %mul3A_18 = vector.broadcast %rsqrt3A : vector<1x256xf32> to vector<1000x256xf32>
    %mul3A_19 = arith.mulf %sub3A_15, %mul3A_18 : vector<1000x256xf32>
    %get3A_20 = arith.constant 0 : index
    %get3A_21 = arith.constant 0 : index
    %get3A_22 = vector.load %arg3[%get3A_20, %get3A_21] : memref<1x256xf32, #tpu.memory_space<vmem>>, vector<1x256xf32>
    %mul3A_23 = vector.broadcast %get3A_22 : vector<1x256xf32> to vector<1000x256xf32>
    %mul3A_24 = arith.mulf %mul3A_19, %mul3A_23 : vector<1000x256xf32>
    %get3A_25 = arith.constant 0 : index
    %get3A_26 = arith.constant 0 : index
    %get3A_27 = vector.load %arg4[%get3A_25, %get3A_26] : memref<1x256xf32, #tpu.memory_space<vmem>>, vector<1x256xf32>
    %add3A_28 = vector.broadcast %get3A_27 : vector<1x256xf32> to vector<1000x256xf32>
    %add3A_29 = arith.addf %mul3A_24, %add3A_28 : vector<1000x256xf32>
    %max3A = arith.constant 0.000000e+00 : f32
    %max3A_30 = vector.broadcast %max3A : f32 to vector<1000x256xf32>
    %max3A_31 = arith.maximumf %add3A_29, %max3A_30 : vector<1000x256xf32>
    %get3A_32 = arith.constant 0 : index
    %get3A_33 = arith.constant 0 : index
    %get3A_34 = vector.load %arg5[%get3A_32, %get3A_33] : memref<1000x256xf32, #tpu.memory_space<vmem>>, vector<1000x256xf32>
    %add3A_35 = arith.addf %max3A_31, %get3A_34 : vector<1000x256xf32>
    %swap3A = arith.constant 0 : index
    %swap3A_36 = arith.constant 0 : index
    %swap3A_37 = vector.load %arg7[%swap3A, %swap3A_36] : memref<1000x256xf32, #tpu.memory_space<vmem>>, vector<1000x256xf32>
    tpu.vector_store %arg7[%swap3A, %swap3A_36], %add3A_35 {strides = array<i32>} : memref<1000x256xf32, #tpu.memory_space<vmem>>, vector<1000x256xf32>,
    %get3A_38 = arith.constant 0 : index
    %get3A_39 = arith.constant 0 : index
    %get3A_40 = arith.constant 0 : index
    %get3A_41 = vector.load %arg6[%get3A_38, %get3A_39, %get3A_40] : memref<1x1000x128xf32, #tpu.memory_space<vmem>>, vector<1x1000x128xf32>
    %slice3A = vector.extract_strided_slice %get3A_41 {offsets = [0, 0, 0], sizes = [1, 1000, 1], strides = [1, 1, 1]} : vector<1x1000x128xf32> to vector<1x1000x1xf32>
    %squeeze3A = vector.shape_cast %slice3A : vector<1x1000x1xf32> to vector<1000x1xf32>
    %add3A_42 = arith.constant 1.000000e+00 : f32
    %add3A_43 = vector.broadcast %add3A_42 : f32 to vector<1000x1xf32>
    %add3A_44 = arith.addf %squeeze3A, %add3A_43 : vector<1000x1xf32>
    %rsqrt3A_45 = math.rsqrt %add3A_44 : vector<1000x1xf32>
    %convert_element_type3A = arith.truncf %add3A_35 : vector<1000x256xf32> to vector<1000x256xbf16>
    %convert_element_type3A_46 = arith.extf %convert_element_type3A : vector<1000x256xbf16> to vector<1000x256xf32>
    %mul3A_47 = vector.broadcast %rsqrt3A_45 : vector<1000x1xf32> to vector<1000x256xf32>
    %mul3A_48 = arith.mulf %convert_element_type3A_46, %mul3A_47 : vector<1000x256xf32>
    %slice3A_49 = vector.extract_strided_slice %mul3A_48 {offsets = [0, 0], sizes = [1000, 128], strides = [1, 1]} : vector<1000x256xf32> to vector<1000x128xf32>
    %swap3A_50 = arith.constant 0 : index
    %swap3A_51 = arith.constant 0 : index
    %swap3A_52 = arith.constant 0 : index
    %swap3A_53 = vector.load %arg8[%swap3A_50, %swap3A_51, %swap3A_52] : memref<2x1000x128xf32, #tpu.memory_space<vmem>>, vector<1x1000x128xf32>
    %swap3A_54 = vector.shape_cast %swap3A_53 : vector<1x1000x128xf32> to vector<1000x128xf32>
    %swap3A_55 = vector.shape_cast %slice3A_49 : vector<1000x128xf32> to vector<1x1000x128xf32>
    tpu.vector_store %arg8[%swap3A_50, %swap3A_51, %swap3A_52], %swap3A_55 {strides = array<i32>} : memref<2x1000x128xf32, #tpu.memory_space<vmem>>, vector<1x1000x128xf32>,
    %slice3A_56 = vector.extract_strided_slice %mul3A_48 {offsets = [0, 128], sizes = [1000, 128], strides = [1, 1]} : vector<1000x256xf32> to vector<1000x128xf32>
    %swap3A_57 = arith.constant 1 : index
    %swap3A_58 = arith.constant 0 : index
    %swap3A_59 = arith.constant 0 : index
    %swap3A_60 = vector.load %arg8[%swap3A_57, %swap3A_58, %swap3A_59] : memref<2x1000x128xf32, #tpu.memory_space<vmem>>, vector<1x1000x128xf32>
    %swap3A_61 = vector.shape_cast %swap3A_60 : vector<1x1000x128xf32> to vector<1000x128xf32>
    %swap3A_62 = vector.shape_cast %slice3A_56 : vector<1000x128xf32> to vector<1x1000x128xf32>
    tpu.vector_store %arg8[%swap3A_57, %swap3A_58, %swap3A_59], %swap3A_62 {strides = array<i32>} : memref<2x1000x128xf32, #tpu.memory_space<vmem>>, vector<1x1000x128xf32>,
    return
  }
  func.func @transform_0(%arg0: i32) -> (i32, i32) {
    %c0_i32 = arith.constant 0 : i32
    %c0_i32_0 = arith.constant 0 : i32
    return %arg0, %c0_i32 : i32, i32
  }
  func.func @transform_1(%arg0: i32) -> (i32, i32) {
    %c0_i32 = arith.constant 0 : i32
    %c0_i32_0 = arith.constant 0 : i32
    %c0_i32_1 = arith.constant 0 : i32
    return %c0_i32, %c0_i32_0 : i32, i32
  }
  func.func @transform_2(%arg0: i32) -> (i32, i32) {
    %c0_i32 = arith.constant 0 : i32
    %c0_i32_0 = arith.constant 0 : i32
    %c0_i32_1 = arith.constant 0 : i32
    return %c0_i32, %c0_i32_0 : i32, i32
  }
  func.func @transform_3(%arg0: i32) -> (i32, i32) {
    %c0_i32 = arith.constant 0 : i32
    %c0_i32_0 = arith.constant 0 : i32
    %c0_i32_1 = arith.constant 0 : i32
    return %c0_i32, %c0_i32_0 : i32, i32
  }
  func.func @transform_4(%arg0: i32) -> (i32, i32) {
    %c0_i32 = arith.constant 0 : i32
    %c0_i32_0 = arith.constant 0 : i32
    return %arg0, %c0_i32 : i32, i32
  }
  func.func @transform_5(%arg0: i32) -> (i32, i32, i32) {
    %jit3A = arith.constant 5 : i32
    %div3A = arith.divsi %arg0, %jit3A : i32
    %sign3A = arith.constant 0 : i32
    %sign3A_0 = arith.cmpi sgt, %arg0, %sign3A : i32
    %sign3A_1 = arith.extui %sign3A_0 : i1 to i32
    %sign3A_2 = arith.constant 0 : i32
    %sign3A_3 = arith.cmpi slt, %arg0, %sign3A_2 : i32
    %sign3A_4 = arith.extui %sign3A_3 : i1 to i32
    %sign3A_5 = arith.subi %sign3A_1, %sign3A_4 : i32
    %sign3A_6 = arith.constant 0 : i32
    %sign3A_7 = arith.cmpi sgt, %jit3A, %sign3A_6 : i32
    %sign3A_8 = arith.extui %sign3A_7 : i1 to i32
    %sign3A_9 = arith.constant 0 : i32
    %sign3A_10 = arith.cmpi slt, %jit3A, %sign3A_9 : i32
    %sign3A_11 = arith.extui %sign3A_10 : i1 to i32
    %sign3A_12 = arith.subi %sign3A_8, %sign3A_11 : i32
    %ne3A = arith.cmpi ne, %sign3A_5, %sign3A_12 : i32
    %rem3A = arith.remsi %arg0, %jit3A : i32
    %ne3A_13 = arith.constant 0 : i32
    %ne3A_14 = arith.cmpi ne, %rem3A, %ne3A_13 : i32
    %and3A = arith.andi %ne3A, %ne3A_14 : i1
    %sub3A = arith.constant 1 : i32
    %sub3A_15 = arith.subi %div3A, %sub3A : i32
    %select_n3A = arith.select %and3A, %sub3A_15, %div3A : i32
    %jit3A_16 = arith.constant 5 : i32
    %eq3A = arith.constant 0 : i32
    %eq3A_17 = arith.cmpi eq, %jit3A_16, %eq3A : i32
    %jit3A_18 = arith.constant 1 : i32
    %select_n3A_19 = arith.select %eq3A_17, %jit3A_18, %jit3A_16 : i32
    %rem3A_20 = arith.remsi %arg0, %select_n3A_19 : i32
    %ne3A_21 = arith.constant 0 : i32
    %ne3A_22 = arith.cmpi ne, %rem3A_20, %ne3A_21 : i32
    %lt3A = arith.constant 0 : i32
    %lt3A_23 = arith.cmpi slt, %rem3A_20, %lt3A : i32
    %lt3A_24 = arith.constant 0 : i32
    %lt3A_25 = arith.cmpi slt, %select_n3A_19, %lt3A_24 : i32
    %ne3A_26 = arith.xori %lt3A_23, %lt3A_25 : i1
    %and3A_27 = arith.andi %ne3A_26, %ne3A_22 : i1
    %add3A = arith.addi %rem3A_20, %select_n3A_19 : i32
    %select_n3A_28 = arith.select %and3A_27, %add3A, %rem3A_20 : i32
    %c0_i32 = arith.constant 0 : i32
    %c0_i32_29 = arith.constant 0 : i32
    return %select_n3A, %select_n3A_28, %c0_i32 : i32, i32, i32
  }
  func.func @transform_6(%arg0: i32) -> (i32, i32) {
    %c0_i32 = arith.constant 0 : i32
    %c0_i32_0 = arith.constant 0 : i32
    return %arg0, %c0_i32 : i32, i32
  }
  func.func @transform_7(%arg0: i32) -> (i32, i32, i32) {
    %c0_i32 = arith.constant 0 : i32
    %c0_i32_0 = arith.constant 0 : i32
    %c0_i32_1 = arith.constant 0 : i32
    return %c0_i32, %arg0, %c0_i32_0 : i32, i32, i32
  }
}

module attributes {stable_mosaic.version = 14 : i64} {
  func.func @body(%arg0: i32, %arg1: memref<1x2x1000x128xf32, #tpu.memory_space<vmem>>, %arg2: memref<2x1000x128xf32, #tpu.memory_space<vmem>>, %arg3: memref<1x1000x128xf32, #tpu.memory_space<vmem>>, %arg4: memref<256x256xf32, #tpu.memory_space<vmem>>, %arg5: memref<1x256xf32, #tpu.memory_space<vmem>>, %arg6: memref<1000x256xf32, #tpu.memory_space<vmem>>, %arg7: memref<2x256xf32, #tpu.memory_space<vmem>>) attributes {dimension_semantics = [#tpu.dimension_semantics<arbitrary>], iteration_bounds = array<i64: 10>, scalar_prefetch = 0 : i64, scratch_operands = 0 : i64, tpu.core_type = #tpu.core_type<tc>, window_params = [{transform_indices = @transform_0, window_bounds = array<i64: 1, 2, 1000, 128>}, {transform_indices = @transform_1, window_bounds = array<i64: 2, 1000, 128>}, {transform_indices = @transform_2, window_bounds = array<i64: 1, 1000, 128>}, {pipeline_mode = #tpu.pipeline_mode<synchronous>, transform_indices = @transform_3, window_bounds = array<i64: 256, 256>}, {pipeline_mode = #tpu.pipeline_mode<synchronous>, transform_indices = @transform_4, window_bounds = array<i64: 1, 256>}, {transform_indices = @transform_5, window_bounds = array<i64: 1000, 256>}, {pipeline_mode = #tpu.pipeline_mode<synchronous>, transform_indices = @transform_6, window_bounds = array<i64: 2, 256>}]} {
    %get3A = arith.constant 0 : index
    %get3A_0 = arith.constant 0 : index
    %get3A_1 = arith.constant 0 : index
    %get3A_2 = vector.load %arg3[%get3A, %get3A_0, %get3A_1] : memref<1x1000x128xf32, #tpu.memory_space<vmem>>, vector<1x1000x128xf32>
    %slice3A = vector.extract_strided_slice %get3A_2 {offsets = [0, 0, 0], sizes = [1, 1000, 1], strides = [1, 1, 1]} : vector<1x1000x128xf32> to vector<1x1000x1xf32>
    %squeeze3A = vector.shape_cast %slice3A : vector<1x1000x1xf32> to vector<1000x1xf32>
    %add3A = arith.constant 1.000000e+00 : f32
    %add3A_3 = vector.broadcast %add3A : f32 to vector<1000x1xf32>
    %add3A_4 = arith.addf %squeeze3A, %add3A_3 : vector<1000x1xf32>
    %rsqrt3A = math.rsqrt %add3A_4 : vector<1000x1xf32>
    %get3A_5 = arith.constant 0 : index
    %get3A_6 = arith.constant 0 : index
    %get3A_7 = arith.constant 0 : index
    %get3A_8 = arith.constant 0 : index
    %get3A_9 = vector.load %arg1[%get3A_5, %get3A_6, %get3A_7, %get3A_8] : memref<1x2x1000x128xf32, #tpu.memory_space<vmem>>, vector<1x1x1000x128xf32>
    %get3A_10 = vector.shape_cast %get3A_9 : vector<1x1x1000x128xf32> to vector<1000x128xf32>
    %get3A_11 = arith.constant 0 : index
    %get3A_12 = arith.constant 0 : index
    %get3A_13 = arith.constant 0 : index
    %get3A_14 = vector.load %arg2[%get3A_11, %get3A_12, %get3A_13] : memref<2x1000x128xf32, #tpu.memory_space<vmem>>, vector<1x1000x128xf32>
    %get3A_15 = vector.shape_cast %get3A_14 : vector<1x1000x128xf32> to vector<1000x128xf32>
    %add3A_16 = arith.addf %get3A_10, %get3A_15 : vector<1000x128xf32>
    %mul3A = vector.broadcast %rsqrt3A : vector<1000x1xf32> to vector<1000x128xf32>
    %mul3A_17 = arith.mulf %add3A_16, %mul3A : vector<1000x128xf32>
    %get3A_18 = arith.constant 0 : index
    %get3A_19 = arith.constant 1 : index
    %get3A_20 = arith.constant 0 : index
    %get3A_21 = arith.constant 0 : index
    %get3A_22 = vector.load %arg1[%get3A_18, %get3A_19, %get3A_20, %get3A_21] : memref<1x2x1000x128xf32, #tpu.memory_space<vmem>>, vector<1x1x1000x128xf32>
    %get3A_23 = vector.shape_cast %get3A_22 : vector<1x1x1000x128xf32> to vector<1000x128xf32>
    %get3A_24 = arith.constant 1 : index
    %get3A_25 = arith.constant 0 : index
    %get3A_26 = arith.constant 0 : index
    %get3A_27 = vector.load %arg2[%get3A_24, %get3A_25, %get3A_26] : memref<2x1000x128xf32, #tpu.memory_space<vmem>>, vector<1x1000x128xf32>
    %get3A_28 = vector.shape_cast %get3A_27 : vector<1x1000x128xf32> to vector<1000x128xf32>
    %add3A_29 = arith.addf %get3A_23, %get3A_28 : vector<1000x128xf32>
    %mul3A_30 = vector.broadcast %rsqrt3A : vector<1000x1xf32> to vector<1000x128xf32>
    %mul3A_31 = arith.mulf %add3A_29, %mul3A_30 : vector<1000x128xf32>
    %concatenate3A = tpu.concatenate %mul3A_17, %mul3A_31 in 1 : vector<1000x128xf32>, vector<1000x128xf32> -> vector<1000x256xf32>
    %get3A_32 = arith.constant 0 : index
    %get3A_33 = arith.constant 0 : index
    %get3A_34 = vector.load %arg4[%get3A_32, %get3A_33] : memref<256x256xf32, #tpu.memory_space<vmem>>, vector<256x256xf32>
    %dot_general3A = arith.constant dense<0.000000e+00> : vector<1000x256xf32>
    %dot_general3A_35 = tpu.matmul %concatenate3A, %get3A_34, %dot_general3A {dimension_numbers = #tpu.dot_dimension_numbers<[1], [0], [0], [1], [0, 0, 1, 1], [], []>, precision = #tpu.contract_precision<fp32>, transpose_lhs_hint = false} : vector<1000x256xf32>, vector<256x256xf32>, vector<1000x256xf32> -> vector<1000x256xf32>
    %get3A_36 = arith.constant 0 : index
    %get3A_37 = arith.constant 0 : index
    %get3A_38 = vector.load %arg5[%get3A_36, %get3A_37] : memref<1x256xf32, #tpu.memory_space<vmem>>, vector<1x256xf32>
    %add3A_39 = vector.broadcast %get3A_38 : vector<1x256xf32> to vector<1000x256xf32>
    %add3A_40 = arith.addf %dot_general3A_35, %add3A_39 : vector<1000x256xf32>
    %swap3A = arith.constant 0 : index
    %swap3A_41 = arith.constant 0 : index
    %swap3A_42 = vector.load %arg6[%swap3A, %swap3A_41] : memref<1000x256xf32, #tpu.memory_space<vmem>>, vector<1000x256xf32>
    tpu.vector_store %arg6[%swap3A, %swap3A_41], %add3A_40 {strides = array<i32>} : memref<1000x256xf32, #tpu.memory_space<vmem>>, vector<1000x256xf32>,
    %reduce_sum3A = arith.constant dense<0.000000e+00> : vector<256xf32>
    %reduce_sum3A_43 = vector.multi_reduction <add>, %add3A_40, %reduce_sum3A [0] : vector<1000x256xf32> to vector<256xf32>
    %broadcast_in_dim3A = vector.shape_cast %reduce_sum3A_43 : vector<256xf32> to vector<1x256xf32>
    %mul3A_44 = arith.mulf %add3A_40, %add3A_40 : vector<1000x256xf32>
    %reduce_sum3A_45 = arith.constant dense<0.000000e+00> : vector<256xf32>
    %reduce_sum3A_46 = vector.multi_reduction <add>, %mul3A_44, %reduce_sum3A_45 [0] : vector<1000x256xf32> to vector<256xf32>
    %broadcast_in_dim3A_47 = vector.shape_cast %reduce_sum3A_46 : vector<256xf32> to vector<1x256xf32>
    %concatenate3A_48 = tpu.concatenate %broadcast_in_dim3A, %broadcast_in_dim3A_47 in 0 : vector<1x256xf32>, vector<1x256xf32> -> vector<2x256xf32>
    %eq3A = arith.constant 0 : i32
    %eq3A_49 = arith.cmpi eq, %arg0, %eq3A : i32
    %convert_element_type3A = arith.extui %eq3A_49 : i1 to i32
    %cond3A = arith.constant 0 : i32
    %cond3A_50 = arith.cmpi ne, %convert_element_type3A, %cond3A : i32
    scf.if %cond3A_50 {
      %swap3A_55 = arith.constant 0 : index
      %swap3A_56 = arith.constant 0 : index
      %swap3A_57 = vector.load %arg7[%swap3A_55, %swap3A_56] : memref<2x256xf32, #tpu.memory_space<vmem>>, vector<2x256xf32>
      tpu.vector_store %arg7[%swap3A_55, %swap3A_56], %concatenate3A_48 {strides = array<i32>} : memref<2x256xf32, #tpu.memory_space<vmem>>, vector<2x256xf32>,
    } else {
    }
    %gt3A = arith.constant 0 : i32
    %gt3A_51 = arith.cmpi sgt, %arg0, %gt3A : i32
    %convert_element_type3A_52 = arith.extui %gt3A_51 : i1 to i32
    %cond3A_53 = arith.constant 0 : i32
    %cond3A_54 = arith.cmpi ne, %convert_element_type3A_52, %cond3A_53 : i32
    scf.if %cond3A_54 {
      %get3A_55 = arith.constant 0 : index
      %get3A_56 = arith.constant 0 : index
      %get3A_57 = vector.load %arg7[%get3A_55, %get3A_56] : memref<2x256xf32, #tpu.memory_space<vmem>>, vector<2x256xf32>
      %add3A_58 = arith.addf %get3A_57, %concatenate3A_48 : vector<2x256xf32>
      %swap3A_59 = arith.constant 0 : index
      %swap3A_60 = arith.constant 0 : index
      %swap3A_61 = vector.load %arg7[%swap3A_59, %swap3A_60] : memref<2x256xf32, #tpu.memory_space<vmem>>, vector<2x256xf32>
      tpu.vector_store %arg7[%swap3A_59, %swap3A_60], %add3A_58 {strides = array<i32>} : memref<2x256xf32, #tpu.memory_space<vmem>>, vector<2x256xf32>,
    } else {
    }
    return
  }
  func.func @transform_0(%arg0: i32) -> (i32, i32, i32, i32) {
    %jit3A = arith.constant 5 : i32
    %div3A = arith.divsi %arg0, %jit3A : i32
    %sign3A = arith.constant 0 : i32
    %sign3A_0 = arith.cmpi sgt, %arg0, %sign3A : i32
    %sign3A_1 = arith.extui %sign3A_0 : i1 to i32
    %sign3A_2 = arith.constant 0 : i32
    %sign3A_3 = arith.cmpi slt, %arg0, %sign3A_2 : i32
    %sign3A_4 = arith.extui %sign3A_3 : i1 to i32
    %sign3A_5 = arith.subi %sign3A_1, %sign3A_4 : i32
    %sign3A_6 = arith.constant 0 : i32
    %sign3A_7 = arith.cmpi sgt, %jit3A, %sign3A_6 : i32
    %sign3A_8 = arith.extui %sign3A_7 : i1 to i32
    %sign3A_9 = arith.constant 0 : i32
    %sign3A_10 = arith.cmpi slt, %jit3A, %sign3A_9 : i32
    %sign3A_11 = arith.extui %sign3A_10 : i1 to i32
    %sign3A_12 = arith.subi %sign3A_8, %sign3A_11 : i32
    %ne3A = arith.cmpi ne, %sign3A_5, %sign3A_12 : i32
    %rem3A = arith.remsi %arg0, %jit3A : i32
    %ne3A_13 = arith.constant 0 : i32
    %ne3A_14 = arith.cmpi ne, %rem3A, %ne3A_13 : i32
    %and3A = arith.andi %ne3A, %ne3A_14 : i1
    %sub3A = arith.constant 1 : i32
    %sub3A_15 = arith.subi %div3A, %sub3A : i32
    %select_n3A = arith.select %and3A, %sub3A_15, %div3A : i32
    %jit3A_16 = arith.constant 5 : i32
    %eq3A = arith.constant 0 : i32
    %eq3A_17 = arith.cmpi eq, %jit3A_16, %eq3A : i32
    %jit3A_18 = arith.constant 1 : i32
    %select_n3A_19 = arith.select %eq3A_17, %jit3A_18, %jit3A_16 : i32
    %rem3A_20 = arith.remsi %arg0, %select_n3A_19 : i32
    %ne3A_21 = arith.constant 0 : i32
    %ne3A_22 = arith.cmpi ne, %rem3A_20, %ne3A_21 : i32
    %lt3A = arith.constant 0 : i32
    %lt3A_23 = arith.cmpi slt, %rem3A_20, %lt3A : i32
    %lt3A_24 = arith.constant 0 : i32
    %lt3A_25 = arith.cmpi slt, %select_n3A_19, %lt3A_24 : i32
    %ne3A_26 = arith.xori %lt3A_23, %lt3A_25 : i1
    %and3A_27 = arith.andi %ne3A_26, %ne3A_22 : i1
    %add3A = arith.addi %rem3A_20, %select_n3A_19 : i32
    %select_n3A_28 = arith.select %and3A_27, %add3A, %rem3A_20 : i32
    %c0_i32 = arith.constant 0 : i32
    %c0_i32_29 = arith.constant 0 : i32
    %c0_i32_30 = arith.constant 0 : i32
    return %select_n3A, %c0_i32, %select_n3A_28, %c0_i32_29 : i32, i32, i32, i32
  }
  func.func @transform_1(%arg0: i32) -> (i32, i32, i32) {
    %c0_i32 = arith.constant 0 : i32
    %c0_i32_0 = arith.constant 0 : i32
    %c0_i32_1 = arith.constant 0 : i32
    return %c0_i32, %arg0, %c0_i32_0 : i32, i32, i32
  }
  func.func @transform_2(%arg0: i32) -> (i32, i32, i32) {
    %jit3A = arith.constant 5 : i32
    %div3A = arith.divsi %arg0, %jit3A : i32
    %sign3A = arith.constant 0 : i32
    %sign3A_0 = arith.cmpi sgt, %arg0, %sign3A : i32
    %sign3A_1 = arith.extui %sign3A_0 : i1 to i32
    %sign3A_2 = arith.constant 0 : i32
    %sign3A_3 = arith.cmpi slt, %arg0, %sign3A_2 : i32
    %sign3A_4 = arith.extui %sign3A_3 : i1 to i32
    %sign3A_5 = arith.subi %sign3A_1, %sign3A_4 : i32
    %sign3A_6 = arith.constant 0 : i32
    %sign3A_7 = arith.cmpi sgt, %jit3A, %sign3A_6 : i32
    %sign3A_8 = arith.extui %sign3A_7 : i1 to i32
    %sign3A_9 = arith.constant 0 : i32
    %sign3A_10 = arith.cmpi slt, %jit3A, %sign3A_9 : i32
    %sign3A_11 = arith.extui %sign3A_10 : i1 to i32
    %sign3A_12 = arith.subi %sign3A_8, %sign3A_11 : i32
    %ne3A = arith.cmpi ne, %sign3A_5, %sign3A_12 : i32
    %rem3A = arith.remsi %arg0, %jit3A : i32
    %ne3A_13 = arith.constant 0 : i32
    %ne3A_14 = arith.cmpi ne, %rem3A, %ne3A_13 : i32
    %and3A = arith.andi %ne3A, %ne3A_14 : i1
    %sub3A = arith.constant 1 : i32
    %sub3A_15 = arith.subi %div3A, %sub3A : i32
    %select_n3A = arith.select %and3A, %sub3A_15, %div3A : i32
    %jit3A_16 = arith.constant 5 : i32
    %eq3A = arith.constant 0 : i32
    %eq3A_17 = arith.cmpi eq, %jit3A_16, %eq3A : i32
    %jit3A_18 = arith.constant 1 : i32
    %select_n3A_19 = arith.select %eq3A_17, %jit3A_18, %jit3A_16 : i32
    %rem3A_20 = arith.remsi %arg0, %select_n3A_19 : i32
    %ne3A_21 = arith.constant 0 : i32
    %ne3A_22 = arith.cmpi ne, %rem3A_20, %ne3A_21 : i32
    %lt3A = arith.constant 0 : i32
    %lt3A_23 = arith.cmpi slt, %rem3A_20, %lt3A : i32
    %lt3A_24 = arith.constant 0 : i32
    %lt3A_25 = arith.cmpi slt, %select_n3A_19, %lt3A_24 : i32
    %ne3A_26 = arith.xori %lt3A_23, %lt3A_25 : i1
    %and3A_27 = arith.andi %ne3A_26, %ne3A_22 : i1
    %add3A = arith.addi %rem3A_20, %select_n3A_19 : i32
    %select_n3A_28 = arith.select %and3A_27, %add3A, %rem3A_20 : i32
    %c0_i32 = arith.constant 0 : i32
    %c0_i32_29 = arith.constant 0 : i32
    return %select_n3A, %select_n3A_28, %c0_i32 : i32, i32, i32
  }
  func.func @transform_3(%arg0: i32) -> (i32, i32) {
    %c0_i32 = arith.constant 0 : i32
    %c0_i32_0 = arith.constant 0 : i32
    %c0_i32_1 = arith.constant 0 : i32
    return %c0_i32, %c0_i32_0 : i32, i32
  }
  func.func @transform_4(%arg0: i32) -> (i32, i32) {
    %c0_i32 = arith.constant 0 : i32
    %c0_i32_0 = arith.constant 0 : i32
    %c0_i32_1 = arith.constant 0 : i32
    return %c0_i32, %c0_i32_0 : i32, i32
  }
  func.func @transform_5(%arg0: i32) -> (i32, i32) {
    %c0_i32 = arith.constant 0 : i32
    %c0_i32_0 = arith.constant 0 : i32
    return %arg0, %c0_i32 : i32, i32
  }
  func.func @transform_6(%arg0: i32) -> (i32, i32) {
    %c0_i32 = arith.constant 0 : i32
    %c0_i32_0 = arith.constant 0 : i32
    %c0_i32_1 = arith.constant 0 : i32
    return %c0_i32, %c0_i32_0 : i32, i32
  }
}

module attributes {stable_mosaic.version = 14 : i64} {
  func.func @body(%arg0: i32, %arg1: memref<1000x256xf32, #tpu.memory_space<vmem>>, %arg2: memref<2x256xf32, #tpu.memory_space<vmem>>, %arg3: memref<1x256xf32, #tpu.memory_space<vmem>>, %arg4: memref<1x256xf32, #tpu.memory_space<vmem>>, %arg5: memref<1000x256xf32, #tpu.memory_space<vmem>>, %arg6: memref<1x1000x128xf32, #tpu.memory_space<vmem>>, %arg7: memref<1000x256xf32, #tpu.memory_space<vmem>>) attributes {dimension_semantics = [#tpu.dimension_semantics<arbitrary>], iteration_bounds = array<i64: 10>, scalar_prefetch = 0 : i64, scratch_operands = 0 : i64, tpu.core_type = #tpu.core_type<tc>, window_params = [{transform_indices = @transform_0, window_bounds = array<i64: 1000, 256>}, {pipeline_mode = #tpu.pipeline_mode<synchronous>, transform_indices = @transform_1, window_bounds = array<i64: 2, 256>}, {pipeline_mode = #tpu.pipeline_mode<synchronous>, transform_indices = @transform_2, window_bounds = array<i64: 1, 256>}, {pipeline_mode = #tpu.pipeline_mode<synchronous>, transform_indices = @transform_3, window_bounds = array<i64: 1, 256>}, {transform_indices = @transform_4, window_bounds = array<i64: 1000, 256>}, {transform_indices = @transform_5, window_bounds = array<i64: 1, 1000, 128>}, {transform_indices = @transform_6, window_bounds = array<i64: 1000, 256>}]} {
    %get3A = arith.constant 0 : index
    %get3A_0 = arith.constant 0 : index
    %get3A_1 = vector.load %arg2[%get3A, %get3A_0] : memref<2x256xf32, #tpu.memory_space<vmem>>, vector<1x256xf32>
    %mul3A = arith.constant 9.99999974E-5 : f32
    %mul3A_2 = vector.broadcast %mul3A : f32 to vector<1x256xf32>
    %mul3A_3 = arith.mulf %get3A_1, %mul3A_2 : vector<1x256xf32>
    %get3A_4 = arith.constant 1 : index
    %get3A_5 = arith.constant 0 : index
    %get3A_6 = vector.load %arg2[%get3A_4, %get3A_5] : memref<2x256xf32, #tpu.memory_space<vmem>>, vector<1x256xf32>
    %mul3A_7 = arith.constant 9.99999974E-5 : f32
    %mul3A_8 = vector.broadcast %mul3A_7 : f32 to vector<1x256xf32>
    %mul3A_9 = arith.mulf %get3A_6, %mul3A_8 : vector<1x256xf32>
    %mul3A_10 = arith.mulf %mul3A_3, %mul3A_3 : vector<1x256xf32>
    %sub3A = arith.subf %mul3A_9, %mul3A_10 : vector<1x256xf32>
    %get3A_11 = arith.constant 0 : index
    %get3A_12 = arith.constant 0 : index
    %get3A_13 = vector.load %arg1[%get3A_11, %get3A_12] : memref<1000x256xf32, #tpu.memory_space<vmem>>, vector<1000x256xf32>
    %sub3A_14 = vector.broadcast %mul3A_3 : vector<1x256xf32> to vector<1000x256xf32>
    %sub3A_15 = arith.subf %get3A_13, %sub3A_14 : vector<1000x256xf32>
    %add3A = arith.constant 9.99999974E-6 : f32
    %add3A_16 = vector.broadcast %add3A : f32 to vector<1x256xf32>
    %add3A_17 = arith.addf %sub3A, %add3A_16 : vector<1x256xf32>
    %rsqrt3A = math.rsqrt %add3A_17 : vector<1x256xf32>
    %mul3A_18 = vector.broadcast %rsqrt3A : vector<1x256xf32> to vector<1000x256xf32>
    %mul3A_19 = arith.mulf %sub3A_15, %mul3A_18 : vector<1000x256xf32>
    %get3A_20 = arith.constant 0 : index
    %get3A_21 = arith.constant 0 : index
    %get3A_22 = vector.load %arg3[%get3A_20, %get3A_21] : memref<1x256xf32, #tpu.memory_space<vmem>>, vector<1x256xf32>
    %mul3A_23 = vector.broadcast %get3A_22 : vector<1x256xf32> to vector<1000x256xf32>
    %mul3A_24 = arith.mulf %mul3A_19, %mul3A_23 : vector<1000x256xf32>
    %get3A_25 = arith.constant 0 : index
    %get3A_26 = arith.constant 0 : index
    %get3A_27 = vector.load %arg4[%get3A_25, %get3A_26] : memref<1x256xf32, #tpu.memory_space<vmem>>, vector<1x256xf32>
    %add3A_28 = vector.broadcast %get3A_27 : vector<1x256xf32> to vector<1000x256xf32>
    %add3A_29 = arith.addf %mul3A_24, %add3A_28 : vector<1000x256xf32>
    %max3A = arith.constant 0.000000e+00 : f32
    %max3A_30 = vector.broadcast %max3A : f32 to vector<1000x256xf32>
    %max3A_31 = arith.maximumf %add3A_29, %max3A_30 : vector<1000x256xf32>
    %get3A_32 = arith.constant 0 : index
    %get3A_33 = arith.constant 0 : index
    %get3A_34 = vector.load %arg5[%get3A_32, %get3A_33] : memref<1000x256xf32, #tpu.memory_space<vmem>>, vector<1000x256xf32>
    %add3A_35 = arith.addf %max3A_31, %get3A_34 : vector<1000x256xf32>
    %swap3A = arith.constant 0 : index
    %swap3A_36 = arith.constant 0 : index
    %swap3A_37 = vector.load %arg7[%swap3A, %swap3A_36] : memref<1000x256xf32, #tpu.memory_space<vmem>>, vector<1000x256xf32>
    tpu.vector_store %arg7[%swap3A, %swap3A_36], %add3A_35 {strides = array<i32>} : memref<1000x256xf32, #tpu.memory_space<vmem>>, vector<1000x256xf32>,
    return
  }
  func.func @transform_0(%arg0: i32) -> (i32, i32) {
    %c0_i32 = arith.constant 0 : i32
    %c0_i32_0 = arith.constant 0 : i32
    return %arg0, %c0_i32 : i32, i32
  }
  func.func @transform_1(%arg0: i32) -> (i32, i32) {
    %c0_i32 = arith.constant 0 : i32
    %c0_i32_0 = arith.constant 0 : i32
    %c0_i32_1 = arith.constant 0 : i32
    return %c0_i32, %c0_i32_0 : i32, i32
  }
  func.func @transform_2(%arg0: i32) -> (i32, i32) {
    %c0_i32 = arith.constant 0 : i32
    %c0_i32_0 = arith.constant 0 : i32
    %c0_i32_1 = arith.constant 0 : i32
    return %c0_i32, %c0_i32_0 : i32, i32
  }
  func.func @transform_3(%arg0: i32) -> (i32, i32) {
    %c0_i32 = arith.constant 0 : i32
    %c0_i32_0 = arith.constant 0 : i32
    %c0_i32_1 = arith.constant 0 : i32
    return %c0_i32, %c0_i32_0 : i32, i32
  }
  func.func @transform_4(%arg0: i32) -> (i32, i32) {
    %c0_i32 = arith.constant 0 : i32
    %c0_i32_0 = arith.constant 0 : i32
    return %arg0, %c0_i32 : i32, i32
  }
  func.func @transform_5(%arg0: i32) -> (i32, i32, i32) {
    %jit3A = arith.constant 5 : i32
    %div3A = arith.divsi %arg0, %jit3A : i32
    %sign3A = arith.constant 0 : i32
    %sign3A_0 = arith.cmpi sgt, %arg0, %sign3A : i32
    %sign3A_1 = arith.extui %sign3A_0 : i1 to i32
    %sign3A_2 = arith.constant 0 : i32
    %sign3A_3 = arith.cmpi slt, %arg0, %sign3A_2 : i32
    %sign3A_4 = arith.extui %sign3A_3 : i1 to i32
    %sign3A_5 = arith.subi %sign3A_1, %sign3A_4 : i32
    %sign3A_6 = arith.constant 0 : i32
    %sign3A_7 = arith.cmpi sgt, %jit3A, %sign3A_6 : i32
    %sign3A_8 = arith.extui %sign3A_7 : i1 to i32
    %sign3A_9 = arith.constant 0 : i32
    %sign3A_10 = arith.cmpi slt, %jit3A, %sign3A_9 : i32
    %sign3A_11 = arith.extui %sign3A_10 : i1 to i32
    %sign3A_12 = arith.subi %sign3A_8, %sign3A_11 : i32
    %ne3A = arith.cmpi ne, %sign3A_5, %sign3A_12 : i32
    %rem3A = arith.remsi %arg0, %jit3A : i32
    %ne3A_13 = arith.constant 0 : i32
    %ne3A_14 = arith.cmpi ne, %rem3A, %ne3A_13 : i32
    %and3A = arith.andi %ne3A, %ne3A_14 : i1
    %sub3A = arith.constant 1 : i32
    %sub3A_15 = arith.subi %div3A, %sub3A : i32
    %select_n3A = arith.select %and3A, %sub3A_15, %div3A : i32
    %jit3A_16 = arith.constant 5 : i32
    %eq3A = arith.constant 0 : i32
    %eq3A_17 = arith.cmpi eq, %jit3A_16, %eq3A : i32
    %jit3A_18 = arith.constant 1 : i32
    %select_n3A_19 = arith.select %eq3A_17, %jit3A_18, %jit3A_16 : i32
    %rem3A_20 = arith.remsi %arg0, %select_n3A_19 : i32
    %ne3A_21 = arith.constant 0 : i32
    %ne3A_22 = arith.cmpi ne, %rem3A_20, %ne3A_21 : i32
    %lt3A = arith.constant 0 : i32
    %lt3A_23 = arith.cmpi slt, %rem3A_20, %lt3A : i32
    %lt3A_24 = arith.constant 0 : i32
    %lt3A_25 = arith.cmpi slt, %select_n3A_19, %lt3A_24 : i32
    %ne3A_26 = arith.xori %lt3A_23, %lt3A_25 : i1
    %and3A_27 = arith.andi %ne3A_26, %ne3A_22 : i1
    %add3A = arith.addi %rem3A_20, %select_n3A_19 : i32
    %select_n3A_28 = arith.select %and3A_27, %add3A, %rem3A_20 : i32
    %c0_i32 = arith.constant 0 : i32
    %c0_i32_29 = arith.constant 0 : i32
    return %select_n3A, %select_n3A_28, %c0_i32 : i32, i32, i32
  }
  func.func @transform_6(%arg0: i32) -> (i32, i32) {
    %c0_i32 = arith.constant 0 : i32
    %c0_i32_0 = arith.constant 0 : i32
    return %arg0, %c0_i32 : i32, i32
  }
}

module attributes {stable_mosaic.version = 14 : i64} {
  func.func @body(%arg0: i32, %arg1: memref<1024x512xf32, #tpu.memory_space<vmem>>, %arg2: memref<1024x32xf32, #tpu.memory_space<vmem>>, %arg3: memref<32x64xf32, #tpu.memory_space<vmem>>, %arg4: memref<1x64xf32, #tpu.memory_space<vmem>>, %arg5: memref<512x256xf32, #tpu.memory_space<vmem>>, %arg6: memref<64x256xf32, #tpu.memory_space<vmem>>, %arg7: memref<1x256xf32, #tpu.memory_space<vmem>>, %arg8: memref<1024x256xf32, #tpu.memory_space<vmem>>, %arg9: memref<2x256xf32, #tpu.memory_space<vmem>>) attributes {dimension_semantics = [#tpu.dimension_semantics<arbitrary>], iteration_bounds = array<i64: 4>, scalar_prefetch = 0 : i64, scratch_operands = 0 : i64, tpu.core_type = #tpu.core_type<tc>, window_params = [{transform_indices = @transform_0, window_bounds = array<i64: 1024, 512>}, {transform_indices = @transform_1, window_bounds = array<i64: 1024, 32>}, {pipeline_mode = #tpu.pipeline_mode<synchronous>, transform_indices = @transform_2, window_bounds = array<i64: 32, 64>}, {pipeline_mode = #tpu.pipeline_mode<synchronous>, transform_indices = @transform_3, window_bounds = array<i64: 1, 64>}, {pipeline_mode = #tpu.pipeline_mode<synchronous>, transform_indices = @transform_4, window_bounds = array<i64: 512, 256>}, {pipeline_mode = #tpu.pipeline_mode<synchronous>, transform_indices = @transform_5, window_bounds = array<i64: 64, 256>}, {pipeline_mode = #tpu.pipeline_mode<synchronous>, transform_indices = @transform_6, window_bounds = array<i64: 1, 256>}, {transform_indices = @transform_7, window_bounds = array<i64: 1024, 256>}, {pipeline_mode = #tpu.pipeline_mode<synchronous>, transform_indices = @transform_8, window_bounds = array<i64: 2, 256>}]} {
    %get3A = arith.constant 0 : index
    %get3A_0 = arith.constant 0 : index
    %get3A_1 = vector.load %arg2[%get3A, %get3A_0] : memref<1024x32xf32, #tpu.memory_space<vmem>>, vector<1024x32xf32>
    %convert_element_type3A = arith.truncf %get3A_1 : vector<1024x32xf32> to vector<1024x32xbf16>
    %convert_element_type3A_2 = arith.extf %convert_element_type3A : vector<1024x32xbf16> to vector<1024x32xf32>
    %get3A_3 = arith.constant 0 : index
    %get3A_4 = arith.constant 0 : index
    %get3A_5 = vector.load %arg3[%get3A_3, %get3A_4] : memref<32x64xf32, #tpu.memory_space<vmem>>, vector<32x64xf32>
    %dot_general3A = arith.constant dense<0.000000e+00> : vector<1024x64xf32>
    %dot_general3A_6 = tpu.matmul %convert_element_type3A_2, %get3A_5, %dot_general3A {dimension_numbers = #tpu.dot_dimension_numbers<[1], [0], [0], [1], [0, 0, 1, 1], [], []>, precision = #tpu.contract_precision<fp32>, transpose_lhs_hint = false} : vector<1024x32xf32>, vector<32x64xf32>, vector<1024x64xf32> -> vector<1024x64xf32>
    %get3A_7 = arith.constant 0 : index
    %get3A_8 = arith.constant 0 : index
    %get3A_9 = vector.load %arg4[%get3A_7, %get3A_8] : memref<1x64xf32, #tpu.memory_space<vmem>>, vector<1x64xf32>
    %add3A = vector.broadcast %get3A_9 : vector<1x64xf32> to vector<1024x64xf32>
    %add3A_10 = arith.addf %dot_general3A_6, %add3A : vector<1024x64xf32>
    %max3A = arith.constant 0.000000e+00 : f32
    %max3A_11 = vector.broadcast %max3A : f32 to vector<1024x64xf32>
    %max3A_12 = arith.maximumf %add3A_10, %max3A_11 : vector<1024x64xf32>
    %get3A_13 = arith.constant 0 : index
    %get3A_14 = arith.constant 0 : index
    %get3A_15 = vector.load %arg1[%get3A_13, %get3A_14] : memref<1024x512xf32, #tpu.memory_space<vmem>>, vector<1024x512xf32>
    %convert_element_type3A_16 = arith.truncf %get3A_15 : vector<1024x512xf32> to vector<1024x512xbf16>
    %convert_element_type3A_17 = arith.extf %convert_element_type3A_16 : vector<1024x512xbf16> to vector<1024x512xf32>
    %get3A_18 = arith.constant 0 : index
    %get3A_19 = arith.constant 0 : index
    %get3A_20 = vector.load %arg5[%get3A_18, %get3A_19] : memref<512x256xf32, #tpu.memory_space<vmem>>, vector<512x256xf32>
    %dot_general3A_21 = arith.constant dense<0.000000e+00> : vector<1024x256xf32>
    %dot_general3A_22 = tpu.matmul %convert_element_type3A_17, %get3A_20, %dot_general3A_21 {dimension_numbers = #tpu.dot_dimension_numbers<[1], [0], [0], [1], [0, 0, 1, 1], [], []>, precision = #tpu.contract_precision<fp32>, transpose_lhs_hint = false} : vector<1024x512xf32>, vector<512x256xf32>, vector<1024x256xf32> -> vector<1024x256xf32>
    %convert_element_type3A_23 = arith.truncf %max3A_12 : vector<1024x64xf32> to vector<1024x64xbf16>
    %convert_element_type3A_24 = arith.extf %convert_element_type3A_23 : vector<1024x64xbf16> to vector<1024x64xf32>
    %get3A_25 = arith.constant 0 : index
    %get3A_26 = arith.constant 0 : index
    %get3A_27 = vector.load %arg6[%get3A_25, %get3A_26] : memref<64x256xf32, #tpu.memory_space<vmem>>, vector<64x256xf32>
    %dot_general3A_28 = arith.constant dense<0.000000e+00> : vector<1024x256xf32>
    %dot_general3A_29 = tpu.matmul %convert_element_type3A_24, %get3A_27, %dot_general3A_28 {dimension_numbers = #tpu.dot_dimension_numbers<[1], [0], [0], [1], [0, 0, 1, 1], [], []>, precision = #tpu.contract_precision<fp32>, transpose_lhs_hint = false} : vector<1024x64xf32>, vector<64x256xf32>, vector<1024x256xf32> -> vector<1024x256xf32>
    %add3A_30 = arith.addf %dot_general3A_22, %dot_general3A_29 : vector<1024x256xf32>
    %get3A_31 = arith.constant 0 : index
    %get3A_32 = arith.constant 0 : index
    %get3A_33 = vector.load %arg7[%get3A_31, %get3A_32] : memref<1x256xf32, #tpu.memory_space<vmem>>, vector<1x256xf32>
    %add3A_34 = vector.broadcast %get3A_33 : vector<1x256xf32> to vector<1024x256xf32>
    %add3A_35 = arith.addf %add3A_30, %add3A_34 : vector<1024x256xf32>
    %swap3A = arith.constant 0 : index
    %swap3A_36 = arith.constant 0 : index
    %swap3A_37 = vector.load %arg8[%swap3A, %swap3A_36] : memref<1024x256xf32, #tpu.memory_space<vmem>>, vector<1024x256xf32>
    tpu.vector_store %arg8[%swap3A, %swap3A_36], %add3A_35 {strides = array<i32>} : memref<1024x256xf32, #tpu.memory_space<vmem>>, vector<1024x256xf32>,
    %reduce_sum3A = arith.constant dense<0.000000e+00> : vector<256xf32>
    %reduce_sum3A_38 = vector.multi_reduction <add>, %add3A_35, %reduce_sum3A [0] : vector<1024x256xf32> to vector<256xf32>
    %broadcast_in_dim3A = vector.shape_cast %reduce_sum3A_38 : vector<256xf32> to vector<1x256xf32>
    %mul3A = arith.mulf %add3A_35, %add3A_35 : vector<1024x256xf32>
    %reduce_sum3A_39 = arith.constant dense<0.000000e+00> : vector<256xf32>
    %reduce_sum3A_40 = vector.multi_reduction <add>, %mul3A, %reduce_sum3A_39 [0] : vector<1024x256xf32> to vector<256xf32>
    %broadcast_in_dim3A_41 = vector.shape_cast %reduce_sum3A_40 : vector<256xf32> to vector<1x256xf32>
    %concatenate3A = tpu.concatenate %broadcast_in_dim3A, %broadcast_in_dim3A_41 in 0 : vector<1x256xf32>, vector<1x256xf32> -> vector<2x256xf32>
    %eq3A = arith.constant 0 : i32
    %eq3A_42 = arith.cmpi eq, %arg0, %eq3A : i32
    %convert_element_type3A_43 = arith.extui %eq3A_42 : i1 to i32
    %cond3A = arith.constant 0 : i32
    %cond3A_44 = arith.cmpi ne, %convert_element_type3A_43, %cond3A : i32
    scf.if %cond3A_44 {
      %swap3A_49 = arith.constant 0 : index
      %swap3A_50 = arith.constant 0 : index
      %swap3A_51 = vector.load %arg9[%swap3A_49, %swap3A_50] : memref<2x256xf32, #tpu.memory_space<vmem>>, vector<2x256xf32>
      tpu.vector_store %arg9[%swap3A_49, %swap3A_50], %concatenate3A {strides = array<i32>} : memref<2x256xf32, #tpu.memory_space<vmem>>, vector<2x256xf32>,
    } else {
    }
    %gt3A = arith.constant 0 : i32
    %gt3A_45 = arith.cmpi sgt, %arg0, %gt3A : i32
    %convert_element_type3A_46 = arith.extui %gt3A_45 : i1 to i32
    %cond3A_47 = arith.constant 0 : i32
    %cond3A_48 = arith.cmpi ne, %convert_element_type3A_46, %cond3A_47 : i32
    scf.if %cond3A_48 {
      %get3A_49 = arith.constant 0 : index
      %get3A_50 = arith.constant 0 : index
      %get3A_51 = vector.load %arg9[%get3A_49, %get3A_50] : memref<2x256xf32, #tpu.memory_space<vmem>>, vector<2x256xf32>
      %add3A_52 = arith.addf %get3A_51, %concatenate3A : vector<2x256xf32>
      %swap3A_53 = arith.constant 0 : index
      %swap3A_54 = arith.constant 0 : index
      %swap3A_55 = vector.load %arg9[%swap3A_53, %swap3A_54] : memref<2x256xf32, #tpu.memory_space<vmem>>, vector<2x256xf32>
      tpu.vector_store %arg9[%swap3A_53, %swap3A_54], %add3A_52 {strides = array<i32>} : memref<2x256xf32, #tpu.memory_space<vmem>>, vector<2x256xf32>,
    } else {
    }
    return
  }
  func.func @transform_0(%arg0: i32) -> (i32, i32) {
    %c0_i32 = arith.constant 0 : i32
    %c0_i32_0 = arith.constant 0 : i32
    return %arg0, %c0_i32 : i32, i32
  }
  func.func @transform_1(%arg0: i32) -> (i32, i32) {
    %c0_i32 = arith.constant 0 : i32
    %c0_i32_0 = arith.constant 0 : i32
    return %arg0, %c0_i32 : i32, i32
  }
  func.func @transform_2(%arg0: i32) -> (i32, i32) {
    %c0_i32 = arith.constant 0 : i32
    %c0_i32_0 = arith.constant 0 : i32
    %c0_i32_1 = arith.constant 0 : i32
    return %c0_i32, %c0_i32_0 : i32, i32
  }
  func.func @transform_3(%arg0: i32) -> (i32, i32) {
    %c0_i32 = arith.constant 0 : i32
    %c0_i32_0 = arith.constant 0 : i32
    %c0_i32_1 = arith.constant 0 : i32
    return %c0_i32, %c0_i32_0 : i32, i32
  }
  func.func @transform_4(%arg0: i32) -> (i32, i32) {
    %c0_i32 = arith.constant 0 : i32
    %c0_i32_0 = arith.constant 0 : i32
    %c0_i32_1 = arith.constant 0 : i32
    return %c0_i32, %c0_i32_0 : i32, i32
  }
  func.func @transform_5(%arg0: i32) -> (i32, i32) {
    %c0_i32 = arith.constant 0 : i32
    %c0_i32_0 = arith.constant 0 : i32
    %c0_i32_1 = arith.constant 0 : i32
    return %c0_i32, %c0_i32_0 : i32, i32
  }
  func.func @transform_6(%arg0: i32) -> (i32, i32) {
    %c0_i32 = arith.constant 0 : i32
    %c0_i32_0 = arith.constant 0 : i32
    %c0_i32_1 = arith.constant 0 : i32
    return %c0_i32, %c0_i32_0 : i32, i32
  }
  func.func @transform_7(%arg0: i32) -> (i32, i32) {
    %c0_i32 = arith.constant 0 : i32
    %c0_i32_0 = arith.constant 0 : i32
    return %arg0, %c0_i32 : i32, i32
  }
  func.func @transform_8(%arg0: i32) -> (i32, i32) {
    %c0_i32 = arith.constant 0 : i32
    %c0_i32_0 = arith.constant 0 : i32
    %c0_i32_1 = arith.constant 0 : i32
    return %c0_i32, %c0_i32_0 : i32, i32
  }
}

module attributes {stable_mosaic.version = 14 : i64} {
  func.func @body(%arg0: i32, %arg1: memref<1024x256xf32, #tpu.memory_space<vmem>>, %arg2: memref<2x256xf32, #tpu.memory_space<vmem>>, %arg3: memref<1x256xf32, #tpu.memory_space<vmem>>, %arg4: memref<1x256xf32, #tpu.memory_space<vmem>>, %arg5: memref<256x128xf32, #tpu.memory_space<vmem>>, %arg6: memref<1x128xf32, #tpu.memory_space<vmem>>, %arg7: memref<1024x128xf32, #tpu.memory_space<vmem>>, %arg8: memref<2x128xf32, #tpu.memory_space<vmem>>) attributes {dimension_semantics = [#tpu.dimension_semantics<arbitrary>], iteration_bounds = array<i64: 4>, scalar_prefetch = 0 : i64, scratch_operands = 0 : i64, tpu.core_type = #tpu.core_type<tc>, window_params = [{transform_indices = @transform_0, window_bounds = array<i64: 1024, 256>}, {pipeline_mode = #tpu.pipeline_mode<synchronous>, transform_indices = @transform_1, window_bounds = array<i64: 2, 256>}, {pipeline_mode = #tpu.pipeline_mode<synchronous>, transform_indices = @transform_2, window_bounds = array<i64: 1, 256>}, {pipeline_mode = #tpu.pipeline_mode<synchronous>, transform_indices = @transform_3, window_bounds = array<i64: 1, 256>}, {pipeline_mode = #tpu.pipeline_mode<synchronous>, transform_indices = @transform_4, window_bounds = array<i64: 256, 128>}, {pipeline_mode = #tpu.pipeline_mode<synchronous>, transform_indices = @transform_5, window_bounds = array<i64: 1, 128>}, {transform_indices = @transform_6, window_bounds = array<i64: 1024, 128>}, {pipeline_mode = #tpu.pipeline_mode<synchronous>, transform_indices = @transform_7, window_bounds = array<i64: 2, 128>}]} {
    %get3A = arith.constant 0 : index
    %get3A_0 = arith.constant 0 : index
    %get3A_1 = vector.load %arg2[%get3A, %get3A_0] : memref<2x256xf32, #tpu.memory_space<vmem>>, vector<1x256xf32>
    %mul3A = arith.constant 2.44140625E-4 : f32
    %mul3A_2 = vector.broadcast %mul3A : f32 to vector<1x256xf32>
    %mul3A_3 = arith.mulf %get3A_1, %mul3A_2 : vector<1x256xf32>
    %get3A_4 = arith.constant 1 : index
    %get3A_5 = arith.constant 0 : index
    %get3A_6 = vector.load %arg2[%get3A_4, %get3A_5] : memref<2x256xf32, #tpu.memory_space<vmem>>, vector<1x256xf32>
    %mul3A_7 = arith.constant 2.44140625E-4 : f32
    %mul3A_8 = vector.broadcast %mul3A_7 : f32 to vector<1x256xf32>
    %mul3A_9 = arith.mulf %get3A_6, %mul3A_8 : vector<1x256xf32>
    %mul3A_10 = arith.mulf %mul3A_3, %mul3A_3 : vector<1x256xf32>
    %sub3A = arith.subf %mul3A_9, %mul3A_10 : vector<1x256xf32>
    %get3A_11 = arith.constant 0 : index
    %get3A_12 = arith.constant 0 : index
    %get3A_13 = vector.load %arg1[%get3A_11, %get3A_12] : memref<1024x256xf32, #tpu.memory_space<vmem>>, vector<1024x256xf32>
    %sub3A_14 = vector.broadcast %mul3A_3 : vector<1x256xf32> to vector<1024x256xf32>
    %sub3A_15 = arith.subf %get3A_13, %sub3A_14 : vector<1024x256xf32>
    %add3A = arith.constant 9.99999974E-6 : f32
    %add3A_16 = vector.broadcast %add3A : f32 to vector<1x256xf32>
    %add3A_17 = arith.addf %sub3A, %add3A_16 : vector<1x256xf32>
    %rsqrt3A = math.rsqrt %add3A_17 : vector<1x256xf32>
    %mul3A_18 = vector.broadcast %rsqrt3A : vector<1x256xf32> to vector<1024x256xf32>
    %mul3A_19 = arith.mulf %sub3A_15, %mul3A_18 : vector<1024x256xf32>
    %get3A_20 = arith.constant 0 : index
    %get3A_21 = arith.constant 0 : index
    %get3A_22 = vector.load %arg3[%get3A_20, %get3A_21] : memref<1x256xf32, #tpu.memory_space<vmem>>, vector<1x256xf32>
    %mul3A_23 = vector.broadcast %get3A_22 : vector<1x256xf32> to vector<1024x256xf32>
    %mul3A_24 = arith.mulf %mul3A_19, %mul3A_23 : vector<1024x256xf32>
    %get3A_25 = arith.constant 0 : index
    %get3A_26 = arith.constant 0 : index
    %get3A_27 = vector.load %arg4[%get3A_25, %get3A_26] : memref<1x256xf32, #tpu.memory_space<vmem>>, vector<1x256xf32>
    %add3A_28 = vector.broadcast %get3A_27 : vector<1x256xf32> to vector<1024x256xf32>
    %add3A_29 = arith.addf %mul3A_24, %add3A_28 : vector<1024x256xf32>
    %max3A = arith.constant 0.000000e+00 : f32
    %max3A_30 = vector.broadcast %max3A : f32 to vector<1024x256xf32>
    %max3A_31 = arith.maximumf %add3A_29, %max3A_30 : vector<1024x256xf32>
    %convert_element_type3A = arith.truncf %max3A_31 : vector<1024x256xf32> to vector<1024x256xbf16>
    %convert_element_type3A_32 = arith.extf %convert_element_type3A : vector<1024x256xbf16> to vector<1024x256xf32>
    %get3A_33 = arith.constant 0 : index
    %get3A_34 = arith.constant 0 : index
    %get3A_35 = vector.load %arg5[%get3A_33, %get3A_34] : memref<256x128xf32, #tpu.memory_space<vmem>>, vector<256x128xf32>
    %dot_general3A = arith.constant dense<0.000000e+00> : vector<1024x128xf32>
    %dot_general3A_36 = tpu.matmul %convert_element_type3A_32, %get3A_35, %dot_general3A {dimension_numbers = #tpu.dot_dimension_numbers<[1], [0], [0], [1], [0, 0, 1, 1], [], []>, precision = #tpu.contract_precision<fp32>, transpose_lhs_hint = false} : vector<1024x256xf32>, vector<256x128xf32>, vector<1024x128xf32> -> vector<1024x128xf32>
    %get3A_37 = arith.constant 0 : index
    %get3A_38 = arith.constant 0 : index
    %get3A_39 = vector.load %arg6[%get3A_37, %get3A_38] : memref<1x128xf32, #tpu.memory_space<vmem>>, vector<1x128xf32>
    %add3A_40 = vector.broadcast %get3A_39 : vector<1x128xf32> to vector<1024x128xf32>
    %add3A_41 = arith.addf %dot_general3A_36, %add3A_40 : vector<1024x128xf32>
    %swap3A = arith.constant 0 : index
    %swap3A_42 = arith.constant 0 : index
    %swap3A_43 = vector.load %arg7[%swap3A, %swap3A_42] : memref<1024x128xf32, #tpu.memory_space<vmem>>, vector<1024x128xf32>
    tpu.vector_store %arg7[%swap3A, %swap3A_42], %add3A_41 {strides = array<i32>} : memref<1024x128xf32, #tpu.memory_space<vmem>>, vector<1024x128xf32>,
    %reduce_sum3A = arith.constant dense<0.000000e+00> : vector<128xf32>
    %reduce_sum3A_44 = vector.multi_reduction <add>, %add3A_41, %reduce_sum3A [0] : vector<1024x128xf32> to vector<128xf32>
    %broadcast_in_dim3A = vector.shape_cast %reduce_sum3A_44 : vector<128xf32> to vector<1x128xf32>
    %mul3A_45 = arith.mulf %add3A_41, %add3A_41 : vector<1024x128xf32>
    %reduce_sum3A_46 = arith.constant dense<0.000000e+00> : vector<128xf32>
    %reduce_sum3A_47 = vector.multi_reduction <add>, %mul3A_45, %reduce_sum3A_46 [0] : vector<1024x128xf32> to vector<128xf32>
    %broadcast_in_dim3A_48 = vector.shape_cast %reduce_sum3A_47 : vector<128xf32> to vector<1x128xf32>
    %concatenate3A = tpu.concatenate %broadcast_in_dim3A, %broadcast_in_dim3A_48 in 0 : vector<1x128xf32>, vector<1x128xf32> -> vector<2x128xf32>
    %eq3A = arith.constant 0 : i32
    %eq3A_49 = arith.cmpi eq, %arg0, %eq3A : i32
    %convert_element_type3A_50 = arith.extui %eq3A_49 : i1 to i32
    %cond3A = arith.constant 0 : i32
    %cond3A_51 = arith.cmpi ne, %convert_element_type3A_50, %cond3A : i32
    scf.if %cond3A_51 {
      %swap3A_56 = arith.constant 0 : index
      %swap3A_57 = arith.constant 0 : index
      %swap3A_58 = vector.load %arg8[%swap3A_56, %swap3A_57] : memref<2x128xf32, #tpu.memory_space<vmem>>, vector<2x128xf32>
      tpu.vector_store %arg8[%swap3A_56, %swap3A_57], %concatenate3A {strides = array<i32>} : memref<2x128xf32, #tpu.memory_space<vmem>>, vector<2x128xf32>,
    } else {
    }
    %gt3A = arith.constant 0 : i32
    %gt3A_52 = arith.cmpi sgt, %arg0, %gt3A : i32
    %convert_element_type3A_53 = arith.extui %gt3A_52 : i1 to i32
    %cond3A_54 = arith.constant 0 : i32
    %cond3A_55 = arith.cmpi ne, %convert_element_type3A_53, %cond3A_54 : i32
    scf.if %cond3A_55 {
      %get3A_56 = arith.constant 0 : index
      %get3A_57 = arith.constant 0 : index
      %get3A_58 = vector.load %arg8[%get3A_56, %get3A_57] : memref<2x128xf32, #tpu.memory_space<vmem>>, vector<2x128xf32>
      %add3A_59 = arith.addf %get3A_58, %concatenate3A : vector<2x128xf32>
      %swap3A_60 = arith.constant 0 : index
      %swap3A_61 = arith.constant 0 : index
      %swap3A_62 = vector.load %arg8[%swap3A_60, %swap3A_61] : memref<2x128xf32, #tpu.memory_space<vmem>>, vector<2x128xf32>
      tpu.vector_store %arg8[%swap3A_60, %swap3A_61], %add3A_59 {strides = array<i32>} : memref<2x128xf32, #tpu.memory_space<vmem>>, vector<2x128xf32>,
    } else {
    }
    return
  }
  func.func @transform_0(%arg0: i32) -> (i32, i32) {
    %c0_i32 = arith.constant 0 : i32
    %c0_i32_0 = arith.constant 0 : i32
    return %arg0, %c0_i32 : i32, i32
  }
  func.func @transform_1(%arg0: i32) -> (i32, i32) {
    %c0_i32 = arith.constant 0 : i32
    %c0_i32_0 = arith.constant 0 : i32
    %c0_i32_1 = arith.constant 0 : i32
    return %c0_i32, %c0_i32_0 : i32, i32
  }
  func.func @transform_2(%arg0: i32) -> (i32, i32) {
    %c0_i32 = arith.constant 0 : i32
    %c0_i32_0 = arith.constant 0 : i32
    %c0_i32_1 = arith.constant 0 : i32
    return %c0_i32, %c0_i32_0 : i32, i32
  }
  func.func @transform_3(%arg0: i32) -> (i32, i32) {
    %c0_i32 = arith.constant 0 : i32
    %c0_i32_0 = arith.constant 0 : i32
    %c0_i32_1 = arith.constant 0 : i32
    return %c0_i32, %c0_i32_0 : i32, i32
  }
  func.func @transform_4(%arg0: i32) -> (i32, i32) {
    %c0_i32 = arith.constant 0 : i32
    %c0_i32_0 = arith.constant 0 : i32
    %c0_i32_1 = arith.constant 0 : i32
    return %c0_i32, %c0_i32_0 : i32, i32
  }
  func.func @transform_5(%arg0: i32) -> (i32, i32) {
    %c0_i32 = arith.constant 0 : i32
    %c0_i32_0 = arith.constant 0 : i32
    %c0_i32_1 = arith.constant 0 : i32
    return %c0_i32, %c0_i32_0 : i32, i32
  }
  func.func @transform_6(%arg0: i32) -> (i32, i32) {
    %c0_i32 = arith.constant 0 : i32
    %c0_i32_0 = arith.constant 0 : i32
    return %arg0, %c0_i32 : i32, i32
  }
  func.func @transform_7(%arg0: i32) -> (i32, i32) {
    %c0_i32 = arith.constant 0 : i32
    %c0_i32_0 = arith.constant 0 : i32
    %c0_i32_1 = arith.constant 0 : i32
    return %c0_i32, %c0_i32_0 : i32, i32
  }
}

module attributes {stable_mosaic.version = 14 : i64} {
  func.func @body(%arg0: i32, %arg1: memref<1024x128xf32, #tpu.memory_space<vmem>>, %arg2: memref<2x128xf32, #tpu.memory_space<vmem>>, %arg3: memref<1x128xf32, #tpu.memory_space<vmem>>, %arg4: memref<1x128xf32, #tpu.memory_space<vmem>>, %arg5: memref<128x1xf32, #tpu.memory_space<vmem>>, %arg6: memref<1x1xf32, #tpu.memory_space<vmem>>, %arg7: memref<1024x1xf32, #tpu.memory_space<vmem>>) attributes {dimension_semantics = [#tpu.dimension_semantics<arbitrary>], iteration_bounds = array<i64: 4>, scalar_prefetch = 0 : i64, scratch_operands = 0 : i64, tpu.core_type = #tpu.core_type<tc>, window_params = [{transform_indices = @transform_0, window_bounds = array<i64: 1024, 128>}, {pipeline_mode = #tpu.pipeline_mode<synchronous>, transform_indices = @transform_1, window_bounds = array<i64: 2, 128>}, {pipeline_mode = #tpu.pipeline_mode<synchronous>, transform_indices = @transform_2, window_bounds = array<i64: 1, 128>}, {pipeline_mode = #tpu.pipeline_mode<synchronous>, transform_indices = @transform_3, window_bounds = array<i64: 1, 128>}, {pipeline_mode = #tpu.pipeline_mode<synchronous>, transform_indices = @transform_4, window_bounds = array<i64: 128, 1>}, {pipeline_mode = #tpu.pipeline_mode<synchronous>, transform_indices = @transform_5, window_bounds = array<i64: 1, 1>}, {transform_indices = @transform_6, window_bounds = array<i64: 1024, 1>}]} {
    %get3A = arith.constant 0 : index
    %get3A_0 = arith.constant 0 : index
    %get3A_1 = vector.load %arg2[%get3A, %get3A_0] : memref<2x128xf32, #tpu.memory_space<vmem>>, vector<1x128xf32>
    %mul3A = arith.constant 2.44140625E-4 : f32
    %mul3A_2 = vector.broadcast %mul3A : f32 to vector<1x128xf32>
    %mul3A_3 = arith.mulf %get3A_1, %mul3A_2 : vector<1x128xf32>
    %get3A_4 = arith.constant 1 : index
    %get3A_5 = arith.constant 0 : index
    %get3A_6 = vector.load %arg2[%get3A_4, %get3A_5] : memref<2x128xf32, #tpu.memory_space<vmem>>, vector<1x128xf32>
    %mul3A_7 = arith.constant 2.44140625E-4 : f32
    %mul3A_8 = vector.broadcast %mul3A_7 : f32 to vector<1x128xf32>
    %mul3A_9 = arith.mulf %get3A_6, %mul3A_8 : vector<1x128xf32>
    %mul3A_10 = arith.mulf %mul3A_3, %mul3A_3 : vector<1x128xf32>
    %sub3A = arith.subf %mul3A_9, %mul3A_10 : vector<1x128xf32>
    %get3A_11 = arith.constant 0 : index
    %get3A_12 = arith.constant 0 : index
    %get3A_13 = vector.load %arg1[%get3A_11, %get3A_12] : memref<1024x128xf32, #tpu.memory_space<vmem>>, vector<1024x128xf32>
    %sub3A_14 = vector.broadcast %mul3A_3 : vector<1x128xf32> to vector<1024x128xf32>
    %sub3A_15 = arith.subf %get3A_13, %sub3A_14 : vector<1024x128xf32>
    %add3A = arith.constant 9.99999974E-6 : f32
    %add3A_16 = vector.broadcast %add3A : f32 to vector<1x128xf32>
    %add3A_17 = arith.addf %sub3A, %add3A_16 : vector<1x128xf32>
    %rsqrt3A = math.rsqrt %add3A_17 : vector<1x128xf32>
    %mul3A_18 = vector.broadcast %rsqrt3A : vector<1x128xf32> to vector<1024x128xf32>
    %mul3A_19 = arith.mulf %sub3A_15, %mul3A_18 : vector<1024x128xf32>
    %get3A_20 = arith.constant 0 : index
    %get3A_21 = arith.constant 0 : index
    %get3A_22 = vector.load %arg3[%get3A_20, %get3A_21] : memref<1x128xf32, #tpu.memory_space<vmem>>, vector<1x128xf32>
    %mul3A_23 = vector.broadcast %get3A_22 : vector<1x128xf32> to vector<1024x128xf32>
    %mul3A_24 = arith.mulf %mul3A_19, %mul3A_23 : vector<1024x128xf32>
    %get3A_25 = arith.constant 0 : index
    %get3A_26 = arith.constant 0 : index
    %get3A_27 = vector.load %arg4[%get3A_25, %get3A_26] : memref<1x128xf32, #tpu.memory_space<vmem>>, vector<1x128xf32>
    %add3A_28 = vector.broadcast %get3A_27 : vector<1x128xf32> to vector<1024x128xf32>
    %add3A_29 = arith.addf %mul3A_24, %add3A_28 : vector<1024x128xf32>
    %max3A = arith.constant 0.000000e+00 : f32
    %max3A_30 = vector.broadcast %max3A : f32 to vector<1024x128xf32>
    %max3A_31 = arith.maximumf %add3A_29, %max3A_30 : vector<1024x128xf32>
    %convert_element_type3A = arith.truncf %max3A_31 : vector<1024x128xf32> to vector<1024x128xbf16>
    %convert_element_type3A_32 = arith.extf %convert_element_type3A : vector<1024x128xbf16> to vector<1024x128xf32>
    %get3A_33 = arith.constant 0 : index
    %get3A_34 = arith.constant 0 : index
    %get3A_35 = vector.load %arg5[%get3A_33, %get3A_34] : memref<128x1xf32, #tpu.memory_space<vmem>>, vector<128x1xf32>
    %dot_general3A = arith.constant dense<0.000000e+00> : vector<1024x1xf32>
    %dot_general3A_36 = tpu.matmul %convert_element_type3A_32, %get3A_35, %dot_general3A {dimension_numbers = #tpu.dot_dimension_numbers<[1], [0], [0], [1], [0, 0, 1, 1], [], []>, precision = #tpu.contract_precision<fp32>, transpose_lhs_hint = false} : vector<1024x128xf32>, vector<128x1xf32>, vector<1024x1xf32> -> vector<1024x1xf32>
    %get3A_37 = arith.constant 0 : index
    %get3A_38 = arith.constant 0 : index
    %get3A_39 = vector.load %arg6[%get3A_37, %get3A_38] : memref<1x1xf32, #tpu.memory_space<vmem>>, vector<1x1xf32>
    %add3A_40 = vector.broadcast %get3A_39 : vector<1x1xf32> to vector<1024x1xf32>
    %add3A_41 = arith.addf %dot_general3A_36, %add3A_40 : vector<1024x1xf32>
    %swap3A = arith.constant 0 : index
    %swap3A_42 = arith.constant 0 : index
    %swap3A_43 = vector.load %arg7[%swap3A, %swap3A_42] : memref<1024x1xf32, #tpu.memory_space<vmem>>, vector<1024x1xf32>
    tpu.vector_store %arg7[%swap3A, %swap3A_42], %add3A_41 {strides = array<i32>} : memref<1024x1xf32, #tpu.memory_space<vmem>>, vector<1024x1xf32>,
    return
  }
  func.func @transform_0(%arg0: i32) -> (i32, i32) {
    %c0_i32 = arith.constant 0 : i32
    %c0_i32_0 = arith.constant 0 : i32
    return %arg0, %c0_i32 : i32, i32
  }
  func.func @transform_1(%arg0: i32) -> (i32, i32) {
    %c0_i32 = arith.constant 0 : i32
    %c0_i32_0 = arith.constant 0 : i32
    %c0_i32_1 = arith.constant 0 : i32
    return %c0_i32, %c0_i32_0 : i32, i32
  }
  func.func @transform_2(%arg0: i32) -> (i32, i32) {
    %c0_i32 = arith.constant 0 : i32
    %c0_i32_0 = arith.constant 0 : i32
    %c0_i32_1 = arith.constant 0 : i32
    return %c0_i32, %c0_i32_0 : i32, i32
  }
  func.func @transform_3(%arg0: i32) -> (i32, i32) {
    %c0_i32 = arith.constant 0 : i32
    %c0_i32_0 = arith.constant 0 : i32
    %c0_i32_1 = arith.constant 0 : i32
    return %c0_i32, %c0_i32_0 : i32, i32
  }
  func.func @transform_4(%arg0: i32) -> (i32, i32) {
    %c0_i32 = arith.constant 0 : i32
    %c0_i32_0 = arith.constant 0 : i32
    %c0_i32_1 = arith.constant 0 : i32
    return %c0_i32, %c0_i32_0 : i32, i32
  }
  func.func @transform_5(%arg0: i32) -> (i32, i32) {
    %c0_i32 = arith.constant 0 : i32
    %c0_i32_0 = arith.constant 0 : i32
    %c0_i32_1 = arith.constant 0 : i32
    return %c0_i32, %c0_i32_0 : i32, i32
  }
  func.func @transform_6(%arg0: i32) -> (i32, i32) {
    %c0_i32 = arith.constant 0 : i32
    %c0_i32_0 = arith.constant 0 : i32
    return %arg0, %c0_i32 : i32, i32
  }
}

</mosaic_0001>

<sc_bundles>
// kernel: kernel.14.cloned.1.call-start
scs
__scs_entry_jumppad:
0x0: {  	(pc) =	sbr.rel $0x88, $3  }
0x1: {  	(tag) =	ssettag $0x0;
	lr =	simm.s32 $0x1  }
0x2: {  	[smem:$0x3F86] =	sst lr;
	_ =	strace $0xD0000000  }
0x3: {  	_ = 	snop  }
0x4: {  	_ = 	snop  }
0x5: {  	_ = 	snop  }
0x6: {  	_ = 	snop  }
0x7: {  	_ = 	snop  }
__scs_overlays_trampoline_lowered:
0x8: {  	[smem:$0x3F95] =	sst s0  }
0x9: {  	[smem:$0x3F96] =	sst s1  }
0xa: {  	[smem:$0x3F97] =	sst s2  }
0xb: {  	[smem:$0x3F98] =	sst s3  }
0xc: {  	[smem:$0x3F99] =	sst s4  }
0xd: {  	[smem:$0x3F9A] =	sst s5  }
0xe: {  	[smem:$0x3F9B] =	sst s6  }
0xf: {  	[smem:$0x3F9C] =	sst s7  }
0x10: {  	[smem:$0x3F9D] =	sst s8  }
0x11: {  	[smem:$0x3F9E] =	sst s9;
	s0 =	simm.s32 @!p0 $0x0  }
0x12: {  	s1 =	sld [smem:$0x3F84];
	s0 =	simm.s32 @p0 $0x1  }
0x13: {  	[smem:$0x3F9F] =	sst s0;
	s0 =	simm.s32 @!p1 $0x0  }
0x14: {  	s2 =	sld [smem:$0x3F83];
	s0 =	simm.s32 @p1 $0x1  }
0x15: {  	[smem:$0x3FA0] =	sst s0;
	s0 =	simm.s32 @!p2 $0x0  }
0x16: {  	s3 =	sld [smem:$0x3FDB];
	s0 =	simm.s32 @p2 $0x1  }
0x17: {  	s4 =	simm.s32 $0x1BF5;
	[smem:$0x3FA2] =	sst s0  }
0x18: {  	s0 =	sld [smem:$0x3F85];
	_ =	swait.ge [sflag:s4], $0x0  }
0x19: {  	s7 =	sld [smem:$0x3F86]  }
0x1a: {  	s8 =	sadd.s32 $0xFFFFE003, lr  }
0x1b: {  	s9 =	sadd.s32 $0xFFFFFEF7, lr;
	s5 =	simm.s32 $0xFFFFFFFF;
	p2 =	slt.u32 s8, $0xFFFFF086  }
0x1c: {  	p1 =	slt.u32 s9, $0xF7A;
	s5 =	simm.s32 @!p2 $0x0  }
0x1d: {  	s5 =	simm.s32 @p1 $0x1;
	p0 =	seq.s32 s7, s2  }
0x1e: {  	s7 =	smul.u32 @!p0 $0xF7A, s2;
	p2 =	seq.s32 @!p0 s5, $0x0  }
0x1f: {  	s9 =	smul.u32 $0xF7A, s1;
	s8 =	simm.s32 @!p0 $0x1BF5;
	p2 =	por !p2, p0  }
0x20: {  	[sflag:s8] =	ssyncset.s32 @!p0 $0xFFFFF086;
	s6 =	sadd.s32 @!p0 s3, s7;
	s7 =	simm.s32 @!p0 $0x108  }
0x21: {  	s3 =	sadd.s32 s3, s9;
	s6 =	sadd.s32 @!p0 $0x88, s6;
	s7 =	simm.s32 @p2 $0x1082  }
0x22: {  	[simem:s7], [sflag:s8] =	dma.local @!p0 [hbm:s6], $0xF7A  }
0x23: {  	s9 =	sor.u32 $0xD0000000, s2;
	s6 =	simm.s32 $0x108;
	_ =	swait.ge @!p0 [sflag:s8], $0x0  }
0x24: {  	s3 =	sadd.s32 $0x88, s3;
	s6 =	simm.s32 @!p1 $0x1082;
	[sflag:s4] =	ssyncset.s32 $0xFFFFF086  }
0x25: {  	[simem:s6], [sflag:s4] =	dma.local [hbm:s3], $0xF7A  }
0x26: {  	[smem:$0x3F86] =	sst s1;
	(tag) =	ssettag s2;
	_ =	strace s9  }
0x27: {  	s1 =	sld [smem:$0x3F96]  }
0x28: {  	s2 =	sld [smem:$0x3F97]  }
0x29: {  	s4 =	sld [smem:$0x3F99]  }
0x2a: {  	p0 =	seq.s32 s5, $0x0;
	s5 =	sld [smem:$0x3F9A]  }
0x2b: {  	s6 =	sld [smem:$0x3F9B]  }
0x2c: {  	s7 =	sld [smem:$0x3F9C]  }
0x2d: {  	s3 =	simm.s32 $0x108;
	s8 =	sld [smem:$0x3F9D]  }
0x2e: {  	s3 =	simm.s32 @!p0 $0x1082;
	s9 =	sld [smem:$0x3F9E]  }
0x2f: {  	lr =	sadd.s32 s0, s3;
	s0 =	sld [smem:$0x3F95]  }
0x30: {  	s3 =	sld [smem:$0x3F98]  }
0x31: {  	[smem:$0x3FA1] =	sst s10  }
0x32: {  	s10 =	sld [smem:$0x3F9F];
	_ =	sdelay $0x3  }
0x33: {  	p0 =	seq.s32 s10, $0x1;
	s10 =	sld [smem:$0x3FA1];
	_ =	sdelay $0x3  }
0x34: {  	[smem:$0x3FA1] =	sst s10  }
0x35: {  	s10 =	sld [smem:$0x3FA0];
	_ =	sdelay $0x3  }
0x36: {  	p1 =	seq.s32 s10, $0x1;
	s10 =	sld [smem:$0x3FA1];
	_ =	sdelay $0x3  }
0x37: {  	[smem:$0x3FA1] =	sst s10  }
0x38: {  	s10 =	sld [smem:$0x3FA2]  }
0x39: {  	_ = 	snop;
	(pc) =	sbr.ind lr, $3  }
0x3a: {  	_ = 	snop  }
0x3b: {  	_ = 	snop  }
0x3c: {  	p2 =	seq.s32 s10, $0x1;
	s10 =	sld [smem:$0x3FA1]  }
0x3d: {  	_ =	shalt  }
0x3e: {  	_ =	shalt  }
0x3f: {  	_ =	shalt  }
0x40: {  	_ =	shalt  }
0x41: {  	_ =	shalt  }
0x42: {  	_ =	shalt  }
0x43: {  	_ =	shalt  }
0x44: {  	_ =	shalt  }
0x45: {  	_ =	shalt  }
0x46: {  	_ =	shalt  }
0x47: {  	_ =	shalt  }
0x48: {  	_ =	shalt  }
0x49: {  	_ =	shalt  }
0x4a: {  	_ =	shalt  }
0x4b: {  	_ =	shalt  }
0x4c: {  	_ =	shalt  }
0x4d: {  	_ =	shalt  }
0x4e: {  	_ =	shalt  }
0x4f: {  	_ =	shalt  }
0x50: {  	_ =	shalt  }
0x51: {  	_ =	shalt  }
0x52: {  	_ =	shalt  }
0x53: {  	_ =	shalt  }
0x54: {  	_ =	shalt  }
0x55: {  	_ =	shalt  }
0x56: {  	_ =	shalt  }
0x57: {  	_ =	shalt  }
0x58: {  	_ =	shalt  }
0x59: {  	_ =	shalt  }
0x5a: {  	_ =	shalt  }
0x5b: {  	_ =	shalt  }
0x5c: {  	_ =	shalt  }
0x5d: {  	_ =	shalt  }
0x5e: {  	_ =	shalt  }
0x5f: {  	_ =	shalt  }
0x60: {  	_ =	shalt  }
0x61: {  	_ =	shalt  }
0x62: {  	_ =	shalt  }
0x63: {  	_ =	shalt  }
0x64: {  	_ =	shalt  }
0x65: {  	_ =	shalt  }
0x66: {  	_ =	shalt  }
0x67: {  	_ =	shalt  }
0x68: {  	_ =	shalt  }
0x69: {  	_ =	shalt  }
0x6a: {  	_ =	shalt  }
0x6b: {  	_ =	shalt  }
0x6c: {  	_ =	shalt  }
0x6d: {  	_ =	shalt  }
0x6e: {  	_ =	shalt  }
0x6f: {  	_ =	shalt  }
0x70: {  	_ =	shalt  }
0x71: {  	_ =	shalt  }
0x72: {  	_ =	shalt  }
0x73: {  	_ =	shalt  }
0x74: {  	_ =	shalt  }
0x75: {  	_ =	shalt  }
0x76: {  	_ =	shalt  }
0x77: {  	_ =	shalt  }
0x78: {  	_ =	shalt  }
0x79: {  	_ =	shalt  }
0x7a: {  	_ =	shalt  }
0x7b: {  	_ =	shalt  }
0x7c: {  	_ =	shalt  }
0x7d: {  	_ =	shalt  }
0x7e: {  	_ =	shalt  }
0x7f: {  	_ =	shalt  }
0x80: {  	_ =	shalt  }
0x81: {  	_ =	shalt  }
0x82: {  	_ =	shalt  }
0x83: {  	_ =	shalt  }
0x84: {  	_ =	shalt  }
0x85: {  	_ =	shalt  }
0x86: {  	_ =	shalt  }
0x87: {  	_ =	shalt  }
.Lfunc_end0:
.L_simem_size_0:
called_computation_lowered:
.L_overlay_start_0:
0x88: {  	s2 =	sld [smem:$0x3FD9]  }
0x89: {  	s3 =	sld [smem:$0x3FFE];
	_ =	sdelay $0x1  }
0x8a: {  	s1 =	srdreg.scid  }
0x8b: {  	s0 =	sand.u32 $0x1, s1  }
0x8c: {  	s17 =	sshll.u32 s0, $0xA;
	s2 =	sadd.s32 s3, s2  }
0x8d: {  	s2 =	sadd.s32 s2, s17  }
0x8e: {  	[smem:$0x3FAD] =	sst s2  }
0x8f: {  	_ = 	snop  }
0x90: {  	s2 =	sld [smem:$0x3FB7];
	(tm) =	ssettm $0x1  }
0x91: {  	s18 =	sld [smem:$0x3FFB];
	_ =	sdelay $0x3  }
0x92: {  	_ =	strace s18  }
0x93: {  	s3 =	sld [smem:$0x3FFC];
	_ =	sdelay $0x3  }
0x94: {  	_ =	strace s3  }
0x95: {  	s3 =	sld [smem:$0x3FFD];
	_ =	sdelay $0x3  }
0x96: {  	_ =	strace s3  }
0x97: {  	_ =	strace $0x8FFFFFFF  }
0x98: {  	s19 =	sld [smem:$0x3FDB];
	_ =	sdelay $0x1  }
0x99: {  	s4 =	simm.s32 $_scs_section_size  }
0x9a: {  	s5 =	simm.s32 $_size__tile_overlayer_lowered;
	s6 =	simm.s32 $_tile_overlayer_lowered  }
0x9b: {  	s22 =	simm.s32 $0x1BFF;
	s21 =	sshll.u32 s6, $0x1;
	s3 =	sadd.s32 s4, s19  }
0x9c: {  	s7 =	simm.s32 $0x0;
	s20 =	sshll.u32 s5, $0x1;
	s5 =	sadd.s32 s21, s3  }
0x9d: {  	[timem:s7], [sflag:s22] =	dma.local [hbm:s5], s20  }
0x9e: {  	_ =	swait.ge [sflag:s22], s20  }
0x9f: {  	s4 =	ssub.s32 $0x0, s20;
	[sflag:s22] =	ssyncset.done $0x0  }
0xa0: {  	[sflag:s22] =	ssyncadd.s32 s4;
	_ =	sdelay $0x1  }
0xa1: {  	s23 =	simm.s32 $0x1B8B  }
0xa2: {  	_ =	swait.ge [sflag:s23], $0x1  }
0xa3: {  	[sflag:s23] =	ssyncset.done $0x0  }
0xa4: {  	s25 =	simm.s32 $0x1B8E;
	s24 =	sld [smem:$0x3FFE];
	[sflag:s23] =	ssyncadd.s32 $0xFFFFFFFF  }
0xa5: {  	s26 =	simm.s32 $execute0_lowered;
	[smem:$0x3FD2] =	sst s25  }
0xa6: {  	s5 =	sshll.u32 s26, $0x1;
	_ =	strace $0x80000046;
	[dreg:$0x1] =	wrdreg $0xFFFFFFFF  }
0xa7: {  	s28 =	simm.s32 $_size_execute0_lowered;
	s3 =	sadd.s32 s3, s5;
	[dreg:$0x0] =	wrdreg $0x0  }
0xa8: {  	s5 =	sshll.u32 s28, $0x1;
	[dreg:$0x2] =	wrdreg s3  }
0xa9: {  	[dreg:$0x3] =	wrdreg s5  }
0xaa: {  	[dreg:$0x4] =	wrdreg $0xC0  }
0xab: {  	_ =	task [dreg:s7], $0x5FFFF  }
0xac: {  	[dreg:$0x1] =	wrdreg $0xFFFFFFFF  }
0xad: {  	[dreg:$0x0] =	wrdreg $0x60  }
0xae: {  	[dreg:$0x2] =	wrdreg s2  }
0xaf: {  	[dreg:$0x3] =	wrdreg s24  }
0xb0: {  	[dreg:$0x4] =	wrdreg $0x152000  }
0xb1: {  	[dreg:$0x5] =	wrdreg $0x9  }
0xb2: {  	_ =	task.clear_ibuf [dreg:s7], $0x6FFFF;
	_ =	strace $0x90000046  }
0xb3: {  	s29 =	simm.s32 $0x9;
	_ =	strace $0x80000048  }
0xb4: {  	_ =	swait.ge [sflag:s29], $0x1  }
0xb5: {  	[sflag:s29] =	ssyncadd.s32 $0xFFFFFFFF  }
0xb6: {  	_ =	strace $0x90000048  }
0xb7: {  	_ =	sfence  }
0xb8: {  	s30 =	sld [smem:$0x0];
	_ =	sdelay $0x2  }
0xb9: {  	s31 =	sshll.u32 s1, $0xD;
	s1 =	sshrl.u32 s1, $0x2  }
0xba: {  	s3 =	sand.u32 $0x4000, s31;
	s1 =	sadd.s32 s1, s30  }
0xbb: {  	s0 =	sor.u32 s3, s0;
	s1 =	sshll.u32 s1, $0x11  }
0xbc: {  	s0 =	sor.u32 s1, s0  }
0xbd: {  	s0 =	sadd.s32 $0x8F2B, s0  }
0xbe: {  	[sflag:s0] =	ssyncadd.remote.s32 $0x1  }
0xbf: {  	_ =	sfence.sel $0xFFFF  }
0xc0: {  	[dreg:$0x0] =	wrdreg $0xFFFFFFFF;
	(pc) =	sbr.abs _section_cstart, $3  }
0xc1: {  	[dreg:$0x1] =	wrdreg $0xFFFFFFFF  }
0xc2: {  	_ =	task.clear_ibuf [dreg:s7], $0x2FFFF;
	_ =	strace $0x9FFFFFFF  }
0xc3: {  	(tm) =	ssettm $0x7FFFFFFF  }
tec
execute0_lowered:
.L_overlay_start_1:
0x0: {  	(tag) =	ssettag $0x1  }
0x1: {  	s1 =	rddreg [dreg:$0x0]  }
0x2: {  	s7 =	rddreg [dreg:$0x1]  }
0x3: {  	s2 =	rddreg [dreg:$0x2];
	s3 =	srdreg.scid  }
0x4: {  	s0 =	rddreg [dreg:$0x3];
	s4 =	simm.s32 $0x0;
	s15 =	simm.s32 $0x1  }
0x5: {  	s16 =	simm.s32 $0x4200;
	s17 =	simm.s32 $0x100;
	s8 =	sand.u32 $0x1, s3  }
0x6: {  	s18 =	simm.s32 $0x8200;
	s3 =	stileid.u32;
	s5 =	smul.u32 $0x50000, s8  }
0x7: {  	s21 =	simm.s32 $0xC200;
	s22 =	simm.s32 $0x10200;
	s6 =	smul.u32 $0x5000, s3  }
0x8: {  	s23 =	simm.s32 $0x0;
	[smem:$0x7FF] =	sst s4;
	s10 =	smul.u32 $0xA8000, s8  }
0x9: {  	_ =	strace $0x80000047;
	s9 =	sshll.u32 s8, $0x4;
	s11 =	smul.u32 $0xA800, s3  }
0xa: {  	s8 =	ssub.s32 $0x2, s8;
	s30 =	smul.u32 $0x2A000, s3;
	s19 =	sshll.u32 s3, $0x6  }
0xb: {  	s9 =	sor.u32 s3, s9;
	s31 =	sshrl.u32 s8, $0x1;
	s19 =	sor.u32 $0x1C02, s19  }
0xc: {  	s5 =	sadd.s32 s6, s5;
	s29 =	sshll.u32 s9, $0x6;
	s6 =	sadd.s32 $0x38E00, s7  }
0xd: {  	s9 =	smul.u32 $0x1800, s9;
	s10 =	sadd.s32 s11, s10;
	s14 =	ssub.s32 s8, s31  }
0xe: {  	s11 =	sshrl.u32 s30, $0x2;
	s5 =	sshrl.u32 s5, $0x3;
	s12 =	sadd.s32 s29, s7  }
0xf: {  	s10 =	sshrl.u32 s10, $0x3;
	s20 =	sadd.s32 s11, s2;
	s11 =	smax.u32 s14, $0x1  }
0x10: {  	s14 =	simm.s32 $0x200;
	s13 =	sadd.s32 s5, s7;
	s5 =	sadd.s32 $0x3A400, s7  }
0x11: {  	s9 =	sadd.s32 s9, s7;
	s10 =	sadd.s32 s10, s7;
	s7 =	sadd.s32 $0x10600, s12  }
0x12: {  	s12 =	simm.s32 $0x2;
	s20 =	sshrl.u32 s20, $0x3;
	s8 =	sadd.s32 $0x3AC00, s9  }
0x13: {  	s9 =	sadd.s32 $0x10E00, s13;
	s10 =	sadd.s32 $0x6AC00, s10;
	s13 =	simm.s32 $0x80  }
.LBB2_1:
0x14: {  	[tilespmem:s4], [sflag:$0x2] =	stream.linear.gather [hbm4b:s7+s4], $0x180, $0x38;
	[tilespmem:$0x1FA00] =	vst v63  }
0x15: {  	_ =	swait.ge [sflag:s12], $0x180  }
0x16: {  	[sflag:s12] =	ssyncset.done $0x0  }
0x17: {  	[sflag:s12] =	ssyncadd.s32 $0xFFFFFE80  }
0x18: {  	[tilespmem:s14], [sflag:$0x1] =	stream.indirect.gather [hbm4b:s1+s13], $0x80, s4, s13, $0xb8;
	[tilespmem:$0x1FA00] =	vst v63  }
0x19: {  	_ =	swait.ge [sflag:s15], $0x4000  }
0x1a: {  	[sflag:s15] =	ssyncset.done $0x0  }
0x1b: {  	[sflag:s15] =	ssyncadd.s32 $0xFFFFC000  }
0x1c: {  	[tilespmem:s16], [sflag:$0x1] =	stream.indirect.gather [hbm4b:s1+s13], $0x80, s13, s13, $0xb8;
	[tilespmem:$0x1FA00] =	vst v63  }
0x1d: {  	_ =	swait.ge [sflag:s15], $0x4000  }
0x1e: {  	[sflag:s15] =	ssyncset.done $0x0  }
0x1f: {  	[sflag:s15] =	ssyncadd.s32 $0xFFFFC000  }
0x20: {  	[tilespmem:s18], [sflag:$0x1] =	stream.indirect.gather [hbm4b:s1+s13], $0x80, s17, s13, $0xb8;
	[tilespmem:$0x1FA00] =	vst v63  }
0x21: {  	_ =	swait.ge [sflag:s15], $0x4000  }
0x22: {  	[sflag:s15] =	ssyncset.done $0x0  }
0x23: {  	[sflag:s15] =	ssyncadd.s32 $0xFFFFC000  }
0x24: {  	[hbm4b:s8+s4] =	stream.linear.scatter [tilespmem:s14], [sflag:$0x2], $0xC000, $0x38;
	[tilespmem:$0x1FA00] =	vst v63  }
0x25: {  	_ =	swait.ge [sflag:s12], $0xC000  }
0x26: {  	[sflag:s12] =	ssyncset.done $0x0  }
0x27: {  	[sflag:s12] =	ssyncadd.s32 $0xFFFF4000  }
0x28: {  	[spmem:s20], [sflag:s19] =	dma.local [hbm:s6], $0x1500  }
0x29: {  	_ =	swait.ge [sflag:s12], $0x1500  }
0x2a: {  	[sflag:s12] =	ssyncset.done $0x0  }
0x2b: {  	[sflag:s12] =	ssyncadd.s32 $0xFFFFEB00  }
0x2c: {  	[tilespmem:s21], [sflag:$0x2] =	stream.linear.gather [hbm4b:s5+s4], $0x4000, $0x38;
	[tilespmem:$0x1FA00] =	vst v63  }
0x2d: {  	_ =	swait.ge [sflag:s12], $0x4000  }
0x2e: {  	[sflag:s12] =	ssyncset.done $0x0  }
0x2f: {  	[sflag:s12] =	ssyncadd.s32 $0xFFFFC000  }
0x30: {  	[tilespmem:s22], [sflag:$0x2] =	stream.linear.gather [hbm4b:s9+s4], $0x5000, $0x38;
	[tilespmem:$0x1FA00] =	vst v63  }
0x31: {  	_ =	swait.ge [sflag:s12], $0x5000  }
0x32: {  	[sflag:s12] =	ssyncset.done $0x0  }
0x33: {  	[sflag:s12] =	ssyncadd.s32 $0xFFFFB000  }
0x34: {  	s24 =	simm.s32 $0x10200;
	[bflag:$0x0] =	sbarrier.arrive $0xFFFF  }
0x35: {  	[spmem:s2] =	stream.indirect.scatter.add.f32 [tilespmem:s21], [sflag:$0x2], $0x80, s24, s13, $0xb8;
	[tilespmem:$0x1FA00] =	vst v63  }
0x36: {  	s24 =	simm.s32 $0x200;
	_ =	swait.ge [sflag:s12], $0x4000  }
.LBB2_2:
0x37: {  	s25 =	sshra.s32 s24, $0x2;
	[sflag:s12] =	ssyncset.done $0x0;
	p0 =	sne.s32 s24, $0x13E00  }
.Ltmp0:
0x38: {  	s25 =	sadd.s32 $0x10200, s25;
	[sflag:s12] =	ssyncadd.s32 $0xFFFFC000;
	(pc) =	sbr.rel @p0 .LBB2_2-.Ltmp0, $3  }
0x39: {  	[spmem:s2] =	stream.indirect.scatter.add.f32 [tilespmem:s21], [sflag:$0x2], $0x80, s25, s13, $0xb8;
	[tilespmem:$0x1FA00] =	vst v63  }
0x3a: {  	s24 =	sadd.s32 $0x200, s24;
	_ =	sdelay $0x1  }
0x3b: {  	_ =	swait.ge [sflag:s12], $0x4000  }
0x3c: {  	[sflag:s12] =	ssyncset.done $0x0;
	s23 =	sadd.s32 $0x1, s23  }
0x3d: {  	[sflag:s12] =	ssyncadd.s32 $0xFFFFC000;
	p0 =	sne.s32 s23, s11  }
.Ltmp1:
0x3e: {  	[bflag:$0x0] =	sbarrier.arrive $0xFFFF;
	(pc) =	sbr.rel @p0 .LBB2_1-.Ltmp1, $4  }
0x3f: {  	[hbm:s10], [sflag:s19] =	dma.local [spmem:s20], $0x1500  }
0x40: {  	_ =	swait.ge [sflag:s12], $0x1500  }
0x41: {  	[sflag:s12] =	ssyncset.done $0x0  }
0x42: {  	[sflag:s12] =	ssyncadd.s32 $0xFFFFEB00  }
0x43: {  	_ =	sfence.sel $0x180000  }
0x44: {  	[bflag:$0x0] =	sbarrier.arrive $0xFFFF  }
0x45: {  	p0 =	sne.s32 s3, $0x0;
	_ =	strace $0x90000047  }
0x46: {  	s0 =	sadd.s32 @!p0 $0x100000, s0;
	[bflag:$0x2] =	sbarrier.arrive $0xFFFF  }
0x47: {  	[sflag:s0] =	ssyncadd.tile.s32 @!p0 $0x1;
	_ =	shalt  }
.Lfunc_end2:
_tile_overlayer_lowered:
.L_overlay_start_2:
0x48: {  	(tag) =	ssettag $0x2  }
0x49: {  	s0 =	rddreg [dreg:$0x0];
	s2 =	stileid.u32  }
0x4a: {  	s1 =	rddreg [dreg:$0x1];
	p0 =	sne.s32 s2, $0x0  }
0x4b: {  	s3 =	rddreg [dreg:$0x2];
	[bflag:$0x3] =	sbarrier.arrive $0xFFFF;
	s2 =	simm.s32 @!p0 $0x1C02  }
0x4c: {  	[timem:s3], [sflag:s2] =	dma.local @!p0 [hbm:s0], s1  }
0x4d: {  	s0 =	simm.s32 @!p0 $0x2  }
0x4e: {  	_ =	swait.ge @!p0 [sflag:s0], s1  }
0x4f: {  	s1 =	ssub.s32 @!p0 $0x0, s1;
	[sflag:s0] =	ssyncset.done @!p0 $0x0  }
0x50: {  	[sflag:s0] =	ssyncadd.s32 @!p0 s1  }
0x51: {  	[bflag:$0x3] =	sbarrier.arrive $0xFFFF  }
0x52: {  	_ =	shalt  }

// kernel: kernel.17.cloned.1.call-start
scs
__scs_entry_jumppad:
0x0: {  	(pc) =	sbr.rel $0x88, $3  }
0x1: {  	(tag) =	ssettag $0x0;
	lr =	simm.s32 $0x1  }
0x2: {  	[smem:$0x3F86] =	sst lr;
	_ =	strace $0xD0000000  }
0x3: {  	_ = 	snop  }
0x4: {  	_ = 	snop  }
0x5: {  	_ = 	snop  }
0x6: {  	_ = 	snop  }
0x7: {  	_ = 	snop  }
__scs_overlays_trampoline_lowered:
0x8: {  	[smem:$0x3F95] =	sst s0  }
0x9: {  	[smem:$0x3F96] =	sst s1  }
0xa: {  	[smem:$0x3F97] =	sst s2  }
0xb: {  	[smem:$0x3F98] =	sst s3  }
0xc: {  	[smem:$0x3F99] =	sst s4  }
0xd: {  	[smem:$0x3F9A] =	sst s5  }
0xe: {  	[smem:$0x3F9B] =	sst s6  }
0xf: {  	[smem:$0x3F9C] =	sst s7  }
0x10: {  	[smem:$0x3F9D] =	sst s8  }
0x11: {  	[smem:$0x3F9E] =	sst s9;
	s0 =	simm.s32 @!p0 $0x0  }
0x12: {  	s1 =	sld [smem:$0x3F84];
	s0 =	simm.s32 @p0 $0x1  }
0x13: {  	[smem:$0x3F9F] =	sst s0;
	s0 =	simm.s32 @!p1 $0x0  }
0x14: {  	s2 =	sld [smem:$0x3F83];
	s0 =	simm.s32 @p1 $0x1  }
0x15: {  	[smem:$0x3FA0] =	sst s0;
	s0 =	simm.s32 @!p2 $0x0  }
0x16: {  	s3 =	sld [smem:$0x3FDB];
	s0 =	simm.s32 @p2 $0x1  }
0x17: {  	s4 =	simm.s32 $0x1BF5;
	[smem:$0x3FA2] =	sst s0  }
0x18: {  	s0 =	sld [smem:$0x3F85];
	_ =	swait.ge [sflag:s4], $0x0  }
0x19: {  	s7 =	sld [smem:$0x3F86]  }
0x1a: {  	s8 =	sadd.s32 $0xFFFFE003, lr  }
0x1b: {  	s9 =	sadd.s32 $0xFFFFFEF7, lr;
	s5 =	simm.s32 $0xFFFFFFFF;
	p2 =	slt.u32 s8, $0xFFFFF086  }
0x1c: {  	p1 =	slt.u32 s9, $0xF7A;
	s5 =	simm.s32 @!p2 $0x0  }
0x1d: {  	s5 =	simm.s32 @p1 $0x1;
	p0 =	seq.s32 s7, s2  }
0x1e: {  	s7 =	smul.u32 @!p0 $0xF7A, s2;
	p2 =	seq.s32 @!p0 s5, $0x0  }
0x1f: {  	s9 =	smul.u32 $0xF7A, s1;
	s8 =	simm.s32 @!p0 $0x1BF5;
	p2 =	por !p2, p0  }
0x20: {  	[sflag:s8] =	ssyncset.s32 @!p0 $0xFFFFF086;
	s6 =	sadd.s32 @!p0 s3, s7;
	s7 =	simm.s32 @!p0 $0x108  }
0x21: {  	s3 =	sadd.s32 s3, s9;
	s6 =	sadd.s32 @!p0 $0x88, s6;
	s7 =	simm.s32 @p2 $0x1082  }
0x22: {  	[simem:s7], [sflag:s8] =	dma.local @!p0 [hbm:s6], $0xF7A  }
0x23: {  	s9 =	sor.u32 $0xD0000000, s2;
	s6 =	simm.s32 $0x108;
	_ =	swait.ge @!p0 [sflag:s8], $0x0  }
0x24: {  	s3 =	sadd.s32 $0x88, s3;
	s6 =	simm.s32 @!p1 $0x1082;
	[sflag:s4] =	ssyncset.s32 $0xFFFFF086  }
0x25: {  	[simem:s6], [sflag:s4] =	dma.local [hbm:s3], $0xF7A  }
0x26: {  	[smem:$0x3F86] =	sst s1;
	(tag) =	ssettag s2;
	_ =	strace s9  }
0x27: {  	s1 =	sld [smem:$0x3F96]  }
0x28: {  	s2 =	sld [smem:$0x3F97]  }
0x29: {  	s4 =	sld [smem:$0x3F99]  }
0x2a: {  	p0 =	seq.s32 s5, $0x0;
	s5 =	sld [smem:$0x3F9A]  }
0x2b: {  	s6 =	sld [smem:$0x3F9B]  }
0x2c: {  	s7 =	sld [smem:$0x3F9C]  }
0x2d: {  	s3 =	simm.s32 $0x108;
	s8 =	sld [smem:$0x3F9D]  }
0x2e: {  	s3 =	simm.s32 @!p0 $0x1082;
	s9 =	sld [smem:$0x3F9E]  }
0x2f: {  	lr =	sadd.s32 s0, s3;
	s0 =	sld [smem:$0x3F95]  }
0x30: {  	s3 =	sld [smem:$0x3F98]  }
0x31: {  	[smem:$0x3FA1] =	sst s10  }
0x32: {  	s10 =	sld [smem:$0x3F9F];
	_ =	sdelay $0x3  }
0x33: {  	p0 =	seq.s32 s10, $0x1;
	s10 =	sld [smem:$0x3FA1];
	_ =	sdelay $0x3  }
0x34: {  	[smem:$0x3FA1] =	sst s10  }
0x35: {  	s10 =	sld [smem:$0x3FA0];
	_ =	sdelay $0x3  }
0x36: {  	p1 =	seq.s32 s10, $0x1;
	s10 =	sld [smem:$0x3FA1];
	_ =	sdelay $0x3  }
0x37: {  	[smem:$0x3FA1] =	sst s10  }
0x38: {  	s10 =	sld [smem:$0x3FA2]  }
0x39: {  	_ = 	snop;
	(pc) =	sbr.ind lr, $3  }
0x3a: {  	_ = 	snop  }
0x3b: {  	_ = 	snop  }
0x3c: {  	p2 =	seq.s32 s10, $0x1;
	s10 =	sld [smem:$0x3FA1]  }
0x3d: {  	_ =	shalt  }
0x3e: {  	_ =	shalt  }
0x3f: {  	_ =	shalt  }
0x40: {  	_ =	shalt  }
0x41: {  	_ =	shalt  }
0x42: {  	_ =	shalt  }
0x43: {  	_ =	shalt  }
0x44: {  	_ =	shalt  }
0x45: {  	_ =	shalt  }
0x46: {  	_ =	shalt  }
0x47: {  	_ =	shalt  }
0x48: {  	_ =	shalt  }
0x49: {  	_ =	shalt  }
0x4a: {  	_ =	shalt  }
0x4b: {  	_ =	shalt  }
0x4c: {  	_ =	shalt  }
0x4d: {  	_ =	shalt  }
0x4e: {  	_ =	shalt  }
0x4f: {  	_ =	shalt  }
0x50: {  	_ =	shalt  }
0x51: {  	_ =	shalt  }
0x52: {  	_ =	shalt  }
0x53: {  	_ =	shalt  }
0x54: {  	_ =	shalt  }
0x55: {  	_ =	shalt  }
0x56: {  	_ =	shalt  }
0x57: {  	_ =	shalt  }
0x58: {  	_ =	shalt  }
0x59: {  	_ =	shalt  }
0x5a: {  	_ =	shalt  }
0x5b: {  	_ =	shalt  }
0x5c: {  	_ =	shalt  }
0x5d: {  	_ =	shalt  }
0x5e: {  	_ =	shalt  }
0x5f: {  	_ =	shalt  }
0x60: {  	_ =	shalt  }
0x61: {  	_ =	shalt  }
0x62: {  	_ =	shalt  }
0x63: {  	_ =	shalt  }
0x64: {  	_ =	shalt  }
0x65: {  	_ =	shalt  }
0x66: {  	_ =	shalt  }
0x67: {  	_ =	shalt  }
0x68: {  	_ =	shalt  }
0x69: {  	_ =	shalt  }
0x6a: {  	_ =	shalt  }
0x6b: {  	_ =	shalt  }
0x6c: {  	_ =	shalt  }
0x6d: {  	_ =	shalt  }
0x6e: {  	_ =	shalt  }
0x6f: {  	_ =	shalt  }
0x70: {  	_ =	shalt  }
0x71: {  	_ =	shalt  }
0x72: {  	_ =	shalt  }
0x73: {  	_ =	shalt  }
0x74: {  	_ =	shalt  }
0x75: {  	_ =	shalt  }
0x76: {  	_ =	shalt  }
0x77: {  	_ =	shalt  }
0x78: {  	_ =	shalt  }
0x79: {  	_ =	shalt  }
0x7a: {  	_ =	shalt  }
0x7b: {  	_ =	shalt  }
0x7c: {  	_ =	shalt  }
0x7d: {  	_ =	shalt  }
0x7e: {  	_ =	shalt  }
0x7f: {  	_ =	shalt  }
0x80: {  	_ =	shalt  }
0x81: {  	_ =	shalt  }
0x82: {  	_ =	shalt  }
0x83: {  	_ =	shalt  }
0x84: {  	_ =	shalt  }
0x85: {  	_ =	shalt  }
0x86: {  	_ =	shalt  }
0x87: {  	_ =	shalt  }
.Lfunc_end0:
.L_simem_size_0:
called_computation.1_lowered:
.L_overlay_start_0:
0x88: {  	s2 =	sld [smem:$0x3FD9]  }
0x89: {  	s3 =	sld [smem:$0x3FFE];
	_ =	sdelay $0x1  }
0x8a: {  	s1 =	srdreg.scid  }
0x8b: {  	s0 =	sand.u32 $0x1, s1  }
0x8c: {  	s16 =	sshll.u32 s0, $0xA;
	s2 =	sadd.s32 s3, s2  }
0x8d: {  	s2 =	sadd.s32 s2, s16  }
0x8e: {  	[smem:$0x3FAD] =	sst s2  }
0x8f: {  	_ = 	snop  }
0x90: {  	(tm) =	ssettm $0x1  }
0x91: {  	s17 =	sld [smem:$0x3FFB];
	_ =	sdelay $0x3  }
0x92: {  	_ =	strace s17  }
0x93: {  	s2 =	sld [smem:$0x3FFC];
	_ =	sdelay $0x3  }
0x94: {  	_ =	strace s2  }
0x95: {  	s2 =	sld [smem:$0x3FFD];
	_ =	sdelay $0x3  }
0x96: {  	_ =	strace s2  }
0x97: {  	_ =	strace $0x8FFFFFFF  }
0x98: {  	s18 =	sld [smem:$0x3FDB];
	_ =	sdelay $0x1  }
0x99: {  	s19 =	simm.s32 $_scs_section_size  }
0x9a: {  	s4 =	simm.s32 $_size__tile_overlayer_lowered;
	s5 =	simm.s32 $_tile_overlayer_lowered  }
0x9b: {  	s22 =	simm.s32 $0x1BFF;
	s21 =	sshll.u32 s5, $0x1;
	s2 =	sadd.s32 s19, s18  }
0x9c: {  	s6 =	simm.s32 $0x0;
	s20 =	sshll.u32 s4, $0x1;
	s4 =	sadd.s32 s21, s2  }
0x9d: {  	[timem:s6], [sflag:s22] =	dma.local [hbm:s4], s20  }
0x9e: {  	_ =	swait.ge [sflag:s22], s20  }
0x9f: {  	s3 =	ssub.s32 $0x0, s20;
	[sflag:s22] =	ssyncset.done $0x0  }
0xa0: {  	[sflag:s22] =	ssyncadd.s32 s3;
	_ =	sdelay $0x1  }
0xa1: {  	s23 =	simm.s32 $0x1B8B  }
0xa2: {  	_ =	swait.ge [sflag:s23], $0x1  }
0xa3: {  	[sflag:s23] =	ssyncset.done $0x0  }
0xa4: {  	s25 =	simm.s32 $0x1B8E;
	s24 =	sld [smem:$0x3FFE];
	[sflag:s23] =	ssyncadd.s32 $0xFFFFFFFF  }
0xa5: {  	s26 =	simm.s32 $execute0_lowered;
	[smem:$0x3FD2] =	sst s25  }
0xa6: {  	s4 =	sshll.u32 s26, $0x1;
	_ =	strace $0x80000049;
	[dreg:$0x1] =	wrdreg $0xFFFFFFFF  }
0xa7: {  	s28 =	simm.s32 $_size_execute0_lowered;
	s2 =	sadd.s32 s2, s4;
	[dreg:$0x0] =	wrdreg $0x0  }
0xa8: {  	s4 =	sshll.u32 s28, $0x1;
	[dreg:$0x2] =	wrdreg s2  }
0xa9: {  	[dreg:$0x3] =	wrdreg s4  }
0xaa: {  	[dreg:$0x4] =	wrdreg $0xC0  }
0xab: {  	_ =	task [dreg:s6], $0x5FFFF  }
0xac: {  	[dreg:$0x1] =	wrdreg $0xFFFFFFFF  }
0xad: {  	[dreg:$0x0] =	wrdreg $0x60  }
0xae: {  	[dreg:$0x2] =	wrdreg s24  }
0xaf: {  	[dreg:$0x3] =	wrdreg $0x120000  }
0xb0: {  	[dreg:$0x4] =	wrdreg $0x9  }
0xb1: {  	_ =	task.clear_ibuf [dreg:s6], $0x5FFFF;
	_ =	strace $0x90000049  }
0xb2: {  	s29 =	simm.s32 $0x9;
	_ =	strace $0x8000004B  }
0xb3: {  	_ =	swait.ge [sflag:s29], $0x1  }
0xb4: {  	[sflag:s29] =	ssyncadd.s32 $0xFFFFFFFF  }
0xb5: {  	_ =	strace $0x9000004B  }
0xb6: {  	_ =	sfence  }
0xb7: {  	s30 =	sld [smem:$0x0];
	_ =	sdelay $0x2  }
0xb8: {  	s31 =	sshll.u32 s1, $0xD;
	s1 =	sshrl.u32 s1, $0x2  }
0xb9: {  	s3 =	sand.u32 $0x4000, s31;
	s1 =	sadd.s32 s1, s30  }
0xba: {  	s0 =	sor.u32 s3, s0;
	s1 =	sshll.u32 s1, $0x11  }
0xbb: {  	s0 =	sor.u32 s1, s0  }
0xbc: {  	s0 =	sadd.s32 $0x8F2B, s0  }
0xbd: {  	[sflag:s0] =	ssyncadd.remote.s32 $0x1  }
0xbe: {  	_ =	sfence.sel $0xFFFF  }
0xbf: {  	[dreg:$0x0] =	wrdreg $0xFFFFFFFF;
	(pc) =	sbr.abs _section_cstart, $3  }
0xc0: {  	[dreg:$0x1] =	wrdreg $0xFFFFFFFF  }
0xc1: {  	_ =	task.clear_ibuf [dreg:s6], $0x2FFFF;
	_ =	strace $0x9FFFFFFF  }
0xc2: {  	(tm) =	ssettm $0x7FFFFFFF  }
0xc3: {  	_ =	shalt  }
tec
execute0_lowered:
.L_overlay_start_1:
0x0: {  	(tag) =	ssettag $0x1  }
0x1: {  	s6 =	rddreg [dreg:$0x0];
	s0 =	stileid.u32  }
0x2: {  	s1 =	srdreg.scid;
	s2 =	rddreg [dreg:$0x1]  }
0x3: {  	s3 =	simm.s32 $0x0;
	s14 =	simm.s32 $0x80;
	s15 =	simm.s32 $0xA000  }
0x4: {  	s16 =	simm.s32 $0xE000;
	s17 =	simm.s32 $0x1;
	s18 =	simm.s32 $0x2  }
0x5: {  	s19 =	simm.s32 $0x9F00;
	s20 =	simm.s32 $0x9F80;
	s4 =	smul.u32 $0x5000, s0  }
0x6: {  	s5 =	sand.u32 $0x1, s1;
	s1 =	rddreg [dreg:$0x2];
	s10 =	smul.u32 $0xA800, s0  }
0x7: {  	s21 =	simm.s32 $0x0;
	[smem:$0x7FF] =	sst s3;
	s11 =	smul.u32 $0x2A000, s0  }
0x8: {  	s31 =	sshll.u32 s0, $0x6;
	s7 =	smul.u32 $0x50000, s5;
	_ =	strace $0x8000004A  }
0x9: {  	s8 =	smul.u32 $0xA8000, s5;
	s30 =	ssub.s32 $0x2, s5;
	s5 =	sadd.s32 $0x38E00, s6  }
0xa: {  	s9 =	sshrl.u32 s4, $0x3;
	s12 =	sshrl.u32 s30, $0x1;
	s11 =	sshrl.u32 s11, $0x2  }
0xb: {  	s7 =	sadd.s32 s4, s7;
	s4 =	sadd.s32 $0x88600, s6;
	s9 =	sadd.s32 s9, s6  }
0xc: {  	s8 =	sadd.s32 s10, s8;
	s10 =	ssub.s32 s30, s12;
	s13 =	sadd.s32 s11, s2  }
0xd: {  	s11 =	simm.s32 $0x3;
	s12 =	sor.u32 $0x1C03, s31;
	s7 =	sshrl.u32 s7, $0x3  }
0xe: {  	s8 =	sshrl.u32 s8, $0x3;
	s13 =	sshrl.u32 s13, $0x3;
	s7 =	sadd.s32 s7, s6  }
0xf: {  	s8 =	sadd.s32 s8, s6;
	s6 =	sadd.s32 $0x10E00, s7;
	s7 =	sadd.s32 $0x6600, s9  }
0x10: {  	s8 =	sadd.s32 $0xAF800, s8;
	s9 =	smax.u32 s10, $0x1;
	s10 =	simm.s32 $0x5000  }
.LBB2_1:
0x11: {  	[tilespmem:s10], [sflag:$0x3] =	stream.linear.gather [hbm4b:s6+s3], $0x5000, $0x38;
	[tilespmem:$0x1C800] =	vst v63  }
0x12: {  	_ =	swait.ge [sflag:s11], $0x5000  }
0x13: {  	[sflag:s11] =	ssyncset.done $0x0  }
0x14: {  	[sflag:s11] =	ssyncadd.s32 $0xFFFFB000  }
0x15: {  	[spmem:s13], [sflag:s12] =	dma.local [hbm:s5], $0x1500  }
0x16: {  	_ =	swait.ge [sflag:s11], $0x1500  }
0x17: {  	[sflag:s11] =	ssyncset.done $0x0  }
0x18: {  	[sflag:s11] =	ssyncadd.s32 $0xFFFFEB00  }
0x19: {  	[tilespmem:s3], [sflag:$0x3] =	stream.linear.gather [hbm4b:s7+s3], $0x5000, $0x38;
	[tilespmem:$0x1C800] =	vst v63  }
0x1a: {  	_ =	swait.ge [sflag:s11], $0x5000  }
0x1b: {  	[sflag:s11] =	ssyncset.done $0x0  }
0x1c: {  	[sflag:s11] =	ssyncadd.s32 $0xFFFFB000  }
0x1d: {  	[bflag:$0x0] =	sbarrier.arrive $0xFFFF  }
0x1e: {  	[tilespmem:s15], [sflag:$0x1] =	stream.indirect.gather [hbm4b:s4+s14], $0x80, s3, s14, $0xb8;
	[tilespmem:$0x1C800] =	vst v63  }
0x1f: {  	_ = 	snop  }
0x20: {  	[tilespmem:s16], [sflag:$0x2] =	stream.indirect.gather [hbm4b:s4+s14], $0x80, s14, s14, $0xb8;
	[tilespmem:$0x1C800] =	vst v63  }
0x21: {  	_ =	swait.ge [sflag:s17], $0x4000  }
0x22: {  	[sflag:s17] =	ssyncset.done $0x0  }
0x23: {  	s22 =	simm.s32 $0x5000;
	[sflag:s17] =	ssyncadd.s32 $0xFFFFC000  }
0x24: {  	[spmem:s2] =	stream.indirect.scatter.add.f32 [tilespmem:s15], [sflag:$0x3], $0x80, s22, s14, $0xb8;
	[tilespmem:$0x1C800] =	vst v63  }
0x25: {  	_ =	swait.ge [sflag:s11], $0x4000  }
0x26: {  	[sflag:s11] =	ssyncset.done $0x0  }
0x27: {  	s30 =	simm.s32 $0x100;
	[sflag:s11] =	ssyncadd.s32 $0xFFFFC000  }
0x28: {  	[tilespmem:s15], [sflag:$0x1] =	stream.indirect.gather [hbm4b:s4+s14], $0x80, s30, s14, $0xb8;
	[tilespmem:$0x1C800] =	vst v63  }
0x29: {  	_ =	swait.ge [sflag:s18], $0x4000  }
0x2a: {  	[sflag:s18] =	ssyncset.done $0x0  }
0x2b: {  	s31 =	simm.s32 $0x5080;
	[sflag:s18] =	ssyncadd.s32 $0xFFFFC000  }
0x2c: {  	[spmem:s2] =	stream.indirect.scatter.add.f32 [tilespmem:s16], [sflag:$0x3], $0x80, s31, s14, $0xb8;
	[tilespmem:$0x1C800] =	vst v63  }
0x2d: {  	_ =	swait.ge [sflag:s11], $0x4000  }
0x2e: {  	[sflag:s11] =	ssyncset.done $0x0  }
0x2f: {  	s23 =	simm.s32 $0x180;
	s22 =	simm.s32 $0x400;
	[sflag:s11] =	ssyncadd.s32 $0xFFFFC000  }
.LBB2_2:
0x30: {  	[tilespmem:s16], [sflag:$0x2] =	stream.indirect.gather [hbm4b:s4+s14], $0x80, s23, s14, $0xb8;
	[tilespmem:$0x1C800] =	vst v63  }
0x31: {  	s23 =	smov.u32 s22  }
0x32: {  	p0 =	sne.s32 s22, $0x13800;
	s22 =	sadd.s32 $0x400, s22;
	_ =	swait.ge [sflag:s17], $0x4000  }
0x33: {  	s23 =	sshra.s32 s23, $0x2;
	[sflag:s17] =	ssyncset.done $0x0  }
0x34: {  	s24 =	sadd.s32 $0x5000, s23;
	[sflag:s17] =	ssyncadd.s32 $0xFFFFC000  }
0x35: {  	[spmem:s2] =	stream.indirect.scatter.add.f32 [tilespmem:s15], [sflag:$0x3], $0x80, s24, s14, $0xb8;
	[tilespmem:$0x1C800] =	vst v63  }
0x36: {  	_ =	swait.ge [sflag:s11], $0x4000  }
0x37: {  	[sflag:s11] =	ssyncset.done $0x0  }
0x38: {  	s24 =	sadd.s32 $0x100, s23;
	[sflag:s11] =	ssyncadd.s32 $0xFFFFC000  }
0x39: {  	[tilespmem:s15], [sflag:$0x1] =	stream.indirect.gather [hbm4b:s4+s14], $0x80, s24, s14, $0xb8;
	[tilespmem:$0x1C800] =	vst v63  }
0x3a: {  	_ =	swait.ge [sflag:s18], $0x4000  }
0x3b: {  	[sflag:s18] =	ssyncset.done $0x0  }
.Ltmp0:
0x3c: {  	s24 =	sadd.s32 $0x5080, s23;
	[sflag:s18] =	ssyncadd.s32 $0xFFFFC000;
	(pc) =	sbr.rel @p0 .LBB2_2-.Ltmp0, $4  }
0x3d: {  	[spmem:s2] =	stream.indirect.scatter.add.f32 [tilespmem:s16], [sflag:$0x3], $0x80, s24, s14, $0xb8;
	[tilespmem:$0x1C800] =	vst v63  }
0x3e: {  	_ =	swait.ge [sflag:s11], $0x4000  }
0x3f: {  	[sflag:s11] =	ssyncset.done $0x0  }
0x40: {  	s23 =	sadd.s32 $0x180, s23;
	[sflag:s11] =	ssyncadd.s32 $0xFFFFC000  }
0x41: {  	[tilespmem:s16], [sflag:$0x2] =	stream.indirect.gather [hbm4b:s4+s14], $0x80, s23, s14, $0xb8;
	[tilespmem:$0x1C800] =	vst v63  }
0x42: {  	_ =	swait.ge [sflag:s17], $0x4000  }
0x43: {  	[sflag:s17] =	ssyncset.done $0x0  }
0x44: {  	[sflag:s17] =	ssyncadd.s32 $0xFFFFC000  }
0x45: {  	[spmem:s2] =	stream.indirect.scatter.add.f32 [tilespmem:s15], [sflag:$0x3], $0x80, s19, s14, $0xb8;
	[tilespmem:$0x1C800] =	vst v63  }
0x46: {  	_ =	swait.ge [sflag:s11], $0x4000  }
0x47: {  	[sflag:s11] =	ssyncset.done $0x0  }
0x48: {  	[sflag:s11] =	ssyncadd.s32 $0xFFFFC000  }
0x49: {  	_ =	swait.ge [sflag:s18], $0x4000  }
0x4a: {  	[sflag:s18] =	ssyncset.done $0x0  }
0x4b: {  	[sflag:s18] =	ssyncadd.s32 $0xFFFFC000  }
0x4c: {  	[spmem:s2] =	stream.indirect.scatter.add.f32 [tilespmem:s16], [sflag:$0x3], $0x80, s20, s14, $0xb8;
	[tilespmem:$0x1C800] =	vst v63  }
0x4d: {  	_ =	swait.ge [sflag:s11], $0x4000  }
0x4e: {  	s21 =	sadd.s32 $0x1, s21;
	[sflag:s11] =	ssyncset.done $0x0  }
0x4f: {  	p0 =	sne.s32 s21, s9;
	[sflag:s11] =	ssyncadd.s32 $0xFFFFC000  }
.Ltmp1:
0x50: {  	[bflag:$0x0] =	sbarrier.arrive $0xFFFF;
	(pc) =	sbr.rel @p0 .LBB2_1-.Ltmp1, $4  }
0x51: {  	[hbm:s8], [sflag:s12] =	dma.local [spmem:s13], $0x1500  }
0x52: {  	_ =	swait.ge [sflag:s11], $0x1500  }
0x53: {  	[sflag:s11] =	ssyncset.done $0x0  }
0x54: {  	[sflag:s11] =	ssyncadd.s32 $0xFFFFEB00  }
0x55: {  	_ =	sfence.sel $0x180000  }
0x56: {  	[bflag:$0x0] =	sbarrier.arrive $0xFFFF  }
0x57: {  	p0 =	sne.s32 s0, $0x0;
	_ =	strace $0x9000004A  }
0x58: {  	s0 =	sadd.s32 @!p0 $0x100000, s1;
	[bflag:$0x2] =	sbarrier.arrive $0xFFFF  }
0x59: {  	[sflag:s0] =	ssyncadd.tile.s32 @!p0 $0x1;
	_ =	shalt  }
.Lfunc_end2:
_tile_overlayer_lowered:
.L_overlay_start_2:
0x5a: {  	(tag) =	ssettag $0x2  }
0x5b: {  	s0 =	rddreg [dreg:$0x0];
	s2 =	stileid.u32  }
0x5c: {  	s1 =	rddreg [dreg:$0x1];
	p0 =	sne.s32 s2, $0x0  }
0x5d: {  	s3 =	rddreg [dreg:$0x2];
	[bflag:$0x3] =	sbarrier.arrive $0xFFFF;
	s2 =	simm.s32 @!p0 $0x1C03  }
0x5e: {  	[timem:s3], [sflag:s2] =	dma.local @!p0 [hbm:s0], s1  }
0x5f: {  	s0 =	simm.s32 @!p0 $0x3  }
0x60: {  	_ =	swait.ge @!p0 [sflag:s0], s1  }
0x61: {  	s1 =	ssub.s32 @!p0 $0x0, s1;
	[sflag:s0] =	ssyncset.done @!p0 $0x0  }
0x62: {  	[sflag:s0] =	ssyncadd.s32 @!p0 s1  }
0x63: {  	[bflag:$0x3] =	sbarrier.arrive $0xFFFF  }
0x64: {  	_ =	shalt  }

// kernel: kernel.20.cloned.1.call-start
scs
__scs_entry_jumppad:
0x0: {  	(pc) =	sbr.rel $0x88, $3  }
0x1: {  	(tag) =	ssettag $0x0;
	lr =	simm.s32 $0x1  }
0x2: {  	[smem:$0x3F86] =	sst lr;
	_ =	strace $0xD0000000  }
0x3: {  	_ = 	snop  }
0x4: {  	_ = 	snop  }
0x5: {  	_ = 	snop  }
0x6: {  	_ = 	snop  }
0x7: {  	_ = 	snop  }
__scs_overlays_trampoline_lowered:
0x8: {  	[smem:$0x3F95] =	sst s0  }
0x9: {  	[smem:$0x3F96] =	sst s1  }
0xa: {  	[smem:$0x3F97] =	sst s2  }
0xb: {  	[smem:$0x3F98] =	sst s3  }
0xc: {  	[smem:$0x3F99] =	sst s4  }
0xd: {  	[smem:$0x3F9A] =	sst s5  }
0xe: {  	[smem:$0x3F9B] =	sst s6  }
0xf: {  	[smem:$0x3F9C] =	sst s7  }
0x10: {  	[smem:$0x3F9D] =	sst s8  }
0x11: {  	[smem:$0x3F9E] =	sst s9;
	s0 =	simm.s32 @!p0 $0x0  }
0x12: {  	s1 =	sld [smem:$0x3F84];
	s0 =	simm.s32 @p0 $0x1  }
0x13: {  	[smem:$0x3F9F] =	sst s0;
	s0 =	simm.s32 @!p1 $0x0  }
0x14: {  	s2 =	sld [smem:$0x3F83];
	s0 =	simm.s32 @p1 $0x1  }
0x15: {  	[smem:$0x3FA0] =	sst s0;
	s0 =	simm.s32 @!p2 $0x0  }
0x16: {  	s3 =	sld [smem:$0x3FDB];
	s0 =	simm.s32 @p2 $0x1  }
0x17: {  	s4 =	simm.s32 $0x1BF5;
	[smem:$0x3FA2] =	sst s0  }
0x18: {  	s0 =	sld [smem:$0x3F85];
	_ =	swait.ge [sflag:s4], $0x0  }
0x19: {  	s7 =	sld [smem:$0x3F86]  }
0x1a: {  	s8 =	sadd.s32 $0xFFFFE003, lr  }
0x1b: {  	s9 =	sadd.s32 $0xFFFFFEF7, lr;
	s5 =	simm.s32 $0xFFFFFFFF;
	p2 =	slt.u32 s8, $0xFFFFF086  }
0x1c: {  	p1 =	slt.u32 s9, $0xF7A;
	s5 =	simm.s32 @!p2 $0x0  }
0x1d: {  	s5 =	simm.s32 @p1 $0x1;
	p0 =	seq.s32 s7, s2  }
0x1e: {  	s7 =	smul.u32 @!p0 $0xF7A, s2;
	p2 =	seq.s32 @!p0 s5, $0x0  }
0x1f: {  	s9 =	smul.u32 $0xF7A, s1;
	s8 =	simm.s32 @!p0 $0x1BF5;
	p2 =	por !p2, p0  }
0x20: {  	[sflag:s8] =	ssyncset.s32 @!p0 $0xFFFFF086;
	s6 =	sadd.s32 @!p0 s3, s7;
	s7 =	simm.s32 @!p0 $0x108  }
0x21: {  	s3 =	sadd.s32 s3, s9;
	s6 =	sadd.s32 @!p0 $0x88, s6;
	s7 =	simm.s32 @p2 $0x1082  }
0x22: {  	[simem:s7], [sflag:s8] =	dma.local @!p0 [hbm:s6], $0xF7A  }
0x23: {  	s9 =	sor.u32 $0xD0000000, s2;
	s6 =	simm.s32 $0x108;
	_ =	swait.ge @!p0 [sflag:s8], $0x0  }
0x24: {  	s3 =	sadd.s32 $0x88, s3;
	s6 =	simm.s32 @!p1 $0x1082;
	[sflag:s4] =	ssyncset.s32 $0xFFFFF086  }
0x25: {  	[simem:s6], [sflag:s4] =	dma.local [hbm:s3], $0xF7A  }
0x26: {  	[smem:$0x3F86] =	sst s1;
	(tag) =	ssettag s2;
	_ =	strace s9  }
0x27: {  	s1 =	sld [smem:$0x3F96]  }
0x28: {  	s2 =	sld [smem:$0x3F97]  }
0x29: {  	s4 =	sld [smem:$0x3F99]  }
0x2a: {  	p0 =	seq.s32 s5, $0x0;
	s5 =	sld [smem:$0x3F9A]  }
0x2b: {  	s6 =	sld [smem:$0x3F9B]  }
0x2c: {  	s7 =	sld [smem:$0x3F9C]  }
0x2d: {  	s3 =	simm.s32 $0x108;
	s8 =	sld [smem:$0x3F9D]  }
0x2e: {  	s3 =	simm.s32 @!p0 $0x1082;
	s9 =	sld [smem:$0x3F9E]  }
0x2f: {  	lr =	sadd.s32 s0, s3;
	s0 =	sld [smem:$0x3F95]  }
0x30: {  	s3 =	sld [smem:$0x3F98]  }
0x31: {  	[smem:$0x3FA1] =	sst s10  }
0x32: {  	s10 =	sld [smem:$0x3F9F];
	_ =	sdelay $0x3  }
0x33: {  	p0 =	seq.s32 s10, $0x1;
	s10 =	sld [smem:$0x3FA1];
	_ =	sdelay $0x3  }
0x34: {  	[smem:$0x3FA1] =	sst s10  }
0x35: {  	s10 =	sld [smem:$0x3FA0];
	_ =	sdelay $0x3  }
0x36: {  	p1 =	seq.s32 s10, $0x1;
	s10 =	sld [smem:$0x3FA1];
	_ =	sdelay $0x3  }
0x37: {  	[smem:$0x3FA1] =	sst s10  }
0x38: {  	s10 =	sld [smem:$0x3FA2]  }
0x39: {  	_ = 	snop;
	(pc) =	sbr.ind lr, $3  }
0x3a: {  	_ = 	snop  }
0x3b: {  	_ = 	snop  }
0x3c: {  	p2 =	seq.s32 s10, $0x1;
	s10 =	sld [smem:$0x3FA1]  }
0x3d: {  	_ =	shalt  }
0x3e: {  	_ =	shalt  }
0x3f: {  	_ =	shalt  }
0x40: {  	_ =	shalt  }
0x41: {  	_ =	shalt  }
0x42: {  	_ =	shalt  }
0x43: {  	_ =	shalt  }
0x44: {  	_ =	shalt  }
0x45: {  	_ =	shalt  }
0x46: {  	_ =	shalt  }
0x47: {  	_ =	shalt  }
0x48: {  	_ =	shalt  }
0x49: {  	_ =	shalt  }
0x4a: {  	_ =	shalt  }
0x4b: {  	_ =	shalt  }
0x4c: {  	_ =	shalt  }
0x4d: {  	_ =	shalt  }
0x4e: {  	_ =	shalt  }
0x4f: {  	_ =	shalt  }
0x50: {  	_ =	shalt  }
0x51: {  	_ =	shalt  }
0x52: {  	_ =	shalt  }
0x53: {  	_ =	shalt  }
0x54: {  	_ =	shalt  }
0x55: {  	_ =	shalt  }
0x56: {  	_ =	shalt  }
0x57: {  	_ =	shalt  }
0x58: {  	_ =	shalt  }
0x59: {  	_ =	shalt  }
0x5a: {  	_ =	shalt  }
0x5b: {  	_ =	shalt  }
0x5c: {  	_ =	shalt  }
0x5d: {  	_ =	shalt  }
0x5e: {  	_ =	shalt  }
0x5f: {  	_ =	shalt  }
0x60: {  	_ =	shalt  }
0x61: {  	_ =	shalt  }
0x62: {  	_ =	shalt  }
0x63: {  	_ =	shalt  }
0x64: {  	_ =	shalt  }
0x65: {  	_ =	shalt  }
0x66: {  	_ =	shalt  }
0x67: {  	_ =	shalt  }
0x68: {  	_ =	shalt  }
0x69: {  	_ =	shalt  }
0x6a: {  	_ =	shalt  }
0x6b: {  	_ =	shalt  }
0x6c: {  	_ =	shalt  }
0x6d: {  	_ =	shalt  }
0x6e: {  	_ =	shalt  }
0x6f: {  	_ =	shalt  }
0x70: {  	_ =	shalt  }
0x71: {  	_ =	shalt  }
0x72: {  	_ =	shalt  }
0x73: {  	_ =	shalt  }
0x74: {  	_ =	shalt  }
0x75: {  	_ =	shalt  }
0x76: {  	_ =	shalt  }
0x77: {  	_ =	shalt  }
0x78: {  	_ =	shalt  }
0x79: {  	_ =	shalt  }
0x7a: {  	_ =	shalt  }
0x7b: {  	_ =	shalt  }
0x7c: {  	_ =	shalt  }
0x7d: {  	_ =	shalt  }
0x7e: {  	_ =	shalt  }
0x7f: {  	_ =	shalt  }
0x80: {  	_ =	shalt  }
0x81: {  	_ =	shalt  }
0x82: {  	_ =	shalt  }
0x83: {  	_ =	shalt  }
0x84: {  	_ =	shalt  }
0x85: {  	_ =	shalt  }
0x86: {  	_ =	shalt  }
0x87: {  	_ =	shalt  }
.Lfunc_end0:
.L_simem_size_0:
called_computation.2_lowered:
.L_overlay_start_0:
0x88: {  	s2 =	sld [smem:$0x3FD9]  }
0x89: {  	s3 =	sld [smem:$0x3FFE];
	_ =	sdelay $0x1  }
0x8a: {  	s1 =	srdreg.scid  }
0x8b: {  	s0 =	sand.u32 $0x1, s1  }
0x8c: {  	s16 =	sshll.u32 s0, $0xA;
	s2 =	sadd.s32 s3, s2  }
0x8d: {  	s2 =	sadd.s32 s2, s16  }
0x8e: {  	[smem:$0x3FAD] =	sst s2  }
0x8f: {  	_ = 	snop  }
0x90: {  	(tm) =	ssettm $0x1  }
0x91: {  	s17 =	sld [smem:$0x3FFB];
	_ =	sdelay $0x3  }
0x92: {  	_ =	strace s17  }
0x93: {  	s2 =	sld [smem:$0x3FFC];
	_ =	sdelay $0x3  }
0x94: {  	_ =	strace s2  }
0x95: {  	s2 =	sld [smem:$0x3FFD];
	_ =	sdelay $0x3  }
0x96: {  	_ =	strace s2  }
0x97: {  	_ =	strace $0x8FFFFFFF  }
0x98: {  	s18 =	sld [smem:$0x3FDB];
	_ =	sdelay $0x1  }
0x99: {  	s19 =	simm.s32 $_scs_section_size  }
0x9a: {  	s4 =	simm.s32 $_size__tile_overlayer_lowered;
	s5 =	simm.s32 $_tile_overlayer_lowered  }
0x9b: {  	s22 =	simm.s32 $0x1BFF;
	s21 =	sshll.u32 s5, $0x1;
	s2 =	sadd.s32 s19, s18  }
0x9c: {  	s6 =	simm.s32 $0x0;
	s20 =	sshll.u32 s4, $0x1;
	s4 =	sadd.s32 s21, s2  }
0x9d: {  	[timem:s6], [sflag:s22] =	dma.local [hbm:s4], s20  }
0x9e: {  	_ =	swait.ge [sflag:s22], s20  }
0x9f: {  	s3 =	ssub.s32 $0x0, s20;
	[sflag:s22] =	ssyncset.done $0x0  }
0xa0: {  	[sflag:s22] =	ssyncadd.s32 s3;
	_ =	sdelay $0x1  }
0xa1: {  	s23 =	simm.s32 $0x1B8B  }
0xa2: {  	_ =	swait.ge [sflag:s23], $0x1  }
0xa3: {  	[sflag:s23] =	ssyncset.done $0x0  }
0xa4: {  	s25 =	simm.s32 $0x1B8E;
	s24 =	sld [smem:$0x3FFE];
	[sflag:s23] =	ssyncadd.s32 $0xFFFFFFFF  }
0xa5: {  	s26 =	simm.s32 $execute0_lowered;
	[smem:$0x3FD2] =	sst s25  }
0xa6: {  	s4 =	sshll.u32 s26, $0x1;
	_ =	strace $0x8000004C;
	[dreg:$0x1] =	wrdreg $0xFFFFFFFF  }
0xa7: {  	s28 =	simm.s32 $_size_execute0_lowered;
	s2 =	sadd.s32 s2, s4;
	[dreg:$0x0] =	wrdreg $0x0  }
0xa8: {  	s4 =	sshll.u32 s28, $0x1;
	[dreg:$0x2] =	wrdreg s2  }
0xa9: {  	[dreg:$0x3] =	wrdreg s4  }
0xaa: {  	[dreg:$0x4] =	wrdreg $0xC0  }
0xab: {  	_ =	task [dreg:s6], $0x5FFFF  }
0xac: {  	[dreg:$0x1] =	wrdreg $0xFFFFFFFF  }
0xad: {  	[dreg:$0x0] =	wrdreg $0x60  }
0xae: {  	[dreg:$0x2] =	wrdreg s24  }
0xaf: {  	[dreg:$0x3] =	wrdreg $0x120000  }
0xb0: {  	[dreg:$0x4] =	wrdreg $0x9  }
0xb1: {  	_ =	task.clear_ibuf [dreg:s6], $0x5FFFF;
	_ =	strace $0x9000004C  }
0xb2: {  	s29 =	simm.s32 $0x9;
	_ =	strace $0x8000004E  }
0xb3: {  	_ =	swait.ge [sflag:s29], $0x1  }
0xb4: {  	[sflag:s29] =	ssyncadd.s32 $0xFFFFFFFF  }
0xb5: {  	_ =	strace $0x9000004E  }
0xb6: {  	_ =	sfence  }
0xb7: {  	s30 =	sld [smem:$0x0];
	_ =	sdelay $0x2  }
0xb8: {  	s31 =	sshll.u32 s1, $0xD;
	s1 =	sshrl.u32 s1, $0x2  }
0xb9: {  	s3 =	sand.u32 $0x4000, s31;
	s1 =	sadd.s32 s1, s30  }
0xba: {  	s0 =	sor.u32 s3, s0;
	s1 =	sshll.u32 s1, $0x11  }
0xbb: {  	s0 =	sor.u32 s1, s0  }
0xbc: {  	s0 =	sadd.s32 $0x8F2B, s0  }
0xbd: {  	[sflag:s0] =	ssyncadd.remote.s32 $0x1  }
0xbe: {  	_ =	sfence.sel $0xFFFF  }
0xbf: {  	[dreg:$0x0] =	wrdreg $0xFFFFFFFF;
	(pc) =	sbr.abs _section_cstart, $3  }
0xc0: {  	[dreg:$0x1] =	wrdreg $0xFFFFFFFF  }
0xc1: {  	_ =	task.clear_ibuf [dreg:s6], $0x2FFFF;
	_ =	strace $0x9FFFFFFF  }
0xc2: {  	(tm) =	ssettm $0x7FFFFFFF  }
0xc3: {  	_ =	shalt  }
tec
execute0_lowered:
.L_overlay_start_1:
0x0: {  	(tag) =	ssettag $0x1  }
0x1: {  	s6 =	rddreg [dreg:$0x0]  }
0x2: {  	s2 =	rddreg [dreg:$0x1]  }
0x3: {  	s0 =	rddreg [dreg:$0x2]  }
0x4: {  	s1 =	stileid.u32;
	s4 =	srdreg.scid;
	s3 =	simm.s32 $0x0  }
0x5: {  	s16 =	simm.s32 $0x80;
	s17 =	simm.s32 $0xA000;
	s18 =	simm.s32 $0xE000  }
0x6: {  	s19 =	simm.s32 $0x1;
	s20 =	simm.s32 $0x2;
	s5 =	smul.u32 $0x5000, s1  }
0x7: {  	s21 =	simm.s32 $0x9F00;
	s22 =	simm.s32 $0x9F80;
	s10 =	smul.u32 $0xA800, s1  }
0x8: {  	s23 =	simm.s32 $0x0;
	s7 =	sand.u32 $0x1, s4;
	s29 =	smul.u32 $0x2A000, s1  }
0x9: {  	[smem:$0x7FF] =	sst s3;
	s14 =	sshll.u32 s1, $0x6;
	s4 =	smul.u32 $0x50000, s7  }
0xa: {  	_ =	strace $0x8000004D;
	s8 =	smul.u32 $0x150000, s7;
	s7 =	ssub.s32 $0x2, s7  }
0xb: {  	s14 =	sor.u32 $0x1C03, s14;
	s9 =	sshrl.u32 s5, $0x3;
	s30 =	sshrl.u32 s7, $0x1  }
0xc: {  	s31 =	sshrl.u32 s29, $0x2;
	s5 =	sadd.s32 s5, s4;
	s4 =	sadd.s32 $0xD6800, s6  }
0xd: {  	s9 =	sadd.s32 s9, s6;
	s8 =	sadd.s32 s10, s8;
	s13 =	ssub.s32 s7, s30  }
0xe: {  	s15 =	sadd.s32 s31, s2;
	s5 =	sshrl.u32 s5, $0x3;
	s8 =	sshrl.u32 s8, $0x3  }
0xf: {  	s7 =	sadd.s32 $0x24E00, s9;
	s9 =	sadd.s32 $0x2EE00, s9;
	s11 =	sadd.s32 s5, s6  }
0x10: {  	s5 =	sadd.s32 $0x38E00, s6;
	s12 =	sadd.s32 s8, s6;
	s6 =	sadd.s32 $0x10E00, s11  }
0x11: {  	s15 =	sshrl.u32 s15, $0x3;
	s8 =	sadd.s32 $0x124A00, s12;
	s10 =	sadd.s32 $0x139A00, s12  }
0x12: {  	s11 =	smax.u32 s13, $0x1;
	s12 =	simm.s32 $0x5000;
	s13 =	simm.s32 $0x3  }
.LBB2_1:
0x13: {  	[tilespmem:s12], [sflag:$0x3] =	stream.linear.gather [hbm4b:s6+s3], $0x5000, $0x38;
	[tilespmem:$0x1C800] =	vst v63  }
0x14: {  	_ =	swait.ge [sflag:s13], $0x5000  }
0x15: {  	[sflag:s13] =	ssyncset.done $0x0  }
0x16: {  	[sflag:s13] =	ssyncadd.s32 $0xFFFFB000  }
0x17: {  	[spmem:s15], [sflag:s14] =	dma.local [hbm:s5], $0x1500  }
0x18: {  	_ =	swait.ge [sflag:s13], $0x1500  }
0x19: {  	[sflag:s13] =	ssyncset.done $0x0  }
0x1a: {  	[sflag:s13] =	ssyncadd.s32 $0xFFFFEB00  }
0x1b: {  	[tilespmem:s3], [sflag:$0x3] =	stream.linear.gather [hbm4b:s7+s3], $0x5000, $0x38;
	[tilespmem:$0x1C800] =	vst v63  }
0x1c: {  	_ =	swait.ge [sflag:s13], $0x5000  }
0x1d: {  	[sflag:s13] =	ssyncset.done $0x0  }
0x1e: {  	[sflag:s13] =	ssyncadd.s32 $0xFFFFB000  }
0x1f: {  	[bflag:$0x0] =	sbarrier.arrive $0xFFFF  }
0x20: {  	[tilespmem:s17], [sflag:$0x1] =	stream.indirect.gather [hbm4b:s4+s16], $0x80, s3, s16, $0xb8;
	[tilespmem:$0x1C800] =	vst v63  }
0x21: {  	_ = 	snop  }
0x22: {  	[tilespmem:s18], [sflag:$0x2] =	stream.indirect.gather [hbm4b:s4+s16], $0x80, s16, s16, $0xb8;
	[tilespmem:$0x1C800] =	vst v63  }
0x23: {  	_ =	swait.ge [sflag:s19], $0x4000  }
0x24: {  	[sflag:s19] =	ssyncset.done $0x0  }
0x25: {  	s24 =	simm.s32 $0x5000;
	[sflag:s19] =	ssyncadd.s32 $0xFFFFC000  }
0x26: {  	[spmem:s2] =	stream.indirect.scatter.add.f32 [tilespmem:s17], [sflag:$0x3], $0x80, s24, s16, $0xb8;
	[tilespmem:$0x1C800] =	vst v63  }
0x27: {  	_ =	swait.ge [sflag:s13], $0x4000  }
0x28: {  	[sflag:s13] =	ssyncset.done $0x0  }
0x29: {  	s30 =	simm.s32 $0x100;
	[sflag:s13] =	ssyncadd.s32 $0xFFFFC000  }
0x2a: {  	[tilespmem:s17], [sflag:$0x1] =	stream.indirect.gather [hbm4b:s4+s16], $0x80, s30, s16, $0xb8;
	[tilespmem:$0x1C800] =	vst v63  }
0x2b: {  	_ =	swait.ge [sflag:s20], $0x4000  }
0x2c: {  	[sflag:s20] =	ssyncset.done $0x0  }
0x2d: {  	s31 =	simm.s32 $0x5080;
	[sflag:s20] =	ssyncadd.s32 $0xFFFFC000  }
0x2e: {  	[spmem:s2] =	stream.indirect.scatter.add.f32 [tilespmem:s18], [sflag:$0x3], $0x80, s31, s16, $0xb8;
	[tilespmem:$0x1C800] =	vst v63  }
0x2f: {  	_ =	swait.ge [sflag:s13], $0x4000  }
0x30: {  	[sflag:s13] =	ssyncset.done $0x0  }
0x31: {  	s25 =	simm.s32 $0x180;
	s24 =	simm.s32 $0x400;
	[sflag:s13] =	ssyncadd.s32 $0xFFFFC000  }
.LBB2_2:
0x32: {  	[tilespmem:s18], [sflag:$0x2] =	stream.indirect.gather [hbm4b:s4+s16], $0x80, s25, s16, $0xb8;
	[tilespmem:$0x1C800] =	vst v63  }
0x33: {  	s25 =	smov.u32 s24  }
0x34: {  	p0 =	sne.s32 s24, $0x13800;
	s24 =	sadd.s32 $0x400, s24;
	_ =	swait.ge [sflag:s19], $0x4000  }
0x35: {  	s25 =	sshra.s32 s25, $0x2;
	[sflag:s19] =	ssyncset.done $0x0  }
0x36: {  	s26 =	sadd.s32 $0x5000, s25;
	[sflag:s19] =	ssyncadd.s32 $0xFFFFC000  }
0x37: {  	[spmem:s2] =	stream.indirect.scatter.add.f32 [tilespmem:s17], [sflag:$0x3], $0x80, s26, s16, $0xb8;
	[tilespmem:$0x1C800] =	vst v63  }
0x38: {  	_ =	swait.ge [sflag:s13], $0x4000  }
0x39: {  	[sflag:s13] =	ssyncset.done $0x0  }
0x3a: {  	s26 =	sadd.s32 $0x100, s25;
	[sflag:s13] =	ssyncadd.s32 $0xFFFFC000  }
0x3b: {  	[tilespmem:s17], [sflag:$0x1] =	stream.indirect.gather [hbm4b:s4+s16], $0x80, s26, s16, $0xb8;
	[tilespmem:$0x1C800] =	vst v63  }
0x3c: {  	_ =	swait.ge [sflag:s20], $0x4000  }
0x3d: {  	[sflag:s20] =	ssyncset.done $0x0  }
.Ltmp0:
0x3e: {  	s26 =	sadd.s32 $0x5080, s25;
	[sflag:s20] =	ssyncadd.s32 $0xFFFFC000;
	(pc) =	sbr.rel @p0 .LBB2_2-.Ltmp0, $4  }
0x3f: {  	[spmem:s2] =	stream.indirect.scatter.add.f32 [tilespmem:s18], [sflag:$0x3], $0x80, s26, s16, $0xb8;
	[tilespmem:$0x1C800] =	vst v63  }
0x40: {  	_ =	swait.ge [sflag:s13], $0x4000  }
0x41: {  	[sflag:s13] =	ssyncset.done $0x0  }
0x42: {  	s25 =	sadd.s32 $0x180, s25;
	[sflag:s13] =	ssyncadd.s32 $0xFFFFC000  }
0x43: {  	[tilespmem:s18], [sflag:$0x2] =	stream.indirect.gather [hbm4b:s4+s16], $0x80, s25, s16, $0xb8;
	[tilespmem:$0x1C800] =	vst v63  }
0x44: {  	_ =	swait.ge [sflag:s19], $0x4000  }
0x45: {  	[sflag:s19] =	ssyncset.done $0x0  }
0x46: {  	[sflag:s19] =	ssyncadd.s32 $0xFFFFC000  }
0x47: {  	[spmem:s2] =	stream.indirect.scatter.add.f32 [tilespmem:s17], [sflag:$0x3], $0x80, s21, s16, $0xb8;
	[tilespmem:$0x1C800] =	vst v63  }
0x48: {  	_ =	swait.ge [sflag:s13], $0x4000  }
0x49: {  	[sflag:s13] =	ssyncset.done $0x0  }
0x4a: {  	[sflag:s13] =	ssyncadd.s32 $0xFFFFC000  }
0x4b: {  	_ =	swait.ge [sflag:s20], $0x4000  }
0x4c: {  	[sflag:s20] =	ssyncset.done $0x0  }
0x4d: {  	[sflag:s20] =	ssyncadd.s32 $0xFFFFC000  }
0x4e: {  	[spmem:s2] =	stream.indirect.scatter.add.f32 [tilespmem:s18], [sflag:$0x3], $0x80, s22, s16, $0xb8;
	[tilespmem:$0x1C800] =	vst v63  }
0x4f: {  	_ =	swait.ge [sflag:s13], $0x4000  }
0x50: {  	[sflag:s13] =	ssyncset.done $0x0  }
0x51: {  	[sflag:s13] =	ssyncadd.s32 $0xFFFFC000  }
0x52: {  	[bflag:$0x0] =	sbarrier.arrive $0xFFFF  }
0x53: {  	[hbm:s8], [sflag:s14] =	dma.local [spmem:s15], $0x1500  }
0x54: {  	_ =	swait.ge [sflag:s13], $0x1500  }
0x55: {  	[sflag:s13] =	ssyncset.done $0x0  }
0x56: {  	[sflag:s13] =	ssyncadd.s32 $0xFFFFEB00  }
0x57: {  	[spmem:s15], [sflag:s14] =	dma.local [hbm:s5], $0x1500  }
0x58: {  	_ =	swait.ge [sflag:s13], $0x1500  }
0x59: {  	[sflag:s13] =	ssyncset.done $0x0  }
0x5a: {  	s24 =	simm.s32 $0x0;
	[sflag:s13] =	ssyncadd.s32 $0xFFFFEB00  }
0x5b: {  	[tilespmem:s24], [sflag:$0x3] =	stream.linear.gather [hbm4b:s9+s24], $0x5000, $0x38;
	[tilespmem:$0x1C800] =	vst v63  }
0x5c: {  	_ =	swait.ge [sflag:s13], $0x5000  }
0x5d: {  	[sflag:s13] =	ssyncset.done $0x0  }
0x5e: {  	[sflag:s13] =	ssyncadd.s32 $0xFFFFB000  }
0x5f: {  	[bflag:$0x0] =	sbarrier.arrive $0xFFFF  }
0x60: {  	[tilespmem:s17], [sflag:$0x1] =	stream.indirect.gather [hbm4b:s4+s16], $0x80, s24, s16, $0xb8;
	[tilespmem:$0x1C800] =	vst v63  }
0x61: {  	_ = 	snop  }
0x62: {  	[tilespmem:s18], [sflag:$0x2] =	stream.indirect.gather [hbm4b:s4+s16], $0x80, s16, s16, $0xb8;
	[tilespmem:$0x1C800] =	vst v63  }
0x63: {  	_ =	swait.ge [sflag:s19], $0x4000  }
0x64: {  	[sflag:s19] =	ssyncset.done $0x0  }
0x65: {  	s29 =	simm.s32 $0x5000;
	[sflag:s19] =	ssyncadd.s32 $0xFFFFC000  }
0x66: {  	[spmem:s2] =	stream.indirect.scatter.add.f32 [tilespmem:s17], [sflag:$0x3], $0x80, s29, s16, $0xb8;
	[tilespmem:$0x1C800] =	vst v63  }
0x67: {  	_ =	swait.ge [sflag:s13], $0x4000  }
0x68: {  	[sflag:s13] =	ssyncset.done $0x0  }
0x69: {  	s30 =	simm.s32 $0x100;
	[sflag:s13] =	ssyncadd.s32 $0xFFFFC000  }
0x6a: {  	[tilespmem:s17], [sflag:$0x1] =	stream.indirect.gather [hbm4b:s4+s16], $0x80, s30, s16, $0xb8;
	[tilespmem:$0x1C800] =	vst v63  }
0x6b: {  	_ =	swait.ge [sflag:s20], $0x4000  }
0x6c: {  	[sflag:s20] =	ssyncset.done $0x0  }
0x6d: {  	s31 =	simm.s32 $0x5080;
	[sflag:s20] =	ssyncadd.s32 $0xFFFFC000  }
0x6e: {  	[spmem:s2] =	stream.indirect.scatter.add.f32 [tilespmem:s18], [sflag:$0x3], $0x80, s31, s16, $0xb8;
	[tilespmem:$0x1C800] =	vst v63  }
0x6f: {  	_ =	swait.ge [sflag:s13], $0x4000  }
0x70: {  	[sflag:s13] =	ssyncset.done $0x0  }
0x71: {  	s25 =	simm.s32 $0x180;
	s24 =	simm.s32 $0x400;
	[sflag:s13] =	ssyncadd.s32 $0xFFFFC000  }
.LBB2_4:
0x72: {  	[tilespmem:s18], [sflag:$0x2] =	stream.indirect.gather [hbm4b:s4+s16], $0x80, s25, s16, $0xb8;
	[tilespmem:$0x1C800] =	vst v63  }
0x73: {  	s25 =	smov.u32 s24  }
0x74: {  	p0 =	sne.s32 s24, $0x13800;
	s24 =	sadd.s32 $0x400, s24;
	_ =	swait.ge [sflag:s19], $0x4000  }
0x75: {  	s25 =	sshra.s32 s25, $0x2;
	[sflag:s19] =	ssyncset.done $0x0  }
0x76: {  	s26 =	sadd.s32 $0x5000, s25;
	[sflag:s19] =	ssyncadd.s32 $0xFFFFC000  }
0x77: {  	[spmem:s2] =	stream.indirect.scatter.add.f32 [tilespmem:s17], [sflag:$0x3], $0x80, s26, s16, $0xb8;
	[tilespmem:$0x1C800] =	vst v63  }
0x78: {  	_ =	swait.ge [sflag:s13], $0x4000  }
0x79: {  	[sflag:s13] =	ssyncset.done $0x0  }
0x7a: {  	s26 =	sadd.s32 $0x100, s25;
	[sflag:s13] =	ssyncadd.s32 $0xFFFFC000  }
0x7b: {  	[tilespmem:s17], [sflag:$0x1] =	stream.indirect.gather [hbm4b:s4+s16], $0x80, s26, s16, $0xb8;
	[tilespmem:$0x1C800] =	vst v63  }
0x7c: {  	_ =	swait.ge [sflag:s20], $0x4000  }
0x7d: {  	[sflag:s20] =	ssyncset.done $0x0  }
.Ltmp1:
0x7e: {  	s26 =	sadd.s32 $0x5080, s25;
	[sflag:s20] =	ssyncadd.s32 $0xFFFFC000;
	(pc) =	sbr.rel @p0 .LBB2_4-.Ltmp1, $4  }
0x7f: {  	[spmem:s2] =	stream.indirect.scatter.add.f32 [tilespmem:s18], [sflag:$0x3], $0x80, s26, s16, $0xb8;
	[tilespmem:$0x1C800] =	vst v63  }
0x80: {  	_ =	swait.ge [sflag:s13], $0x4000  }
0x81: {  	[sflag:s13] =	ssyncset.done $0x0  }
0x82: {  	s25 =	sadd.s32 $0x180, s25;
	[sflag:s13] =	ssyncadd.s32 $0xFFFFC000  }
0x83: {  	[tilespmem:s18], [sflag:$0x2] =	stream.indirect.gather [hbm4b:s4+s16], $0x80, s25, s16, $0xb8;
	[tilespmem:$0x1C800] =	vst v63  }
0x84: {  	_ =	swait.ge [sflag:s19], $0x4000  }
0x85: {  	[sflag:s19] =	ssyncset.done $0x0  }
0x86: {  	[sflag:s19] =	ssyncadd.s32 $0xFFFFC000  }
0x87: {  	[spmem:s2] =	stream.indirect.scatter.add.f32 [tilespmem:s17], [sflag:$0x3], $0x80, s21, s16, $0xb8;
	[tilespmem:$0x1C800] =	vst v63  }
0x88: {  	_ =	swait.ge [sflag:s13], $0x4000  }
0x89: {  	[sflag:s13] =	ssyncset.done $0x0  }
0x8a: {  	[sflag:s13] =	ssyncadd.s32 $0xFFFFC000  }
0x8b: {  	_ =	swait.ge [sflag:s20], $0x4000  }
0x8c: {  	[sflag:s20] =	ssyncset.done $0x0  }
0x8d: {  	[sflag:s20] =	ssyncadd.s32 $0xFFFFC000  }
0x8e: {  	[spmem:s2] =	stream.indirect.scatter.add.f32 [tilespmem:s18], [sflag:$0x3], $0x80, s22, s16, $0xb8;
	[tilespmem:$0x1C800] =	vst v63  }
0x8f: {  	_ =	swait.ge [sflag:s13], $0x4000  }
0x90: {  	s23 =	sadd.s32 $0x1, s23;
	[sflag:s13] =	ssyncset.done $0x0  }
0x91: {  	p0 =	sne.s32 s23, s11;
	[sflag:s13] =	ssyncadd.s32 $0xFFFFC000  }
.Ltmp2:
0x92: {  	[bflag:$0x0] =	sbarrier.arrive $0xFFFF;
	(pc) =	sbr.rel @p0 .LBB2_1-.Ltmp2, $4  }
0x93: {  	[hbm:s10], [sflag:s14] =	dma.local [spmem:s15], $0x1500  }
0x94: {  	_ =	swait.ge [sflag:s13], $0x1500  }
0x95: {  	[sflag:s13] =	ssyncset.done $0x0  }
0x96: {  	[sflag:s13] =	ssyncadd.s32 $0xFFFFEB00  }
0x97: {  	_ =	sfence.sel $0x180000  }
0x98: {  	[bflag:$0x0] =	sbarrier.arrive $0xFFFF  }
0x99: {  	p0 =	sne.s32 s1, $0x0;
	_ =	strace $0x9000004D  }
0x9a: {  	s0 =	sadd.s32 @!p0 $0x100000, s0;
	[bflag:$0x2] =	sbarrier.arrive $0xFFFF  }
0x9b: {  	[sflag:s0] =	ssyncadd.tile.s32 @!p0 $0x1;
	_ =	shalt  }
.Lfunc_end2:
_tile_overlayer_lowered:
.L_overlay_start_2:
0x9c: {  	(tag) =	ssettag $0x2  }
0x9d: {  	s0 =	rddreg [dreg:$0x0];
	s2 =	stileid.u32  }
0x9e: {  	s1 =	rddreg [dreg:$0x1];
	p0 =	sne.s32 s2, $0x0  }
0x9f: {  	s3 =	rddreg [dreg:$0x2];
	[bflag:$0x3] =	sbarrier.arrive $0xFFFF;
	s2 =	simm.s32 @!p0 $0x1C03  }
0xa0: {  	[timem:s3], [sflag:s2] =	dma.local @!p0 [hbm:s0], s1  }
0xa1: {  	s0 =	simm.s32 @!p0 $0x3  }
0xa2: {  	_ =	swait.ge @!p0 [sflag:s0], s1  }
0xa3: {  	s1 =	ssub.s32 @!p0 $0x0, s1;
	[sflag:s0] =	ssyncset.done @!p0 $0x0  }
0xa4: {  	[sflag:s0] =	ssyncadd.s32 @!p0 s1  }
0xa5: {  	[bflag:$0x3] =	sbarrier.arrive $0xFFFF  }
0xa6: {  	_ =	shalt  }

// kernel: kernel.23.cloned.1.call-start
scs
__scs_entry_jumppad:
0x0: {  	(pc) =	sbr.rel $0x88, $3  }
0x1: {  	(tag) =	ssettag $0x0;
	lr =	simm.s32 $0x1  }
0x2: {  	[smem:$0x3F86] =	sst lr;
	_ =	strace $0xD0000000  }
0x3: {  	_ = 	snop  }
0x4: {  	_ = 	snop  }
0x5: {  	_ = 	snop  }
0x6: {  	_ = 	snop  }
0x7: {  	_ = 	snop  }
__scs_overlays_trampoline_lowered:
0x8: {  	[smem:$0x3F95] =	sst s0  }
0x9: {  	[smem:$0x3F96] =	sst s1  }
0xa: {  	[smem:$0x3F97] =	sst s2  }
0xb: {  	[smem:$0x3F98] =	sst s3  }
0xc: {  	[smem:$0x3F99] =	sst s4  }
0xd: {  	[smem:$0x3F9A] =	sst s5  }
0xe: {  	[smem:$0x3F9B] =	sst s6  }
0xf: {  	[smem:$0x3F9C] =	sst s7  }
0x10: {  	[smem:$0x3F9D] =	sst s8  }
0x11: {  	[smem:$0x3F9E] =	sst s9;
	s0 =	simm.s32 @!p0 $0x0  }
0x12: {  	s1 =	sld [smem:$0x3F84];
	s0 =	simm.s32 @p0 $0x1  }
0x13: {  	[smem:$0x3F9F] =	sst s0;
	s0 =	simm.s32 @!p1 $0x0  }
0x14: {  	s2 =	sld [smem:$0x3F83];
	s0 =	simm.s32 @p1 $0x1  }
0x15: {  	[smem:$0x3FA0] =	sst s0;
	s0 =	simm.s32 @!p2 $0x0  }
0x16: {  	s3 =	sld [smem:$0x3FDB];
	s0 =	simm.s32 @p2 $0x1  }
0x17: {  	s4 =	simm.s32 $0x1BF5;
	[smem:$0x3FA2] =	sst s0  }
0x18: {  	s0 =	sld [smem:$0x3F85];
	_ =	swait.ge [sflag:s4], $0x0  }
0x19: {  	s7 =	sld [smem:$0x3F86]  }
0x1a: {  	s8 =	sadd.s32 $0xFFFFE003, lr  }
0x1b: {  	s9 =	sadd.s32 $0xFFFFFEF7, lr;
	s5 =	simm.s32 $0xFFFFFFFF;
	p2 =	slt.u32 s8, $0xFFFFF086  }
0x1c: {  	p1 =	slt.u32 s9, $0xF7A;
	s5 =	simm.s32 @!p2 $0x0  }
0x1d: {  	s5 =	simm.s32 @p1 $0x1;
	p0 =	seq.s32 s7, s2  }
0x1e: {  	s7 =	smul.u32 @!p0 $0xF7A, s2;
	p2 =	seq.s32 @!p0 s5, $0x0  }
0x1f: {  	s9 =	smul.u32 $0xF7A, s1;
	s8 =	simm.s32 @!p0 $0x1BF5;
	p2 =	por !p2, p0  }
0x20: {  	[sflag:s8] =	ssyncset.s32 @!p0 $0xFFFFF086;
	s6 =	sadd.s32 @!p0 s3, s7;
	s7 =	simm.s32 @!p0 $0x108  }
0x21: {  	s3 =	sadd.s32 s3, s9;
	s6 =	sadd.s32 @!p0 $0x88, s6;
	s7 =	simm.s32 @p2 $0x1082  }
0x22: {  	[simem:s7], [sflag:s8] =	dma.local @!p0 [hbm:s6], $0xF7A  }
0x23: {  	s9 =	sor.u32 $0xD0000000, s2;
	s6 =	simm.s32 $0x108;
	_ =	swait.ge @!p0 [sflag:s8], $0x0  }
0x24: {  	s3 =	sadd.s32 $0x88, s3;
	s6 =	simm.s32 @!p1 $0x1082;
	[sflag:s4] =	ssyncset.s32 $0xFFFFF086  }
0x25: {  	[simem:s6], [sflag:s4] =	dma.local [hbm:s3], $0xF7A  }
0x26: {  	[smem:$0x3F86] =	sst s1;
	(tag) =	ssettag s2;
	_ =	strace s9  }
0x27: {  	s1 =	sld [smem:$0x3F96]  }
0x28: {  	s2 =	sld [smem:$0x3F97]  }
0x29: {  	s4 =	sld [smem:$0x3F99]  }
0x2a: {  	p0 =	seq.s32 s5, $0x0;
	s5 =	sld [smem:$0x3F9A]  }
0x2b: {  	s6 =	sld [smem:$0x3F9B]  }
0x2c: {  	s7 =	sld [smem:$0x3F9C]  }
0x2d: {  	s3 =	simm.s32 $0x108;
	s8 =	sld [smem:$0x3F9D]  }
0x2e: {  	s3 =	simm.s32 @!p0 $0x1082;
	s9 =	sld [smem:$0x3F9E]  }
0x2f: {  	lr =	sadd.s32 s0, s3;
	s0 =	sld [smem:$0x3F95]  }
0x30: {  	s3 =	sld [smem:$0x3F98]  }
0x31: {  	[smem:$0x3FA1] =	sst s10  }
0x32: {  	s10 =	sld [smem:$0x3F9F];
	_ =	sdelay $0x3  }
0x33: {  	p0 =	seq.s32 s10, $0x1;
	s10 =	sld [smem:$0x3FA1];
	_ =	sdelay $0x3  }
0x34: {  	[smem:$0x3FA1] =	sst s10  }
0x35: {  	s10 =	sld [smem:$0x3FA0];
	_ =	sdelay $0x3  }
0x36: {  	p1 =	seq.s32 s10, $0x1;
	s10 =	sld [smem:$0x3FA1];
	_ =	sdelay $0x3  }
0x37: {  	[smem:$0x3FA1] =	sst s10  }
0x38: {  	s10 =	sld [smem:$0x3FA2]  }
0x39: {  	_ = 	snop;
	(pc) =	sbr.ind lr, $3  }
0x3a: {  	_ = 	snop  }
0x3b: {  	_ = 	snop  }
0x3c: {  	p2 =	seq.s32 s10, $0x1;
	s10 =	sld [smem:$0x3FA1]  }
0x3d: {  	_ =	shalt  }
0x3e: {  	_ =	shalt  }
0x3f: {  	_ =	shalt  }
0x40: {  	_ =	shalt  }
0x41: {  	_ =	shalt  }
0x42: {  	_ =	shalt  }
0x43: {  	_ =	shalt  }
0x44: {  	_ =	shalt  }
0x45: {  	_ =	shalt  }
0x46: {  	_ =	shalt  }
0x47: {  	_ =	shalt  }
0x48: {  	_ =	shalt  }
0x49: {  	_ =	shalt  }
0x4a: {  	_ =	shalt  }
0x4b: {  	_ =	shalt  }
0x4c: {  	_ =	shalt  }
0x4d: {  	_ =	shalt  }
0x4e: {  	_ =	shalt  }
0x4f: {  	_ =	shalt  }
0x50: {  	_ =	shalt  }
0x51: {  	_ =	shalt  }
0x52: {  	_ =	shalt  }
0x53: {  	_ =	shalt  }
0x54: {  	_ =	shalt  }
0x55: {  	_ =	shalt  }
0x56: {  	_ =	shalt  }
0x57: {  	_ =	shalt  }
0x58: {  	_ =	shalt  }
0x59: {  	_ =	shalt  }
0x5a: {  	_ =	shalt  }
0x5b: {  	_ =	shalt  }
0x5c: {  	_ =	shalt  }
0x5d: {  	_ =	shalt  }
0x5e: {  	_ =	shalt  }
0x5f: {  	_ =	shalt  }
0x60: {  	_ =	shalt  }
0x61: {  	_ =	shalt  }
0x62: {  	_ =	shalt  }
0x63: {  	_ =	shalt  }
0x64: {  	_ =	shalt  }
0x65: {  	_ =	shalt  }
0x66: {  	_ =	shalt  }
0x67: {  	_ =	shalt  }
0x68: {  	_ =	shalt  }
0x69: {  	_ =	shalt  }
0x6a: {  	_ =	shalt  }
0x6b: {  	_ =	shalt  }
0x6c: {  	_ =	shalt  }
0x6d: {  	_ =	shalt  }
0x6e: {  	_ =	shalt  }
0x6f: {  	_ =	shalt  }
0x70: {  	_ =	shalt  }
0x71: {  	_ =	shalt  }
0x72: {  	_ =	shalt  }
0x73: {  	_ =	shalt  }
0x74: {  	_ =	shalt  }
0x75: {  	_ =	shalt  }
0x76: {  	_ =	shalt  }
0x77: {  	_ =	shalt  }
0x78: {  	_ =	shalt  }
0x79: {  	_ =	shalt  }
0x7a: {  	_ =	shalt  }
0x7b: {  	_ =	shalt  }
0x7c: {  	_ =	shalt  }
0x7d: {  	_ =	shalt  }
0x7e: {  	_ =	shalt  }
0x7f: {  	_ =	shalt  }
0x80: {  	_ =	shalt  }
0x81: {  	_ =	shalt  }
0x82: {  	_ =	shalt  }
0x83: {  	_ =	shalt  }
0x84: {  	_ =	shalt  }
0x85: {  	_ =	shalt  }
0x86: {  	_ =	shalt  }
0x87: {  	_ =	shalt  }
.Lfunc_end0:
.L_simem_size_0:
called_computation.3_lowered:
.L_overlay_start_0:
0x88: {  	s2 =	sld [smem:$0x3FD9]  }
0x89: {  	s3 =	sld [smem:$0x3FFE];
	_ =	sdelay $0x1  }
0x8a: {  	s1 =	srdreg.scid  }
0x8b: {  	s0 =	sand.u32 $0x1, s1  }
0x8c: {  	s17 =	sshll.u32 s0, $0xA;
	s2 =	sadd.s32 s3, s2  }
0x8d: {  	s2 =	sadd.s32 s2, s17  }
0x8e: {  	[smem:$0x3FAD] =	sst s2  }
0x8f: {  	_ = 	snop  }
0x90: {  	s2 =	sld [smem:$0x3FB0];
	(tm) =	ssettm $0x1  }
0x91: {  	s18 =	sld [smem:$0x3FFB];
	_ =	sdelay $0x3  }
0x92: {  	_ =	strace s18  }
0x93: {  	s3 =	sld [smem:$0x3FFC];
	_ =	sdelay $0x3  }
0x94: {  	_ =	strace s3  }
0x95: {  	s3 =	sld [smem:$0x3FFD];
	_ =	sdelay $0x3  }
0x96: {  	_ =	strace s3  }
0x97: {  	_ =	strace $0x8FFFFFFF  }
0x98: {  	s19 =	sld [smem:$0x3FDB];
	_ =	sdelay $0x1  }
0x99: {  	s4 =	simm.s32 $_scs_section_size  }
0x9a: {  	s5 =	simm.s32 $_size__tile_overlayer_lowered;
	s6 =	simm.s32 $_tile_overlayer_lowered  }
0x9b: {  	s22 =	simm.s32 $0x1BFF;
	s21 =	sshll.u32 s6, $0x1;
	s3 =	sadd.s32 s4, s19  }
0x9c: {  	s7 =	simm.s32 $0x0;
	s20 =	sshll.u32 s5, $0x1;
	s5 =	sadd.s32 s21, s3  }
0x9d: {  	[timem:s7], [sflag:s22] =	dma.local [hbm:s5], s20  }
0x9e: {  	_ =	swait.ge [sflag:s22], s20  }
0x9f: {  	s4 =	ssub.s32 $0x0, s20;
	[sflag:s22] =	ssyncset.done $0x0  }
0xa0: {  	[sflag:s22] =	ssyncadd.s32 s4;
	_ =	sdelay $0x1  }
0xa1: {  	s23 =	simm.s32 $0x1B8B  }
0xa2: {  	_ =	swait.ge [sflag:s23], $0x1  }
0xa3: {  	[sflag:s23] =	ssyncset.done $0x0  }
0xa4: {  	s25 =	simm.s32 $0x1B8E;
	s24 =	sld [smem:$0x3FFE];
	[sflag:s23] =	ssyncadd.s32 $0xFFFFFFFF  }
0xa5: {  	s26 =	simm.s32 $execute0_lowered;
	[smem:$0x3FD2] =	sst s25  }
0xa6: {  	s5 =	sshll.u32 s26, $0x1;
	_ =	strace $0x8000004F;
	[dreg:$0x1] =	wrdreg $0xFFFFFFFF  }
0xa7: {  	s28 =	simm.s32 $_size_execute0_lowered;
	s3 =	sadd.s32 s3, s5;
	[dreg:$0x0] =	wrdreg $0x0  }
0xa8: {  	s5 =	sshll.u32 s28, $0x1;
	[dreg:$0x2] =	wrdreg s3  }
0xa9: {  	[dreg:$0x3] =	wrdreg s5  }
0xaa: {  	[dreg:$0x4] =	wrdreg $0xC0  }
0xab: {  	_ =	task [dreg:s7], $0x5FFFF  }
0xac: {  	[dreg:$0x1] =	wrdreg $0xFFFFFFFF  }
0xad: {  	[dreg:$0x0] =	wrdreg $0x60  }
0xae: {  	[dreg:$0x2] =	wrdreg s24  }
0xaf: {  	[dreg:$0x3] =	wrdreg s2  }
0xb0: {  	[dreg:$0x4] =	wrdreg $0x9  }
0xb1: {  	_ =	task.clear_ibuf [dreg:s7], $0x5FFFF;
	_ =	strace $0x9000004F  }
0xb2: {  	s29 =	simm.s32 $0x9;
	_ =	strace $0x80000051  }
0xb3: {  	_ =	swait.ge [sflag:s29], $0x1  }
0xb4: {  	[sflag:s29] =	ssyncadd.s32 $0xFFFFFFFF  }
0xb5: {  	_ =	strace $0x90000051  }
0xb6: {  	_ =	sfence  }
0xb7: {  	s30 =	sld [smem:$0x0];
	_ =	sdelay $0x2  }
0xb8: {  	s31 =	sshll.u32 s1, $0xD;
	s1 =	sshrl.u32 s1, $0x2  }
0xb9: {  	s3 =	sand.u32 $0x4000, s31;
	s1 =	sadd.s32 s1, s30  }
0xba: {  	s0 =	sor.u32 s3, s0;
	s1 =	sshll.u32 s1, $0x11  }
0xbb: {  	s0 =	sor.u32 s1, s0  }
0xbc: {  	s0 =	sadd.s32 $0x8F2B, s0  }
0xbd: {  	[sflag:s0] =	ssyncadd.remote.s32 $0x1  }
0xbe: {  	_ =	sfence.sel $0xFFFF  }
0xbf: {  	[dreg:$0x0] =	wrdreg $0xFFFFFFFF;
	(pc) =	sbr.abs _section_cstart, $3  }
0xc0: {  	[dreg:$0x1] =	wrdreg $0xFFFFFFFF  }
0xc1: {  	_ =	task.clear_ibuf [dreg:s7], $0x2FFFF;
	_ =	strace $0x9FFFFFFF  }
0xc2: {  	(tm) =	ssettm $0x7FFFFFFF  }
0xc3: {  	_ =	shalt  }
tec
execute0_lowered:
.L_overlay_start_1:
0x0: {  	(tag) =	ssettag $0x1  }
0x1: {  	s1 =	srdreg.scid  }
0x2: {  	s3 =	rddreg [dreg:$0x0];
	s0 =	stileid.u32  }
0x3: {  	s4 =	rddreg [dreg:$0x1];
	s2 =	simm.s32 $0x0;
	s19 =	simm.s32 $0x900  }
0x4: {  	s20 =	simm.s32 $0x1100;
	s21 =	simm.s32 $0x1900;
	s23 =	simm.s32 $0x2100  }
0x5: {  	s24 =	simm.s32 $0x2900;
	s25 =	simm.s32 $0x3100;
	s26 =	simm.s32 $0x3900  }
0x6: {  	s8 =	simm.s32 $0x4900;
	s9 =	simm.s32 $0x5100;
	s10 =	simm.s32 $0x5900  }
0x7: {  	s11 =	simm.s32 $0x6100;
	s12 =	simm.s32 $0x6900;
	[smem:$0x7FF] =	sst s2  }
0x8: {  	s13 =	simm.s32 $0x7100;
	_ =	strace $0x80000050;
	[dreg:$0x5] =	wrdreg s19  }
0x9: {  	s14 =	simm.s32 $0x7900;
	s15 =	simm.s32 $0x1;
	[dreg:$0x6] =	wrdreg s20  }
0xa: {  	s16 =	simm.s32 $0x8100;
	s17 =	simm.s32 $0x8900;
	[dreg:$0x7] =	wrdreg s21  }
0xb: {  	s28 =	simm.s32 $0xD900;
	s29 =	simm.s32 $0xE100;
	[dreg:$0x8] =	wrdreg s23  }
0xc: {  	s30 =	simm.s32 $0xE900;
	s31 =	simm.s32 $0xF100;
	[dreg:$0x9] =	wrdreg s24  }
0xd: {  	s1 =	sand.u32 $0x1, s1;
	s6 =	sshll.u32 s0, $0x8;
	[dreg:$0xa] =	wrdreg s25  }
0xe: {  	s5 =	sshll.u32 s1, $0xC;
	s1 =	ssub.s32 $0x2, s1;
	[dreg:$0xb] =	wrdreg s26  }
0xf: {  	s19 =	simm.s32 $0x9900;
	s20 =	simm.s32 $0xA100;
	s21 =	simm.s32 $0xA900  }
0x10: {  	s23 =	simm.s32 $0xB900;
	s24 =	simm.s32 $0xC100;
	s25 =	simm.s32 $0xC900  }
0x11: {  	s26 =	simm.s32 $0xD100;
	s5 =	sor.u32 s6, s5;
	s22 =	sshrl.u32 s1, $0x1  }
0x12: {  	s6 =	sshll.u32 s5, $0x5;
	s5 =	sshrl.u32 s5, $0x3;
	s1 =	ssub.s32 s1, s22  }
0x13: {  	s22 =	simm.s32 $0xB100;
	s6 =	sadd.s32 s6, s3;
	s4 =	sadd.s32 s4, s5  }
0x14: {  	v2 =	vlaneseq.u32;
	s3 =	sadd.s32 $0x6600, s3;
	s5 =	simm.s32 $0x2;
	[dreg:$0x3] =	wrdreg s4  }
0x15: {  	vm0 =	vmmov $0xffff;
	v1 =	vshrl.u32 v2, $0x3;
	s18 =	sadd.s32 $0x54800, s6;
	s4 =	smax.u32 s1, $0x1;
	s6 =	simm.s32 $0x100  }
0x16: {  	v0 =	vand.u32 $0x7, v2;
	v2 =	vor.u32 $0x8, v2;
	v1 =	vmul.u32 $0x8, v1;
	s1 =	simm.s32 $0xF900;
	[dreg:$0x4] =	wrdreg s18;
	s18 =	simm.s32 $0x9100  }
.LBB2_1:
0x17: {  	s0 =	rddreg [dreg:$0x3]  }
0x18: {  	[tilespmem:s2], [sflag:$0x2] =	stream.linear.gather [hbm4b:s0+s2], $0x100, $0x38;
	[tilespmem:$0x10100] =	vst v63  }
0x19: {  	_ =	swait.ge [sflag:s5], $0x100  }
0x1a: {  	[sflag:s5] =	ssyncset.done $0x0  }
0x1b: {  	[sflag:s5] =	ssyncadd.s32 $0xFFFFFF00  }
0x1c: {  	v3 =	vld [tilespmem:$0x0];
	_ =	sdelay $0x4  }
0x1d: {  	v4 =	vshll.u32 v3, $0x1  }
0x1e: {  	v3 =	vand.u32 $0x7, v3;
	v4 =	vand.u32 $0xFFFFFFF0, v4  }
0x1f: {  	v3 =	vor.u32 v3, v4  }
0x20: {  	v4 =	vperm.xlane v3, v0;
	_ =	sdelay $0x1  }
0x21: {  	v3 =	vperm.xlane v3, v2;
	v4 =	vadd.s32 v1, v4;
	_ =	sdelay $0x1  }
0x22: {  	v3 =	vadd.s32 v1, v3;
	_ =	sdelay $0x2  }
0x23: {  	[tilespmem:s6], [sflag:$0x1] =	stream.indirect_vreg.gather [hbm4b:s3+s2], $0x80, v4, vm0, $0xb8;
	[tilespmem:$0x10100] =	vst v63  }
0x24: {  	s7 =	rddreg [dreg:$0x5]  }
0x25: {  	[tilespmem:s7], [sflag:$0x1] =	stream.indirect_vreg.gather [hbm4b:s3+s2], $0x80, v3, vm0, $0xb8;
	[tilespmem:$0x10100] =	vst v63  }
0x26: {  	v3 =	vld [tilespmem:$0x10];
	_ =	sdelay $0x4  }
0x27: {  	v49 =	vshll.u32 v3, $0x1  }
0x28: {  	v3 =	vand.u32 $0x7, v3;
	v4 =	vand.u32 $0xFFFFFFF0, v49  }
0x29: {  	v3 =	vor.u32 v3, v4  }
0x2a: {  	v4 =	vperm.xlane v3, v0;
	_ =	sdelay $0x1  }
0x2b: {  	v3 =	vperm.xlane v3, v2;
	v4 =	vadd.s32 v1, v4;
	_ =	sdelay $0x1  }
0x2c: {  	v3 =	vadd.s32 v1, v3;
	_ =	sdelay $0x1  }
0x2d: {  	s0 =	rddreg [dreg:$0x6]  }
0x2e: {  	[tilespmem:s0], [sflag:$0x1] =	stream.indirect_vreg.gather [hbm4b:s3+s2], $0x80, v4, vm0, $0xb8;
	[tilespmem:$0x10100] =	vst v63  }
0x2f: {  	s7 =	rddreg [dreg:$0x7]  }
0x30: {  	[tilespmem:s7], [sflag:$0x1] =	stream.indirect_vreg.gather [hbm4b:s3+s2], $0x80, v3, vm0, $0xb8;
	[tilespmem:$0x10100] =	vst v63  }
0x31: {  	v3 =	vld [tilespmem:$0x20];
	_ =	sdelay $0x4  }
0x32: {  	v50 =	vshll.u32 v3, $0x1  }
0x33: {  	v3 =	vand.u32 $0x7, v3;
	v4 =	vand.u32 $0xFFFFFFF0, v50  }
0x34: {  	v3 =	vor.u32 v3, v4  }
0x35: {  	v4 =	vperm.xlane v3, v0;
	_ =	sdelay $0x1  }
0x36: {  	v3 =	vperm.xlane v3, v2;
	v4 =	vadd.s32 v1, v4;
	_ =	sdelay $0x1  }
0x37: {  	v3 =	vadd.s32 v1, v3;
	_ =	sdelay $0x1  }
0x38: {  	s0 =	rddreg [dreg:$0x8]  }
0x39: {  	[tilespmem:s0], [sflag:$0x1] =	stream.indirect_vreg.gather [hbm4b:s3+s2], $0x80, v4, vm0, $0xb8;
	[tilespmem:$0x10100] =	vst v63  }
0x3a: {  	s7 =	rddreg [dreg:$0x9]  }
0x3b: {  	[tilespmem:s7], [sflag:$0x1] =	stream.indirect_vreg.gather [hbm4b:s3+s2], $0x80, v3, vm0, $0xb8;
	[tilespmem:$0x10100] =	vst v63  }
0x3c: {  	v3 =	vld [tilespmem:$0x30];
	_ =	sdelay $0x4  }
0x3d: {  	v51 =	vshll.u32 v3, $0x1  }
0x3e: {  	v3 =	vand.u32 $0x7, v3;
	v4 =	vand.u32 $0xFFFFFFF0, v51  }
0x3f: {  	v3 =	vor.u32 v3, v4  }
0x40: {  	v4 =	vperm.xlane v3, v0;
	_ =	sdelay $0x1  }
0x41: {  	v3 =	vperm.xlane v3, v2;
	v4 =	vadd.s32 v1, v4;
	_ =	sdelay $0x1  }
0x42: {  	v3 =	vadd.s32 v1, v3;
	_ =	sdelay $0x1  }
0x43: {  	s0 =	rddreg [dreg:$0xa]  }
0x44: {  	[tilespmem:s0], [sflag:$0x1] =	stream.indirect_vreg.gather [hbm4b:s3+s2], $0x80, v4, vm0, $0xb8;
	[tilespmem:$0x10100] =	vst v63  }
0x45: {  	s7 =	rddreg [dreg:$0xb]  }
0x46: {  	[tilespmem:s7], [sflag:$0x1] =	stream.indirect_vreg.gather [hbm4b:s3+s2], $0x80, v3, vm0, $0xb8;
	[tilespmem:$0x10100] =	vst v63  }
0x47: {  	v3 =	vld [tilespmem:$0x40];
	_ =	sdelay $0x4  }
0x48: {  	v52 =	vshll.u32 v3, $0x1  }
0x49: {  	v3 =	vand.u32 $0x7, v3;
	v4 =	vand.u32 $0xFFFFFFF0, v52  }
0x4a: {  	v3 =	vor.u32 v3, v4  }
0x4b: {  	v4 =	vperm.xlane v3, v0;
	_ =	sdelay $0x1  }
0x4c: {  	v3 =	vperm.xlane v3, v2;
	v4 =	vadd.s32 v1, v4;
	_ =	sdelay $0x1  }
0x4d: {  	v3 =	vadd.s32 v1, v3;
	_ =	sdelay $0x1  }
0x4e: {  	s7 =	simm.s32 $0x4100  }
0x4f: {  	[tilespmem:s7], [sflag:$0x1] =	stream.indirect_vreg.gather [hbm4b:s3+s2], $0x80, v4, vm0, $0xb8;
	[tilespmem:$0x10100] =	vst v63  }
0x50: {  	_ = 	snop  }
0x51: {  	[tilespmem:s8], [sflag:$0x1] =	stream.indirect_vreg.gather [hbm4b:s3+s2], $0x80, v3, vm0, $0xb8;
	[tilespmem:$0x10100] =	vst v63  }
0x52: {  	v3 =	vld [tilespmem:$0x50];
	_ =	sdelay $0x4  }
0x53: {  	v53 =	vshll.u32 v3, $0x1  }
0x54: {  	v3 =	vand.u32 $0x7, v3;
	v4 =	vand.u32 $0xFFFFFFF0, v53  }
0x55: {  	v3 =	vor.u32 v3, v4  }
0x56: {  	v4 =	vperm.xlane v3, v0;
	_ =	sdelay $0x1  }
0x57: {  	v3 =	vperm.xlane v3, v2;
	v4 =	vadd.s32 v1, v4;
	_ =	sdelay $0x1  }
0x58: {  	v3 =	vadd.s32 v1, v3;
	_ =	sdelay $0x2  }
0x59: {  	[tilespmem:s9], [sflag:$0x1] =	stream.indirect_vreg.gather [hbm4b:s3+s2], $0x80, v4, vm0, $0xb8;
	[tilespmem:$0x10100] =	vst v63  }
0x5a: {  	_ = 	snop  }
0x5b: {  	[tilespmem:s10], [sflag:$0x1] =	stream.indirect_vreg.gather [hbm4b:s3+s2], $0x80, v3, vm0, $0xb8;
	[tilespmem:$0x10100] =	vst v63  }
0x5c: {  	v3 =	vld [tilespmem:$0x60];
	_ =	sdelay $0x4  }
0x5d: {  	v54 =	vshll.u32 v3, $0x1  }
0x5e: {  	v3 =	vand.u32 $0x7, v3;
	v4 =	vand.u32 $0xFFFFFFF0, v54  }
0x5f: {  	v3 =	vor.u32 v3, v4  }
0x60: {  	v4 =	vperm.xlane v3, v0;
	_ =	sdelay $0x1  }
0x61: {  	v3 =	vperm.xlane v3, v2;
	v4 =	vadd.s32 v1, v4;
	_ =	sdelay $0x1  }
0x62: {  	v3 =	vadd.s32 v1, v3;
	_ =	sdelay $0x2  }
0x63: {  	[tilespmem:s11], [sflag:$0x1] =	stream.indirect_vreg.gather [hbm4b:s3+s2], $0x80, v4, vm0, $0xb8;
	[tilespmem:$0x10100] =	vst v63  }
0x64: {  	_ = 	snop  }
0x65: {  	[tilespmem:s12], [sflag:$0x1] =	stream.indirect_vreg.gather [hbm4b:s3+s2], $0x80, v3, vm0, $0xb8;
	[tilespmem:$0x10100] =	vst v63  }
0x66: {  	v3 =	vld [tilespmem:$0x70];
	_ =	sdelay $0x4  }
0x67: {  	v55 =	vshll.u32 v3, $0x1  }
0x68: {  	v3 =	vand.u32 $0x7, v3;
	v4 =	vand.u32 $0xFFFFFFF0, v55  }
0x69: {  	v3 =	vor.u32 v3, v4  }
0x6a: {  	v4 =	vperm.xlane v3, v0;
	_ =	sdelay $0x1  }
0x6b: {  	v3 =	vperm.xlane v3, v2;
	v4 =	vadd.s32 v1, v4;
	_ =	sdelay $0x1  }
0x6c: {  	v3 =	vadd.s32 v1, v3;
	_ =	sdelay $0x2  }
0x6d: {  	[tilespmem:s13], [sflag:$0x1] =	stream.indirect_vreg.gather [hbm4b:s3+s2], $0x80, v4, vm0, $0xb8;
	[tilespmem:$0x10100] =	vst v63  }
0x6e: {  	_ = 	snop  }
0x6f: {  	[tilespmem:s14], [sflag:$0x1] =	stream.indirect_vreg.gather [hbm4b:s3+s2], $0x80, v3, vm0, $0xb8;
	[tilespmem:$0x10100] =	vst v63  }
0x70: {  	_ =	swait.ge [sflag:s15], $0x8000  }
0x71: {  	[sflag:s15] =	ssyncset.done $0x0  }
0x72: {  	[sflag:s15] =	ssyncadd.s32 $0xFFFF8000  }
0x73: {  	v3 =	vld [tilespmem:$0x80];
	_ =	sdelay $0x4  }
0x74: {  	v56 =	vshll.u32 v3, $0x1  }
0x75: {  	v3 =	vand.u32 $0x7, v3;
	v4 =	vand.u32 $0xFFFFFFF0, v56  }
0x76: {  	v3 =	vor.u32 v3, v4  }
0x77: {  	v4 =	vperm.xlane v3, v0;
	_ =	sdelay $0x1  }
0x78: {  	v3 =	vperm.xlane v3, v2;
	v4 =	vadd.s32 v1, v4;
	_ =	sdelay $0x1  }
0x79: {  	v3 =	vadd.s32 v1, v3;
	_ =	sdelay $0x2  }
0x7a: {  	[tilespmem:s16], [sflag:$0x1] =	stream.indirect_vreg.gather [hbm4b:s3+s2], $0x80, v4, vm0, $0xb8;
	[tilespmem:$0x10100] =	vst v63  }
0x7b: {  	_ = 	snop  }
0x7c: {  	[tilespmem:s17], [sflag:$0x1] =	stream.indirect_vreg.gather [hbm4b:s3+s2], $0x80, v3, vm0, $0xb8;
	[tilespmem:$0x10100] =	vst v63  }
0x7d: {  	v3 =	vld [tilespmem:$0x90];
	_ =	sdelay $0x4  }
0x7e: {  	v57 =	vshll.u32 v3, $0x1  }
0x7f: {  	v3 =	vand.u32 $0x7, v3;
	v4 =	vand.u32 $0xFFFFFFF0, v57  }
0x80: {  	v3 =	vor.u32 v3, v4  }
0x81: {  	v4 =	vperm.xlane v3, v0;
	_ =	sdelay $0x1  }
0x82: {  	v3 =	vperm.xlane v3, v2;
	v4 =	vadd.s32 v1, v4;
	_ =	sdelay $0x1  }
0x83: {  	v3 =	vadd.s32 v1, v3;
	_ =	sdelay $0x2  }
0x84: {  	[tilespmem:s18], [sflag:$0x1] =	stream.indirect_vreg.gather [hbm4b:s3+s2], $0x80, v4, vm0, $0xb8;
	[tilespmem:$0x10100] =	vst v63  }
0x85: {  	_ = 	snop  }
0x86: {  	[tilespmem:s19], [sflag:$0x1] =	stream.indirect_vreg.gather [hbm4b:s3+s2], $0x80, v3, vm0, $0xb8;
	[tilespmem:$0x10100] =	vst v63  }
0x87: {  	v3 =	vld [tilespmem:$0xA0];
	_ =	sdelay $0x4  }
0x88: {  	v58 =	vshll.u32 v3, $0x1  }
0x89: {  	v3 =	vand.u32 $0x7, v3;
	v4 =	vand.u32 $0xFFFFFFF0, v58  }
0x8a: {  	v3 =	vor.u32 v3, v4  }
0x8b: {  	v4 =	vperm.xlane v3, v0;
	_ =	sdelay $0x1  }
0x8c: {  	v3 =	vperm.xlane v3, v2;
	v4 =	vadd.s32 v1, v4;
	_ =	sdelay $0x1  }
0x8d: {  	v3 =	vadd.s32 v1, v3;
	_ =	sdelay $0x2  }
0x8e: {  	[tilespmem:s20], [sflag:$0x1] =	stream.indirect_vreg.gather [hbm4b:s3+s2], $0x80, v4, vm0, $0xb8;
	[tilespmem:$0x10100] =	vst v63  }
0x8f: {  	_ = 	snop  }
0x90: {  	[tilespmem:s21], [sflag:$0x1] =	stream.indirect_vreg.gather [hbm4b:s3+s2], $0x80, v3, vm0, $0xb8;
	[tilespmem:$0x10100] =	vst v63  }
0x91: {  	v3 =	vld [tilespmem:$0xB0];
	_ =	sdelay $0x4  }
0x92: {  	v59 =	vshll.u32 v3, $0x1  }
0x93: {  	v3 =	vand.u32 $0x7, v3;
	v4 =	vand.u32 $0xFFFFFFF0, v59  }
0x94: {  	v3 =	vor.u32 v3, v4  }
0x95: {  	v4 =	vperm.xlane v3, v0;
	_ =	sdelay $0x1  }
0x96: {  	v3 =	vperm.xlane v3, v2;
	v4 =	vadd.s32 v1, v4;
	_ =	sdelay $0x1  }
0x97: {  	v3 =	vadd.s32 v1, v3;
	_ =	sdelay $0x2  }
0x98: {  	[tilespmem:s22], [sflag:$0x1] =	stream.indirect_vreg.gather [hbm4b:s3+s2], $0x80, v4, vm0, $0xb8;
	[tilespmem:$0x10100] =	vst v63  }
0x99: {  	_ = 	snop  }
0x9a: {  	[tilespmem:s23], [sflag:$0x1] =	stream.indirect_vreg.gather [hbm4b:s3+s2], $0x80, v3, vm0, $0xb8;
	[tilespmem:$0x10100] =	vst v63  }
0x9b: {  	v3 =	vld [tilespmem:$0xC0];
	_ =	sdelay $0x4  }
0x9c: {  	v60 =	vshll.u32 v3, $0x1  }
0x9d: {  	v3 =	vand.u32 $0x7, v3;
	v4 =	vand.u32 $0xFFFFFFF0, v60  }
0x9e: {  	v3 =	vor.u32 v3, v4  }
0x9f: {  	v4 =	vperm.xlane v3, v0;
	_ =	sdelay $0x1  }
0xa0: {  	v3 =	vperm.xlane v3, v2;
	v4 =	vadd.s32 v1, v4;
	_ =	sdelay $0x1  }
0xa1: {  	v3 =	vadd.s32 v1, v3;
	_ =	sdelay $0x2  }
0xa2: {  	[tilespmem:s24], [sflag:$0x1] =	stream.indirect_vreg.gather [hbm4b:s3+s2], $0x80, v4, vm0, $0xb8;
	[tilespmem:$0x10100] =	vst v63  }
0xa3: {  	_ = 	snop  }
0xa4: {  	[tilespmem:s25], [sflag:$0x1] =	stream.indirect_vreg.gather [hbm4b:s3+s2], $0x80, v3, vm0, $0xb8;
	[tilespmem:$0x10100] =	vst v63  }
0xa5: {  	v3 =	vld [tilespmem:$0xD0];
	_ =	sdelay $0x4  }
0xa6: {  	v61 =	vshll.u32 v3, $0x1  }
0xa7: {  	v3 =	vand.u32 $0x7, v3;
	v4 =	vand.u32 $0xFFFFFFF0, v61  }
0xa8: {  	v3 =	vor.u32 v3, v4  }
0xa9: {  	v4 =	vperm.xlane v3, v0;
	_ =	sdelay $0x1  }
0xaa: {  	v3 =	vperm.xlane v3, v2;
	v4 =	vadd.s32 v1, v4;
	_ =	sdelay $0x1  }
0xab: {  	v3 =	vadd.s32 v1, v3;
	_ =	sdelay $0x2  }
0xac: {  	[tilespmem:s26], [sflag:$0x1] =	stream.indirect_vreg.gather [hbm4b:s3+s2], $0x80, v4, vm0, $0xb8;
	[tilespmem:$0x10100] =	vst v63  }
0xad: {  	_ = 	snop  }
0xae: {  	[tilespmem:s28], [sflag:$0x1] =	stream.indirect_vreg.gather [hbm4b:s3+s2], $0x80, v3, vm0, $0xb8;
	[tilespmem:$0x10100] =	vst v63  }
0xaf: {  	v3 =	vld [tilespmem:$0xE0];
	_ =	sdelay $0x4  }
0xb0: {  	v62 =	vshll.u32 v3, $0x1  }
0xb1: {  	v3 =	vand.u32 $0x7, v3;
	v4 =	vand.u32 $0xFFFFFFF0, v62  }
0xb2: {  	v3 =	vor.u32 v3, v4  }
0xb3: {  	v4 =	vperm.xlane v3, v0;
	_ =	sdelay $0x1  }
0xb4: {  	v3 =	vperm.xlane v3, v2;
	v4 =	vadd.s32 v1, v4;
	_ =	sdelay $0x1  }
0xb5: {  	v3 =	vadd.s32 v1, v3;
	_ =	sdelay $0x2  }
0xb6: {  	[tilespmem:s29], [sflag:$0x1] =	stream.indirect_vreg.gather [hbm4b:s3+s2], $0x80, v4, vm0, $0xb8;
	[tilespmem:$0x10100] =	vst v63  }
0xb7: {  	_ = 	snop  }
0xb8: {  	[tilespmem:s30], [sflag:$0x1] =	stream.indirect_vreg.gather [hbm4b:s3+s2], $0x80, v3, vm0, $0xb8;
	[tilespmem:$0x10100] =	vst v63  }
0xb9: {  	v3 =	vld [tilespmem:$0xF0];
	_ =	sdelay $0x4  }
0xba: {  	v63 =	vshll.u32 v3, $0x1  }
0xbb: {  	v3 =	vand.u32 $0x7, v3;
	v4 =	vand.u32 $0xFFFFFFF0, v63  }
0xbc: {  	v3 =	vor.u32 v3, v4  }
0xbd: {  	v4 =	vperm.xlane v3, v0;
	_ =	sdelay $0x1  }
0xbe: {  	v3 =	vperm.xlane v3, v2;
	v4 =	vadd.s32 v1, v4;
	_ =	sdelay $0x1  }
0xbf: {  	v3 =	vadd.s32 v1, v3;
	_ =	sdelay $0x2  }
0xc0: {  	[tilespmem:s31], [sflag:$0x1] =	stream.indirect_vreg.gather [hbm4b:s3+s2], $0x80, v4, vm0, $0xb8;
	[tilespmem:$0x10100] =	vst v63  }
0xc1: {  	_ = 	snop  }
0xc2: {  	[tilespmem:s1], [sflag:$0x1] =	stream.indirect_vreg.gather [hbm4b:s3+s2], $0x80, v3, vm0, $0xb8;
	[tilespmem:$0x10100] =	vst v63  }
0xc3: {  	_ =	swait.ge [sflag:s15], $0x8000  }
0xc4: {  	p0 =	sne.s32 s4, $0x1;
	[sflag:s15] =	ssyncset.done $0x0  }
.Ltmp0:
0xc5: {  	s7 =	rddreg [dreg:$0x4];
	[sflag:s15] =	ssyncadd.s32 $0xFFFF8000;
	(pc) =	sbr.rel @p0 .LBB2_1-.Ltmp0, $4  }
0xc6: {  	[hbm4b:s7+s2] =	stream.linear.scatter [tilespmem:s6], [sflag:$0x2], $0x10000, $0x38;
	[tilespmem:$0x10100] =	vst v63  }
0xc7: {  	_ =	swait.ge [sflag:s5], $0x10000  }
0xc8: {  	[sflag:s5] =	ssyncset.done $0x0  }
0xc9: {  	s4 =	sadd.s32 $0xFFFFFFFF, s4;
	[sflag:s5] =	ssyncadd.s32 $0xFFFF0000  }
0xca: {  	_ =	sfence.sel $0x180000  }
0xcb: {  	[bflag:$0x0] =	sbarrier.arrive $0xFFFF  }
0xcc: {  	_ =	strace $0x90000050  }
0xcd: {  	s0 =	stileid.u32;
	[bflag:$0x2] =	sbarrier.arrive $0xFFFF  }
0xce: {  	p0 =	sne.s32 s0, $0x0;
	s0 =	rddreg [dreg:$0x2]  }
0xcf: {  	s0 =	sadd.s32 @!p0 $0x100000, s0  }
0xd0: {  	[sflag:s0] =	ssyncadd.tile.s32 @!p0 $0x1;
	_ =	shalt  }
.Lfunc_end2:
_tile_overlayer_lowered:
.L_overlay_start_2:
0xd1: {  	(tag) =	ssettag $0x2  }
0xd2: {  	s0 =	rddreg [dreg:$0x0];
	s2 =	stileid.u32  }
0xd3: {  	s1 =	rddreg [dreg:$0x1];
	p0 =	sne.s32 s2, $0x0  }
0xd4: {  	s3 =	rddreg [dreg:$0x2];
	[bflag:$0x3] =	sbarrier.arrive $0xFFFF;
	s2 =	simm.s32 @!p0 $0x1C02  }
0xd5: {  	[timem:s3], [sflag:s2] =	dma.local @!p0 [hbm:s0], s1  }
0xd6: {  	s0 =	simm.s32 @!p0 $0x2  }
0xd7: {  	_ =	swait.ge @!p0 [sflag:s0], s1  }
0xd8: {  	s1 =	ssub.s32 @!p0 $0x0, s1;
	[sflag:s0] =	ssyncset.done @!p0 $0x0  }
0xd9: {  	[sflag:s0] =	ssyncadd.s32 @!p0 s1  }
0xda: {  	[bflag:$0x3] =	sbarrier.arrive $0xFFFF  }
0xdb: {  	_ =	shalt  }

</sc_bundles>
